<compile_context>
chip_gen: v7x
topology: tpu7x:2x2x1
jax: 0.10.2.dev20260603
libtpu: 0.0.44.dev20260713+nightly
codegen_flags: <defaults>
</compile_context>

<pallas_src>
import functools

import jax
import jax.numpy as jnp
from jax import lax
from jax.experimental import pallas as pl
from jax.experimental.pallas import tpu as pltpu
from jax.experimental.pallas import tpu_sc as plsc

SMALL = 1e-16
CH = 128
NS = 16
NC = 2
BM = 512
KC = 16



def _sc_mesh():
    return plsc.VectorSubcoreMesh(core_axis_name="c", subcore_axis_name="s")


@functools.lru_cache(maxsize=None)
def _deg_sc(n_pad, n_ops):

    def body(src_hbm, ones_hbm, z_hbm, deg_o, src_v, ones_v, acc, sem):
        c = lax.axis_index("c")
        s = lax.axis_index("s")
        rps = n_pad // NS

        @pl.when(c == 0)
        def _():
            pltpu.sync_copy(src_hbm.at[pl.ds(s * n_ops, n_ops)], src_v)
            pltpu.sync_copy(ones_hbm, ones_v)
            pltpu.sync_copy(z_hbm.at[pl.ds(s * rps, rps)],
                            acc.at[pl.ds(s * rps, rps)])
            plsc.subcore_barrier()

            k = 8

            def group(g, carry):
                base = g * k
                for t in range(k):
                    pltpu.async_copy(ones_v, acc.at[src_v.at[base + t]],
                                     sem, add=True)
                for t in range(k):
                    pltpu.make_async_copy(ones_v, acc.at[src_v.at[base + t]],
                                          sem).wait()
                return carry

            lax.fori_loop(0, n_ops // k, group, 0)
            for j in range((n_ops // k) * k, n_ops):
                pltpu.sync_copy(ones_v, acc.at[src_v.at[j]], add=True)

            plsc.subcore_barrier()
            pltpu.sync_copy(acc.at[pl.ds(s * rps, rps)],
                            deg_o.at[pl.ds(s * rps, rps)])

    return pl.kernel(
        body,
        out_type=[jax.ShapeDtypeStruct((n_pad,), jnp.float32)],
        mesh=_sc_mesh(),
        scratch_types=[
            pltpu.VMEM((n_ops, CH), jnp.int32),
            pltpu.VMEM((CH,), jnp.float32),
            pltpu.VMEM_SHARED((n_pad,), jnp.float32),
            pltpu.SemaphoreType.DMA,
        ],
    )


def _spmm_chunk_loop(t_of, src_hbm, dst_hbm, acc, src_c, dst_c,
                     bufa, bufb, sa, sb, row0, n_my):

    def fire(j, buf, sem):
        pltpu.async_copy(t_of.at[src_c.at[j]], buf, sem)

    def wait(j, buf, sem):
        pltpu.make_async_copy(t_of.at[src_c.at[j]], buf, sem).wait()

    def chunk(q, carry):
        off = row0 + q * KC
        pltpu.sync_copy(src_hbm.at[pl.ds(off, KC)], src_c)
        pltpu.sync_copy(dst_hbm.at[pl.ds(off, KC)], dst_c)
        fire(0, bufa, sa)

        def step(h, carry2):
            j = 2 * h
            wait(j, bufa, sa)
            fire(j + 1, bufb, sb)
            pltpu.sync_copy(bufa, acc.at[dst_c.at[j]], add=True)
            wait(j + 1, bufb, sb)

            @pl.when(j + 2 < KC)
            def _():
                fire(j + 2, bufa, sa)

            pltpu.sync_copy(bufb, acc.at[dst_c.at[j + 1]], add=True)
            return carry2

        lax.fori_loop(0, KC // 2, step, 0)
        return carry

    lax.fori_loop(0, n_my // KC, chunk, 0)


@functools.lru_cache(maxsize=None)
def _spmm_es_sc(n_pad, n_ops):

    def body(src_hbm, dst_hbm, t, z_hbm, o0, o1,
             src_c, dst_c, bufa, bufb, acc, sa, sb):
        c = lax.axis_index("c")
        s = lax.axis_index("s")
        rps = n_pad // NS
        n_half = n_ops // 2

        pltpu.sync_copy(z_hbm.at[pl.ds(s * rps, rps)],
                        acc.at[pl.ds(s * rps, rps)])
        plsc.subcore_barrier()

        _spmm_chunk_loop(t, src_hbm, dst_hbm, acc, src_c, dst_c,
                         bufa, bufb, sa, sb,
                         s * n_ops + c * n_half, n_half)
        plsc.subcore_barrier()

        @pl.when(c == 0)
        def _():
            pltpu.sync_copy(acc.at[pl.ds(s * rps, rps)],
                            o0.at[pl.ds(s * rps, rps)])

        @pl.when(c == 1)
        def _():
            pltpu.sync_copy(acc.at[pl.ds(s * rps, rps)],
                            o1.at[pl.ds(s * rps, rps)])

    return pl.kernel(
        body,
        out_type=[jax.ShapeDtypeStruct((n_pad, 128), jnp.float32)] * 2,
        mesh=_sc_mesh(),
        scratch_types=[
            pltpu.VMEM((KC, CH), jnp.int32),
            pltpu.VMEM((KC, CH), jnp.int32),
            pltpu.VMEM((CH, 128), jnp.float32),
            pltpu.VMEM((CH, 128), jnp.float32),
            pltpu.VMEM_SHARED((n_pad, 128), jnp.float32),
            pltpu.SemaphoreType.DMA,
            pltpu.SemaphoreType.DMA,
        ],
    )


@functools.lru_cache(maxsize=None)
def _spmm_cs_sc(n_pad, n_ops, fh):

    def body(src_hbm, dst_hbm, t0, t1, z_hbm, o0, o1,
             src_c, dst_c, bufa, bufb, acc, sa, sb):
        c = lax.axis_index("c")
        s = lax.axis_index("s")
        rps = n_pad // NS

        pltpu.sync_copy(z_hbm.at[pl.ds(s * rps, rps)],
                        acc.at[pl.ds(s * rps, rps)])
        plsc.subcore_barrier()

        @pl.when(c == 0)
        def _():
            _spmm_chunk_loop(t0, src_hbm, dst_hbm, acc, src_c, dst_c,
                             bufa, bufb, sa, sb, s * n_ops, n_ops)

        @pl.when(c == 1)
        def _():
            _spmm_chunk_loop(t1, src_hbm, dst_hbm, acc, src_c, dst_c,
                             bufa, bufb, sa, sb, s * n_ops, n_ops)

        plsc.subcore_barrier()

        @pl.when(c == 0)
        def _():
            pltpu.sync_copy(acc.at[pl.ds(s * rps, rps)],
                            o0.at[pl.ds(s * rps, rps)])

        @pl.when(c == 1)
        def _():
            pltpu.sync_copy(acc.at[pl.ds(s * rps, rps)],
                            o1.at[pl.ds(s * rps, rps)])

    return pl.kernel(
        body,
        out_type=[jax.ShapeDtypeStruct((n_pad, fh), jnp.float32)] * 2,
        mesh=_sc_mesh(),
        scratch_types=[
            pltpu.VMEM((KC, CH), jnp.int32),
            pltpu.VMEM((KC, CH), jnp.int32),
            pltpu.VMEM((CH, fh), jnp.float32),
            pltpu.VMEM((CH, fh), jnp.float32),
            pltpu.VMEM_SHARED((n_pad, fh), jnp.float32),
            pltpu.SemaphoreType.DMA,
            pltpu.SemaphoreType.DMA,
        ],
    )



def _mm1_body(x_ref, w_ref, d_ref, o_ref):
    r = lax.rsqrt(d_ref[...] + SMALL)
    xw = jnp.dot(x_ref[...], w_ref[...], preferred_element_type=jnp.float32)
    o_ref[...] = xw * r


def _mm2_body(h0_ref, h1_ref, d_ref, w_ref, o0_ref, o1_ref):
    r = lax.rsqrt(d_ref[...] + SMALL)
    h = (h0_ref[...] + h1_ref[...]) * r
    hw = jnp.dot(h, w_ref[...], preferred_element_type=jnp.float32) * r
    o0_ref[...] = hw[:, :128]
    o1_ref[...] = hw[:, 128:]


def _mm3_body(a0_ref, a1_ref, d_ref, wm_ref, ws_ref, wp_ref, wa_ref,
              bm_ref, bs_ref, bp_ref, ba_ref,
              om_ref, os_ref, op_ref, oa_ref):
    r = lax.rsqrt(d_ref[...] + SMALL)
    a = jnp.concatenate([a0_ref[...], a1_ref[...]], axis=1) * r
    sg = jax.nn.sigmoid(a)
    om_ref[...] = jnp.dot(sg[:, 0:64], wm_ref[...],
                          preferred_element_type=jnp.float32) + bm_ref[...]
    os_ref[...] = jnp.dot(sg[:, 64:128], ws_ref[...],
                          preferred_element_type=jnp.float32) + bs_ref[...]
    op_ref[...] = jnp.dot(sg[:, 128:192], wp_ref[...],
                          preferred_element_type=jnp.float32) + bp_ref[...]
    t = jnp.dot(sg[:, 192:256], wa_ref[...],
                preferred_element_type=jnp.float32) + ba_ref[...]
    oa_ref[...] = jnp.maximum(t, 0.0) + jnp.log1p(jnp.exp(-jnp.abs(t)))


def _row_spec(cols):
    return pl.BlockSpec((BM, cols), lambda i: (i, 0))


def _full_spec(shape):
    return pl.BlockSpec(shape, lambda i: (0,) * len(shape))


@functools.lru_cache(maxsize=None)
def _mm1(n_pad):
    return pl.pallas_call(
        _mm1_body,
        grid=(n_pad // BM,),
        in_specs=[_row_spec(128), _full_spec((128, 128)), _row_spec(1)],
        out_specs=_row_spec(128),
        out_shape=jax.ShapeDtypeStruct((n_pad, 128), jnp.float32),
        compiler_params=pltpu.CompilerParams(
            dimension_semantics=("parallel",)),
    )


@functools.lru_cache(maxsize=None)
def _mm2(n_pad):
    return pl.pallas_call(
        _mm2_body,
        grid=(n_pad // BM,),
        in_specs=[_row_spec(128), _row_spec(128), _row_spec(1),
                  _full_spec((128, 256))],
        out_specs=[_row_spec(128), _row_spec(128)],
        out_shape=[jax.ShapeDtypeStruct((n_pad, 128), jnp.float32)] * 2,
        compiler_params=pltpu.CompilerParams(
            dimension_semantics=("parallel",)),
    )


@functools.lru_cache(maxsize=None)
def _mm3(n_pad):
    return pl.pallas_call(
        _mm3_body,
        grid=(n_pad // BM,),
        in_specs=[_row_spec(128), _row_spec(128), _row_spec(1)]
        + [_full_spec((64, 64))] * 4 + [_full_spec((1, 64))] * 4,
        out_specs=[_row_spec(64)] * 4,
        out_shape=[jax.ShapeDtypeStruct((n_pad, 64), jnp.float32)] * 4,
        compiler_params=pltpu.CompilerParams(
            dimension_semantics=("parallel",)),
    )



def kernel(x, edge_index, W0, Wm, Ws, Wp, Wa, Dm, bm, Ds, bs, Dp, bp, Da, ba):
    n, d_feat = x.shape
    e = edge_index.shape[1]

    n_pad = ((n + 2047) // 2048) * 2048
    e_blk = NS * CH
    n_ops = -(-e // e_blk)
    n_ops = ((n_ops + 2 * KC - 1) // (2 * KC)) * (2 * KC)
    e_pad = n_ops * e_blk

    src = edge_index[0].astype(jnp.int32)
    dst = edge_index[1].astype(jnp.int32)
    fill = jnp.full((e_pad - e,), n, jnp.int32)
    src_p = jnp.concatenate([src, fill]).reshape(NS * n_ops, CH)
    dst_p = jnp.concatenate([dst, fill]).reshape(NS * n_ops, CH)

    x_pad = jnp.zeros((n_pad, d_feat), jnp.float32).at[:n].set(
        x.astype(jnp.float32))
    ones = jnp.ones((CH,), jnp.float32)
    z1 = jnp.zeros((n_pad,), jnp.float32)
    z128 = jnp.zeros((n_pad, 128), jnp.float32)
    wcat = jnp.concatenate([Wm, Ws, Wp, Wa], axis=1)

    (deg,) = _deg_sc(n_pad, n_ops)(src_p, ones, z1)
    deg2 = deg.reshape(n_pad, 1)

    t = _mm1(n_pad)(x_pad, W0, deg2)
    h0, h1 = _spmm_es_sc(n_pad, n_ops)(src_p, dst_p, t, z128)
    g0, g1 = _mm2(n_pad)(h0, h1, deg2, wcat)
    a0, a1 = _spmm_cs_sc(n_pad, n_ops, 128)(src_p, dst_p, g0, g1, z128)
    zm, zs, zp, za = _mm3(n_pad)(
        a0, a1, deg2, Dm, Ds, Dp, Da,
        bm.reshape(1, 64), bs.reshape(1, 64),
        bp.reshape(1, 64), ba.reshape(1, 64))

    return (zm[:n], zs[:n], zp[:n], za[:n])

# --- scband reference (transcript-rebuilt; emitter-appended) ---
"""Pipeline reference for scband-dlsm-11836929868271 (READ-ONLY COPY).

The authoritative reference and input builder live on the scoring server;
editing this copy changes nothing except your own understanding.
"""

import jax, jax.numpy as jnp
import numpy as np

SMALL = 1e-16
N_NODES = 10000
D_FEAT = 128
N_EDGES = 320000
H1 = 128
H2 = 64
DOUT = 64


def setup_inputs(seed: int = 0) -> dict:
    key = jax.random.key(seed)
    ks = jax.random.split(key, 16)

    def w(k, shape):
        return (jax.random.normal(k, shape, dtype=jnp.float32) * (1.0 / np.sqrt(shape[0]))).astype(jnp.float32)

    inp = {}
    inp["x"] = jax.random.normal(ks[0], (N_NODES, D_FEAT), dtype=jnp.float32)
    inp["edge_index"] = jax.random.randint(ks[1], (2, N_EDGES), 0, N_NODES, dtype=jnp.int32).astype(jnp.int64)
    # layer-0 sparse graph conv weight (input_dim -> encoder_layers[0])
    inp["W0"] = w(ks[2], (D_FEAT, H1))
    # layer-1 graph conv weights for the four posterior branches (undirected, FLAGS.directed=0)
    inp["Wm"] = w(ks[3], (H1, H2))
    inp["Ws"] = w(ks[4], (H1, H2))
    inp["Wp"] = w(ks[5], (H1, H2))
    inp["Wa"] = w(ks[6], (H1, H2))
    # FullConnection heads (encoder_layer -> decoder_layers[0])
    inp["Dm"] = w(ks[7], (H2, DOUT))
    inp["bm"] = jnp.zeros((DOUT,), jnp.float32)
    inp["Ds"] = w(ks[8], (H2, DOUT))
    inp["bs"] = jnp.zeros((DOUT,), jnp.float32)
    inp["Dp"] = w(ks[9], (H2, DOUT))
    inp["bp"] = jnp.zeros((DOUT,), jnp.float32)
    inp["Da"] = w(ks[10], (H2, DOUT))
    inp["ba"] = jnp.zeros((DOUT,), jnp.float32)
    return inp


def _gcn(x, src, dst, W, act):
    # GraphConvolution: act(D^{-1/2} A D^{-1/2} (x @ W)) implemented as
    # edge gather + normalized message + scatter-add (SparseCore-friendly).
    n = x.shape[0]
    deg = jnp.zeros((n,), jnp.float32).at[src].add(1.0)
    norm = 1.0 / (jnp.sqrt(deg[src] + SMALL) * jnp.sqrt(deg[dst] + SMALL))
    m = jnp.take(x @ W, src, axis=0) * norm[:, None]
    agg = jnp.zeros((n, W.shape[1]), jnp.float32).at[dst].add(m)
    return act(agg)


def reference(x, edge_index, W0, Wm, Ws, Wp, Wa, Dm, bm, Ds, bs, Dp, bp, Da, ba):
    src = edge_index[0]
    dst = edge_index[1]
    # encoder layer 0: GraphConvolutionSparse with identity activation; dropout=0 (eval)
    h = _gcn(x, src, dst, W0, lambda t: t)
    # encoder layer 1: four sigmoid graph-conv branches (semisup_train=False -> sigmoid)
    act = jax.nn.sigmoid
    h_mean = _gcn(h, src, dst, Wm, act)
    h_std = _gcn(h, src, dst, Ws, act)
    h_pi = _gcn(h, src, dst, Wp, act)
    h_alpha = _gcn(h, src, dst, Wa, act)
    # FullConnection heads producing posterior theta params
    z_mean = h_mean @ Dm + bm
    z_std = h_std @ Ds + bs
    pi_logit = h_pi @ Dp + bp
    alpha_gam = jax.nn.softplus(h_alpha @ Da + ba)
    return (z_mean, z_std, pi_logit, alpha_gam)

if __name__ == "__main__":
    import jax
    _d = setup_inputs()
    print(jax.jit(kernel)(*tuple(_d.values())))

</pallas_src>

<mosaic_0001>
#map = affine_map<(d0, d1) -> (0, 0)>
module attributes {stable_mosaic.version = 14 : i64} {
  func.func @body(%arg0: i32, %arg1: i32, %arg2: memref<2560x128xi32, #tpu.memory_space<hbm>>, %arg3: memref<2560x128xi32, #tpu.memory_space<hbm>>, %arg4: memref<10240x128xf32, #tpu.memory_space<hbm>>, %arg5: memref<10240x128xf32, #tpu.memory_space<hbm>>, %arg6: memref<10240x128xf32, #tpu.memory_space<hbm>>, %arg7: memref<10240x128xf32, #tpu.memory_space<hbm>>, %arg8: memref<16x128xi32, #tpu.memory_space<vmem>>, %arg9: memref<16x128xi32, #tpu.memory_space<vmem>>, %arg10: memref<128x128xf32, #tpu.memory_space<vmem>>, %arg11: memref<128x128xf32, #tpu.memory_space<vmem>>, %arg12: memref<10240x128xf32, #tpu.memory_space<vmem_shared>>, %arg13: memref<!tpu.dma_semaphore, #tpu.memory_space<semaphore_mem>>, %arg14: memref<!tpu.dma_semaphore, #tpu.memory_space<semaphore_mem>>) attributes {dimension_semantics = [#tpu.dimension_semantics<core_parallel>, #tpu.dimension_semantics<subcore_parallel>], iteration_bounds = array<i64: 2, 16>, scalar_prefetch = 0 : i64, scratch_operands = 7 : i64, tpu.core_type = #tpu.core_type<sc_vector_subcore>, window_params = [{transform_indices = #map}, {transform_indices = #map}, {transform_indices = #map}, {transform_indices = #map}, {transform_indices = #map}, {transform_indices = #map}]} {
    %mul3A = arith.constant 640 : i32
    %mul3A_0 = arith.muli %arg1, %mul3A : i32
    %mul3A_1 = arith.constant 640 : i32
    %mul3A_2 = arith.muli %arg1, %mul3A_1 : i32
    "tpu.region"() ({
      %run_scoped3A = tpu.sem_alloc : memref<!tpu.dma_semaphore, #tpu.memory_space<semaphore_mem>>
      %dma_start3A = arith.constant 0 : i32
      %dma_start3A_20 = tpu.memref_slice %arg12[%mul3A_2, %dma_start3A] : memref<10240x128xf32, #tpu.memory_space<vmem_shared>> -> memref<640x128xf32, #tpu.memory_space<vmem_shared>>
      %dma_start3A_21 = arith.constant 0 : i32
      %dma_start3A_22 = tpu.memref_slice %arg5[%mul3A_0, %dma_start3A_21] : memref<10240x128xf32, #tpu.memory_space<hbm>> -> memref<640x128xf32, #tpu.memory_space<hbm>>
      tpu.enqueue_dma source(%dma_start3A_22 : memref<640x128xf32, #tpu.memory_space<hbm>>) target(%dma_start3A_20 : memref<640x128xf32, #tpu.memory_space<vmem_shared>>) target_semaphore(%run_scoped3A : memref<!tpu.dma_semaphore, #tpu.memory_space<semaphore_mem>>)
      %dma_wait3A = arith.constant 0 : i32
      %dma_wait3A_23 = tpu.memref_slice %arg12[%mul3A_2, %dma_wait3A] : memref<10240x128xf32, #tpu.memory_space<vmem_shared>> -> memref<640x128xf32, #tpu.memory_space<vmem_shared>>
      %dma_wait3A_24 = arith.constant 0 : i32
      %dma_wait3A_25 = tpu.memref_slice %arg5[%mul3A_0, %dma_wait3A_24] : memref<10240x128xf32, #tpu.memory_space<hbm>> -> memref<640x128xf32, #tpu.memory_space<hbm>>
      tpu.wait_dma2 semaphore(%run_scoped3A : memref<!tpu.dma_semaphore, #tpu.memory_space<semaphore_mem>>) src(%dma_wait3A_25 : memref<640x128xf32, #tpu.memory_space<hbm>>) dst(%dma_wait3A_23 : memref<640x128xf32, #tpu.memory_space<vmem_shared>>)
      tpu.yield
    }) : () -> ()
    %barrier3A = arith.constant 0 : index
    tpu.barrier barrier_id(%barrier3A)
    %mul3A_3 = arith.constant 160 : i32
    %mul3A_4 = arith.muli %arg1, %mul3A_3 : i32
    %mul3A_5 = arith.constant 80 : i32
    %mul3A_6 = arith.muli %arg0, %mul3A_5 : i32
    %add3A = arith.addi %mul3A_4, %mul3A_6 : i32
    %scan3A = arith.constant 0 : i32
    %scan3A_7 = arith.constant 0 : i32
    %scan3A_8 = arith.constant 5 : i32
    %scan3A_9 = arith.addi %scan3A_7, %scan3A_8 : i32
    %scan3A_10 = arith.constant 1 : i32
    scf.for %scan3A_20 = %scan3A_7 to %scan3A_9 step %scan3A_10  : i32 {
      %mul3A_21 = arith.constant 16 : i32
      %mul3A_22 = arith.muli %scan3A_20, %mul3A_21 : i32
      %add3A_23 = arith.addi %add3A, %mul3A_22 : i32
      "tpu.region"() ({
        %run_scoped3A = tpu.sem_alloc : memref<!tpu.dma_semaphore, #tpu.memory_space<semaphore_mem>>
        %dma_start3A_36 = arith.constant 0 : i32
        %dma_start3A_37 = tpu.memref_slice %arg2[%add3A_23, %dma_start3A_36] : memref<2560x128xi32, #tpu.memory_space<hbm>> -> memref<16x128xi32, #tpu.memory_space<hbm>>
        %dma_start3A_38 = arith.constant 0 : i32
        %dma_start3A_39 = tpu.memref_slice %arg2[%add3A_23, %dma_start3A_38] : memref<2560x128xi32, #tpu.memory_space<hbm>> -> memref<16x128xi32, #tpu.memory_space<hbm>>
        tpu.enqueue_dma source(%dma_start3A_39 : memref<16x128xi32, #tpu.memory_space<hbm>>) target(%arg8 : memref<16x128xi32, #tpu.memory_space<vmem>>) target_semaphore(%run_scoped3A : memref<!tpu.dma_semaphore, #tpu.memory_space<semaphore_mem>>)
        %dma_wait3A = arith.constant 0 : i32
        %dma_wait3A_40 = tpu.memref_slice %arg2[%add3A_23, %dma_wait3A] : memref<2560x128xi32, #tpu.memory_space<hbm>> -> memref<16x128xi32, #tpu.memory_space<hbm>>
        %dma_wait3A_41 = arith.constant 0 : i32
        %dma_wait3A_42 = tpu.memref_slice %arg2[%add3A_23, %dma_wait3A_41] : memref<2560x128xi32, #tpu.memory_space<hbm>> -> memref<16x128xi32, #tpu.memory_space<hbm>>
        tpu.wait_dma2 semaphore(%run_scoped3A : memref<!tpu.dma_semaphore, #tpu.memory_space<semaphore_mem>>) src(%dma_wait3A_42 : memref<16x128xi32, #tpu.memory_space<hbm>>) dst(%arg8 : memref<16x128xi32, #tpu.memory_space<vmem>>)
        tpu.yield
      }) : () -> ()
      "tpu.region"() ({
        %run_scoped3A = tpu.sem_alloc : memref<!tpu.dma_semaphore, #tpu.memory_space<semaphore_mem>>
        %dma_start3A_36 = arith.constant 0 : i32
        %dma_start3A_37 = tpu.memref_slice %arg3[%add3A_23, %dma_start3A_36] : memref<2560x128xi32, #tpu.memory_space<hbm>> -> memref<16x128xi32, #tpu.memory_space<hbm>>
        %dma_start3A_38 = arith.constant 0 : i32
        %dma_start3A_39 = tpu.memref_slice %arg3[%add3A_23, %dma_start3A_38] : memref<2560x128xi32, #tpu.memory_space<hbm>> -> memref<16x128xi32, #tpu.memory_space<hbm>>
        tpu.enqueue_dma source(%dma_start3A_39 : memref<16x128xi32, #tpu.memory_space<hbm>>) target(%arg9 : memref<16x128xi32, #tpu.memory_space<vmem>>) target_semaphore(%run_scoped3A : memref<!tpu.dma_semaphore, #tpu.memory_space<semaphore_mem>>)
        %dma_wait3A = arith.constant 0 : i32
        %dma_wait3A_40 = tpu.memref_slice %arg3[%add3A_23, %dma_wait3A] : memref<2560x128xi32, #tpu.memory_space<hbm>> -> memref<16x128xi32, #tpu.memory_space<hbm>>
        %dma_wait3A_41 = arith.constant 0 : i32
        %dma_wait3A_42 = tpu.memref_slice %arg3[%add3A_23, %dma_wait3A_41] : memref<2560x128xi32, #tpu.memory_space<hbm>> -> memref<16x128xi32, #tpu.memory_space<hbm>>
        tpu.wait_dma2 semaphore(%run_scoped3A : memref<!tpu.dma_semaphore, #tpu.memory_space<semaphore_mem>>) src(%dma_wait3A_42 : memref<16x128xi32, #tpu.memory_space<hbm>>) dst(%arg9 : memref<16x128xi32, #tpu.memory_space<vmem>>)
        tpu.yield
      }) : () -> ()
      %dma_start3A = arith.constant 0 : i32
      %dma_start3A_24 = arith.constant 0 : i32
      %dma_start3A_25 = tpu.memref_slice %arg8[%dma_start3A, %dma_start3A_24] : memref<16x128xi32, #tpu.memory_space<vmem>> -> memref<1x128xi32, #tpu.memory_space<vmem>>
      %dma_start3A_26 = tpu.memref_squeeze %dma_start3A_25 : memref<1x128xi32, #tpu.memory_space<vmem>> -> memref<128xi32, #tpu.memory_space<vmem>>
      %dma_start3A_27 = arith.constant 0 : i32
      %dma_start3A_28 = arith.constant 0 : i32
      %dma_start3A_29 = tpu.memref_slice %arg4[%dma_start3A_27, %dma_start3A_28] : memref<10240x128xf32, #tpu.memory_space<hbm>> -> memref<10240x128xf32, #tpu.memory_space<hbm>>
      tpu.enqueue_indirect_dma source(%dma_start3A_29 : memref<10240x128xf32, #tpu.memory_space<hbm>>) target(%arg10 : memref<128x128xf32, #tpu.memory_space<vmem>>) offsets(%dma_start3A_26 : memref<128xi32, #tpu.memory_space<vmem>>) semaphore(%arg13 : memref<!tpu.dma_semaphore, #tpu.memory_space<semaphore_mem>>)
      %scan3A_30 = arith.constant 0 : i32
      %scan3A_31 = arith.constant 0 : i32
      %scan3A_32 = arith.constant 8 : i32
      %scan3A_33 = arith.addi %scan3A_31, %scan3A_32 : i32
      %scan3A_34 = arith.constant 1 : i32
      scf.for %scan3A_36 = %scan3A_31 to %scan3A_33 step %scan3A_34  : i32 {
        %mul3A_37 = arith.constant 2 : i32
        %mul3A_38 = arith.muli %mul3A_37, %scan3A_36 : i32
        %dma_wait3A = arith.constant 0 : i32
        %dma_wait3A_39 = tpu.memref_slice %arg8[%mul3A_38, %dma_wait3A] : memref<16x128xi32, #tpu.memory_space<vmem>> -> memref<1x128xi32, #tpu.memory_space<vmem>>
        %dma_wait3A_40 = tpu.memref_squeeze %dma_wait3A_39 : memref<1x128xi32, #tpu.memory_space<vmem>> -> memref<128xi32, #tpu.memory_space<vmem>>
        %dma_wait3A_41 = arith.constant 0 : i32
        %dma_wait3A_42 = arith.constant 0 : i32
        %dma_wait3A_43 = tpu.memref_slice %arg4[%dma_wait3A_41, %dma_wait3A_42] : memref<10240x128xf32, #tpu.memory_space<hbm>> -> memref<10240x128xf32, #tpu.memory_space<hbm>>
        tpu.wait_indirect_dma semaphore(%arg13 : memref<!tpu.dma_semaphore, #tpu.memory_space<semaphore_mem>>) src(%dma_wait3A_43 : memref<10240x128xf32, #tpu.memory_space<hbm>>) dst(%arg10 : memref<128x128xf32, #tpu.memory_space<vmem>>)
        %add3A_44 = arith.constant 1 : i32
        %add3A_45 = arith.addi %mul3A_38, %add3A_44 : i32
        %dma_start3A_46 = arith.constant 0 : i32
        %dma_start3A_47 = tpu.memref_slice %arg8[%add3A_45, %dma_start3A_46] : memref<16x128xi32, #tpu.memory_space<vmem>> -> memref<1x128xi32, #tpu.memory_space<vmem>>
        %dma_start3A_48 = tpu.memref_squeeze %dma_start3A_47 : memref<1x128xi32, #tpu.memory_space<vmem>> -> memref<128xi32, #tpu.memory_space<vmem>>
        %dma_start3A_49 = arith.constant 0 : i32
        %dma_start3A_50 = arith.constant 0 : i32
        %dma_start3A_51 = tpu.memref_slice %arg4[%dma_start3A_49, %dma_start3A_50] : memref<10240x128xf32, #tpu.memory_space<hbm>> -> memref<10240x128xf32, #tpu.memory_space<hbm>>
        tpu.enqueue_indirect_dma source(%dma_start3A_51 : memref<10240x128xf32, #tpu.memory_space<hbm>>) target(%arg11 : memref<128x128xf32, #tpu.memory_space<vmem>>) offsets(%dma_start3A_48 : memref<128xi32, #tpu.memory_space<vmem>>) semaphore(%arg14 : memref<!tpu.dma_semaphore, #tpu.memory_space<semaphore_mem>>)
        "tpu.region"() ({
          %run_scoped3A = tpu.sem_alloc : memref<!tpu.dma_semaphore, #tpu.memory_space<semaphore_mem>>
          %dma_start3A_68 = arith.constant 0 : i32
          %dma_start3A_69 = tpu.memref_slice %arg9[%mul3A_38, %dma_start3A_68] : memref<16x128xi32, #tpu.memory_space<vmem>> -> memref<1x128xi32, #tpu.memory_space<vmem>>
          %dma_start3A_70 = tpu.memref_squeeze %dma_start3A_69 : memref<1x128xi32, #tpu.memory_space<vmem>> -> memref<128xi32, #tpu.memory_space<vmem>>
          %dma_start3A_71 = arith.constant 0 : i32
          %dma_start3A_72 = arith.constant 0 : i32
          %dma_start3A_73 = tpu.memref_slice %arg12[%dma_start3A_71, %dma_start3A_72] : memref<10240x128xf32, #tpu.memory_space<vmem_shared>> -> memref<10240x128xf32, #tpu.memory_space<vmem_shared>>
          tpu.enqueue_indirect_dma source(%arg10 : memref<128x128xf32, #tpu.memory_space<vmem>>) target(%dma_start3A_73 : memref<10240x128xf32, #tpu.memory_space<vmem_shared>>) offsets(%dma_start3A_70 : memref<128xi32, #tpu.memory_space<vmem>>) semaphore(%run_scoped3A : memref<!tpu.dma_semaphore, #tpu.memory_space<semaphore_mem>>) {add = true}
          %dma_wait3A_74 = arith.constant 0 : i32
          %dma_wait3A_75 = tpu.memref_slice %arg9[%mul3A_38, %dma_wait3A_74] : memref<16x128xi32, #tpu.memory_space<vmem>> -> memref<1x128xi32, #tpu.memory_space<vmem>>
          %dma_wait3A_76 = tpu.memref_squeeze %dma_wait3A_75 : memref<1x128xi32, #tpu.memory_space<vmem>> -> memref<128xi32, #tpu.memory_space<vmem>>
          %dma_wait3A_77 = arith.constant 0 : i32
          %dma_wait3A_78 = arith.constant 0 : i32
          %dma_wait3A_79 = tpu.memref_slice %arg12[%dma_wait3A_77, %dma_wait3A_78] : memref<10240x128xf32, #tpu.memory_space<vmem_shared>> -> memref<10240x128xf32, #tpu.memory_space<vmem_shared>>
          tpu.wait_indirect_dma semaphore(%run_scoped3A : memref<!tpu.dma_semaphore, #tpu.memory_space<semaphore_mem>>) src(%arg10 : memref<128x128xf32, #tpu.memory_space<vmem>>) dst(%dma_wait3A_79 : memref<10240x128xf32, #tpu.memory_space<vmem_shared>>)
          tpu.yield
        }) : () -> ()
        %add3A_52 = arith.constant 1 : i32
        %add3A_53 = arith.addi %mul3A_38, %add3A_52 : i32
        %dma_wait3A_54 = arith.constant 0 : i32
        %dma_wait3A_55 = tpu.memref_slice %arg8[%add3A_53, %dma_wait3A_54] : memref<16x128xi32, #tpu.memory_space<vmem>> -> memref<1x128xi32, #tpu.memory_space<vmem>>
        %dma_wait3A_56 = tpu.memref_squeeze %dma_wait3A_55 : memref<1x128xi32, #tpu.memory_space<vmem>> -> memref<128xi32, #tpu.memory_space<vmem>>
        %dma_wait3A_57 = arith.constant 0 : i32
        %dma_wait3A_58 = arith.constant 0 : i32
        %dma_wait3A_59 = tpu.memref_slice %arg4[%dma_wait3A_57, %dma_wait3A_58] : memref<10240x128xf32, #tpu.memory_space<hbm>> -> memref<10240x128xf32, #tpu.memory_space<hbm>>
        tpu.wait_indirect_dma semaphore(%arg14 : memref<!tpu.dma_semaphore, #tpu.memory_space<semaphore_mem>>) src(%dma_wait3A_59 : memref<10240x128xf32, #tpu.memory_space<hbm>>) dst(%arg11 : memref<128x128xf32, #tpu.memory_space<vmem>>)
        %add3A_60 = arith.constant 2 : i32
        %add3A_61 = arith.addi %mul3A_38, %add3A_60 : i32
        %lt3A = arith.constant 16 : i32
        %lt3A_62 = arith.cmpi slt, %add3A_61, %lt3A : i32
        %convert_element_type3A_63 = arith.extui %lt3A_62 : i1 to i32
        %cond3A_64 = arith.constant 0 : i32
        %cond3A_65 = arith.cmpi ne, %convert_element_type3A_63, %cond3A_64 : i32
        scf.if %cond3A_65 {
          %add3A_68 = arith.constant 2 : i32
          %add3A_69 = arith.addi %mul3A_38, %add3A_68 : i32
          %dma_start3A_70 = arith.constant 0 : i32
          %dma_start3A_71 = tpu.memref_slice %arg8[%add3A_69, %dma_start3A_70] : memref<16x128xi32, #tpu.memory_space<vmem>> -> memref<1x128xi32, #tpu.memory_space<vmem>>
          %dma_start3A_72 = tpu.memref_squeeze %dma_start3A_71 : memref<1x128xi32, #tpu.memory_space<vmem>> -> memref<128xi32, #tpu.memory_space<vmem>>
          %dma_start3A_73 = arith.constant 0 : i32
          %dma_start3A_74 = arith.constant 0 : i32
          %dma_start3A_75 = tpu.memref_slice %arg4[%dma_start3A_73, %dma_start3A_74] : memref<10240x128xf32, #tpu.memory_space<hbm>> -> memref<10240x128xf32, #tpu.memory_space<hbm>>
          tpu.enqueue_indirect_dma source(%dma_start3A_75 : memref<10240x128xf32, #tpu.memory_space<hbm>>) target(%arg10 : memref<128x128xf32, #tpu.memory_space<vmem>>) offsets(%dma_start3A_72 : memref<128xi32, #tpu.memory_space<vmem>>) semaphore(%arg13 : memref<!tpu.dma_semaphore, #tpu.memory_space<semaphore_mem>>)
        } else {
        }
        %add3A_66 = arith.constant 1 : i32
        %add3A_67 = arith.addi %mul3A_38, %add3A_66 : i32
        "tpu.region"() ({
          %run_scoped3A = tpu.sem_alloc : memref<!tpu.dma_semaphore, #tpu.memory_space<semaphore_mem>>
          %dma_start3A_68 = arith.constant 0 : i32
          %dma_start3A_69 = tpu.memref_slice %arg9[%add3A_67, %dma_start3A_68] : memref<16x128xi32, #tpu.memory_space<vmem>> -> memref<1x128xi32, #tpu.memory_space<vmem>>
          %dma_start3A_70 = tpu.memref_squeeze %dma_start3A_69 : memref<1x128xi32, #tpu.memory_space<vmem>> -> memref<128xi32, #tpu.memory_space<vmem>>
          %dma_start3A_71 = arith.constant 0 : i32
          %dma_start3A_72 = arith.constant 0 : i32
          %dma_start3A_73 = tpu.memref_slice %arg12[%dma_start3A_71, %dma_start3A_72] : memref<10240x128xf32, #tpu.memory_space<vmem_shared>> -> memref<10240x128xf32, #tpu.memory_space<vmem_shared>>
          tpu.enqueue_indirect_dma source(%arg11 : memref<128x128xf32, #tpu.memory_space<vmem>>) target(%dma_start3A_73 : memref<10240x128xf32, #tpu.memory_space<vmem_shared>>) offsets(%dma_start3A_70 : memref<128xi32, #tpu.memory_space<vmem>>) semaphore(%run_scoped3A : memref<!tpu.dma_semaphore, #tpu.memory_space<semaphore_mem>>) {add = true}
          %dma_wait3A_74 = arith.constant 0 : i32
          %dma_wait3A_75 = tpu.memref_slice %arg9[%add3A_67, %dma_wait3A_74] : memref<16x128xi32, #tpu.memory_space<vmem>> -> memref<1x128xi32, #tpu.memory_space<vmem>>
          %dma_wait3A_76 = tpu.memref_squeeze %dma_wait3A_75 : memref<1x128xi32, #tpu.memory_space<vmem>> -> memref<128xi32, #tpu.memory_space<vmem>>
          %dma_wait3A_77 = arith.constant 0 : i32
          %dma_wait3A_78 = arith.constant 0 : i32
          %dma_wait3A_79 = tpu.memref_slice %arg12[%dma_wait3A_77, %dma_wait3A_78] : memref<10240x128xf32, #tpu.memory_space<vmem_shared>> -> memref<10240x128xf32, #tpu.memory_space<vmem_shared>>
          tpu.wait_indirect_dma semaphore(%run_scoped3A : memref<!tpu.dma_semaphore, #tpu.memory_space<semaphore_mem>>) src(%arg11 : memref<128x128xf32, #tpu.memory_space<vmem>>) dst(%dma_wait3A_79 : memref<10240x128xf32, #tpu.memory_space<vmem_shared>>)
          tpu.yield
        }) : () -> ()
      }
      %scan3A_35 = arith.constant 8 : i32
    }
    %scan3A_11 = arith.constant 5 : i32
    %barrier3A_12 = arith.constant 0 : index
    tpu.barrier barrier_id(%barrier3A_12)
    %eq3A = arith.constant 0 : i32
    %eq3A_13 = arith.cmpi eq, %arg0, %eq3A : i32
    %convert_element_type3A = arith.extui %eq3A_13 : i1 to i32
    %cond3A = arith.constant 0 : i32
    %cond3A_14 = arith.cmpi ne, %convert_element_type3A, %cond3A : i32
    scf.if %cond3A_14 {
      %mul3A_20 = arith.constant 640 : i32
      %mul3A_21 = arith.muli %arg1, %mul3A_20 : i32
      %mul3A_22 = arith.constant 640 : i32
      %mul3A_23 = arith.muli %arg1, %mul3A_22 : i32
      "tpu.region"() ({
        %run_scoped3A = tpu.sem_alloc : memref<!tpu.dma_semaphore, #tpu.memory_space<semaphore_mem>>
        %dma_start3A = arith.constant 0 : i32
        %dma_start3A_24 = tpu.memref_slice %arg6[%mul3A_23, %dma_start3A] : memref<10240x128xf32, #tpu.memory_space<hbm>> -> memref<640x128xf32, #tpu.memory_space<hbm>>
        %dma_start3A_25 = arith.constant 0 : i32
        %dma_start3A_26 = tpu.memref_slice %arg12[%mul3A_21, %dma_start3A_25] : memref<10240x128xf32, #tpu.memory_space<vmem_shared>> -> memref<640x128xf32, #tpu.memory_space<vmem_shared>>
        tpu.enqueue_dma source(%dma_start3A_26 : memref<640x128xf32, #tpu.memory_space<vmem_shared>>) target(%dma_start3A_24 : memref<640x128xf32, #tpu.memory_space<hbm>>) target_semaphore(%run_scoped3A : memref<!tpu.dma_semaphore, #tpu.memory_space<semaphore_mem>>)
        %dma_wait3A = arith.constant 0 : i32
        %dma_wait3A_27 = tpu.memref_slice %arg6[%mul3A_23, %dma_wait3A] : memref<10240x128xf32, #tpu.memory_space<hbm>> -> memref<640x128xf32, #tpu.memory_space<hbm>>
        %dma_wait3A_28 = arith.constant 0 : i32
        %dma_wait3A_29 = tpu.memref_slice %arg12[%mul3A_21, %dma_wait3A_28] : memref<10240x128xf32, #tpu.memory_space<vmem_shared>> -> memref<640x128xf32, #tpu.memory_space<vmem_shared>>
        tpu.wait_dma2 semaphore(%run_scoped3A : memref<!tpu.dma_semaphore, #tpu.memory_space<semaphore_mem>>) src(%dma_wait3A_29 : memref<640x128xf32, #tpu.memory_space<vmem_shared>>) dst(%dma_wait3A_27 : memref<640x128xf32, #tpu.memory_space<hbm>>)
        tpu.yield
      }) : () -> ()
    } else {
    }
    %eq3A_15 = arith.constant 1 : i32
    %eq3A_16 = arith.cmpi eq, %arg0, %eq3A_15 : i32
    %convert_element_type3A_17 = arith.extui %eq3A_16 : i1 to i32
    %cond3A_18 = arith.constant 0 : i32
    %cond3A_19 = arith.cmpi ne, %convert_element_type3A_17, %cond3A_18 : i32
    scf.if %cond3A_19 {
      %mul3A_20 = arith.constant 640 : i32
      %mul3A_21 = arith.muli %arg1, %mul3A_20 : i32
      %mul3A_22 = arith.constant 640 : i32
      %mul3A_23 = arith.muli %arg1, %mul3A_22 : i32
      "tpu.region"() ({
        %run_scoped3A = tpu.sem_alloc : memref<!tpu.dma_semaphore, #tpu.memory_space<semaphore_mem>>
        %dma_start3A = arith.constant 0 : i32
        %dma_start3A_24 = tpu.memref_slice %arg7[%mul3A_23, %dma_start3A] : memref<10240x128xf32, #tpu.memory_space<hbm>> -> memref<640x128xf32, #tpu.memory_space<hbm>>
        %dma_start3A_25 = arith.constant 0 : i32
        %dma_start3A_26 = tpu.memref_slice %arg12[%mul3A_21, %dma_start3A_25] : memref<10240x128xf32, #tpu.memory_space<vmem_shared>> -> memref<640x128xf32, #tpu.memory_space<vmem_shared>>
        tpu.enqueue_dma source(%dma_start3A_26 : memref<640x128xf32, #tpu.memory_space<vmem_shared>>) target(%dma_start3A_24 : memref<640x128xf32, #tpu.memory_space<hbm>>) target_semaphore(%run_scoped3A : memref<!tpu.dma_semaphore, #tpu.memory_space<semaphore_mem>>)
        %dma_wait3A = arith.constant 0 : i32
        %dma_wait3A_27 = tpu.memref_slice %arg7[%mul3A_23, %dma_wait3A] : memref<10240x128xf32, #tpu.memory_space<hbm>> -> memref<640x128xf32, #tpu.memory_space<hbm>>
        %dma_wait3A_28 = arith.constant 0 : i32
        %dma_wait3A_29 = tpu.memref_slice %arg12[%mul3A_21, %dma_wait3A_28] : memref<10240x128xf32, #tpu.memory_space<vmem_shared>> -> memref<640x128xf32, #tpu.memory_space<vmem_shared>>
        tpu.wait_dma2 semaphore(%run_scoped3A : memref<!tpu.dma_semaphore, #tpu.memory_space<semaphore_mem>>) src(%dma_wait3A_29 : memref<640x128xf32, #tpu.memory_space<vmem_shared>>) dst(%dma_wait3A_27 : memref<640x128xf32, #tpu.memory_space<hbm>>)
        tpu.yield
      }) : () -> ()
    } else {
    }
    return
  }
}

#map = affine_map<(d0, d1) -> (0, 0)>
#map1 = affine_map<(d0, d1) -> (0)>
module attributes {stable_mosaic.version = 14 : i64} {
  func.func @body(%arg0: i32, %arg1: i32, %arg2: memref<2560x128xi32, #tpu.memory_space<hbm>>, %arg3: memref<128xf32, #tpu.memory_space<hbm>>, %arg4: memref<10240xf32, #tpu.memory_space<hbm>>, %arg5: memref<10240xf32, #tpu.memory_space<hbm>>, %arg6: memref<160x128xi32, #tpu.memory_space<vmem>>, %arg7: memref<128xf32, #tpu.memory_space<vmem>>, %arg8: memref<10240xf32, #tpu.memory_space<vmem_shared>>, %arg9: memref<!tpu.dma_semaphore, #tpu.memory_space<semaphore_mem>>) attributes {dimension_semantics = [#tpu.dimension_semantics<core_parallel>, #tpu.dimension_semantics<subcore_parallel>], iteration_bounds = array<i64: 2, 16>, scalar_prefetch = 0 : i64, scratch_operands = 4 : i64, tpu.core_type = #tpu.core_type<sc_vector_subcore>, window_params = [{transform_indices = #map}, {transform_indices = #map1}, {transform_indices = #map1}, {transform_indices = #map1}]} {
    %eq3A = arith.constant 0 : i32
    %eq3A_0 = arith.cmpi eq, %arg0, %eq3A : i32
    %convert_element_type3A = arith.extui %eq3A_0 : i1 to i32
    %cond3A = arith.constant 0 : i32
    %cond3A_1 = arith.cmpi ne, %convert_element_type3A, %cond3A : i32
    scf.if %cond3A_1 {
      %mul3A = arith.constant 160 : i32
      %mul3A_2 = arith.muli %arg1, %mul3A : i32
      "tpu.region"() ({
        %run_scoped3A = tpu.sem_alloc : memref<!tpu.dma_semaphore, #tpu.memory_space<semaphore_mem>>
        %dma_start3A = arith.constant 0 : i32
        %dma_start3A_17 = tpu.memref_slice %arg2[%mul3A_2, %dma_start3A] : memref<2560x128xi32, #tpu.memory_space<hbm>> -> memref<160x128xi32, #tpu.memory_space<hbm>>
        %dma_start3A_18 = arith.constant 0 : i32
        %dma_start3A_19 = tpu.memref_slice %arg2[%mul3A_2, %dma_start3A_18] : memref<2560x128xi32, #tpu.memory_space<hbm>> -> memref<160x128xi32, #tpu.memory_space<hbm>>
        tpu.enqueue_dma source(%dma_start3A_19 : memref<160x128xi32, #tpu.memory_space<hbm>>) target(%arg6 : memref<160x128xi32, #tpu.memory_space<vmem>>) target_semaphore(%run_scoped3A : memref<!tpu.dma_semaphore, #tpu.memory_space<semaphore_mem>>)
        %dma_wait3A = arith.constant 0 : i32
        %dma_wait3A_20 = tpu.memref_slice %arg2[%mul3A_2, %dma_wait3A] : memref<2560x128xi32, #tpu.memory_space<hbm>> -> memref<160x128xi32, #tpu.memory_space<hbm>>
        %dma_wait3A_21 = arith.constant 0 : i32
        %dma_wait3A_22 = tpu.memref_slice %arg2[%mul3A_2, %dma_wait3A_21] : memref<2560x128xi32, #tpu.memory_space<hbm>> -> memref<160x128xi32, #tpu.memory_space<hbm>>
        tpu.wait_dma2 semaphore(%run_scoped3A : memref<!tpu.dma_semaphore, #tpu.memory_space<semaphore_mem>>) src(%dma_wait3A_22 : memref<160x128xi32, #tpu.memory_space<hbm>>) dst(%arg6 : memref<160x128xi32, #tpu.memory_space<vmem>>)
        tpu.yield
      }) : () -> ()
      "tpu.region"() ({
        %run_scoped3A = tpu.sem_alloc : memref<!tpu.dma_semaphore, #tpu.memory_space<semaphore_mem>>
        tpu.enqueue_dma source(%arg3 : memref<128xf32, #tpu.memory_space<hbm>>) target(%arg7 : memref<128xf32, #tpu.memory_space<vmem>>) target_semaphore(%run_scoped3A : memref<!tpu.dma_semaphore, #tpu.memory_space<semaphore_mem>>)
        tpu.wait_dma2 semaphore(%run_scoped3A : memref<!tpu.dma_semaphore, #tpu.memory_space<semaphore_mem>>) src(%arg3 : memref<128xf32, #tpu.memory_space<hbm>>) dst(%arg7 : memref<128xf32, #tpu.memory_space<vmem>>)
        tpu.yield
      }) : () -> ()
      %mul3A_3 = arith.constant 640 : i32
      %mul3A_4 = arith.muli %arg1, %mul3A_3 : i32
      %mul3A_5 = arith.constant 640 : i32
      %mul3A_6 = arith.muli %arg1, %mul3A_5 : i32
      "tpu.region"() ({
        %run_scoped3A = tpu.sem_alloc : memref<!tpu.dma_semaphore, #tpu.memory_space<semaphore_mem>>
        %dma_start3A = tpu.memref_slice %arg8[%mul3A_6] : memref<10240xf32, #tpu.memory_space<vmem_shared>> -> memref<640xf32, #tpu.memory_space<vmem_shared>>
        %dma_start3A_17 = tpu.memref_slice %arg4[%mul3A_4] : memref<10240xf32, #tpu.memory_space<hbm>> -> memref<640xf32, #tpu.memory_space<hbm>>
        tpu.enqueue_dma source(%dma_start3A_17 : memref<640xf32, #tpu.memory_space<hbm>>) target(%dma_start3A : memref<640xf32, #tpu.memory_space<vmem_shared>>) target_semaphore(%run_scoped3A : memref<!tpu.dma_semaphore, #tpu.memory_space<semaphore_mem>>)
        %dma_wait3A = tpu.memref_slice %arg8[%mul3A_6] : memref<10240xf32, #tpu.memory_space<vmem_shared>> -> memref<640xf32, #tpu.memory_space<vmem_shared>>
        %dma_wait3A_18 = tpu.memref_slice %arg4[%mul3A_4] : memref<10240xf32, #tpu.memory_space<hbm>> -> memref<640xf32, #tpu.memory_space<hbm>>
        tpu.wait_dma2 semaphore(%run_scoped3A : memref<!tpu.dma_semaphore, #tpu.memory_space<semaphore_mem>>) src(%dma_wait3A_18 : memref<640xf32, #tpu.memory_space<hbm>>) dst(%dma_wait3A : memref<640xf32, #tpu.memory_space<vmem_shared>>)
        tpu.yield
      }) : () -> ()
      %barrier3A = arith.constant 0 : index
      tpu.barrier barrier_id(%barrier3A)
      %scan3A = arith.constant 0 : i32
      %scan3A_7 = arith.constant 0 : i32
      %scan3A_8 = arith.constant 20 : i32
      %scan3A_9 = arith.addi %scan3A_7, %scan3A_8 : i32
      %scan3A_10 = arith.constant 1 : i32
      scf.for %scan3A_17 = %scan3A_7 to %scan3A_9 step %scan3A_10  : i32 {
        %mul3A_18 = arith.constant 8 : i32
        %mul3A_19 = arith.muli %scan3A_17, %mul3A_18 : i32
        %add3A = arith.constant 0 : i32
        %add3A_20 = arith.addi %mul3A_19, %add3A : i32
        %dma_start3A = arith.constant 0 : i32
        %dma_start3A_21 = tpu.memref_slice %arg6[%add3A_20, %dma_start3A] : memref<160x128xi32, #tpu.memory_space<vmem>> -> memref<1x128xi32, #tpu.memory_space<vmem>>
        %dma_start3A_22 = tpu.memref_squeeze %dma_start3A_21 : memref<1x128xi32, #tpu.memory_space<vmem>> -> memref<128xi32, #tpu.memory_space<vmem>>
        %dma_start3A_23 = arith.constant 0 : i32
        %dma_start3A_24 = tpu.memref_slice %arg8[%dma_start3A_23] : memref<10240xf32, #tpu.memory_space<vmem_shared>> -> memref<10240xf32, #tpu.memory_space<vmem_shared>>
        tpu.enqueue_indirect_dma source(%arg7 : memref<128xf32, #tpu.memory_space<vmem>>) target(%dma_start3A_24 : memref<10240xf32, #tpu.memory_space<vmem_shared>>) offsets(%dma_start3A_22 : memref<128xi32, #tpu.memory_space<vmem>>) semaphore(%arg9 : memref<!tpu.dma_semaphore, #tpu.memory_space<semaphore_mem>>) {add = true}
        %add3A_25 = arith.constant 1 : i32
        %add3A_26 = arith.addi %mul3A_19, %add3A_25 : i32
        %dma_start3A_27 = arith.constant 0 : i32
        %dma_start3A_28 = tpu.memref_slice %arg6[%add3A_26, %dma_start3A_27] : memref<160x128xi32, #tpu.memory_space<vmem>> -> memref<1x128xi32, #tpu.memory_space<vmem>>
        %dma_start3A_29 = tpu.memref_squeeze %dma_start3A_28 : memref<1x128xi32, #tpu.memory_space<vmem>> -> memref<128xi32, #tpu.memory_space<vmem>>
        %dma_start3A_30 = arith.constant 0 : i32
        %dma_start3A_31 = tpu.memref_slice %arg8[%dma_start3A_30] : memref<10240xf32, #tpu.memory_space<vmem_shared>> -> memref<10240xf32, #tpu.memory_space<vmem_shared>>
        tpu.enqueue_indirect_dma source(%arg7 : memref<128xf32, #tpu.memory_space<vmem>>) target(%dma_start3A_31 : memref<10240xf32, #tpu.memory_space<vmem_shared>>) offsets(%dma_start3A_29 : memref<128xi32, #tpu.memory_space<vmem>>) semaphore(%arg9 : memref<!tpu.dma_semaphore, #tpu.memory_space<semaphore_mem>>) {add = true}
        %add3A_32 = arith.constant 2 : i32
        %add3A_33 = arith.addi %mul3A_19, %add3A_32 : i32
        %dma_start3A_34 = arith.constant 0 : i32
        %dma_start3A_35 = tpu.memref_slice %arg6[%add3A_33, %dma_start3A_34] : memref<160x128xi32, #tpu.memory_space<vmem>> -> memref<1x128xi32, #tpu.memory_space<vmem>>
        %dma_start3A_36 = tpu.memref_squeeze %dma_start3A_35 : memref<1x128xi32, #tpu.memory_space<vmem>> -> memref<128xi32, #tpu.memory_space<vmem>>
        %dma_start3A_37 = arith.constant 0 : i32
        %dma_start3A_38 = tpu.memref_slice %arg8[%dma_start3A_37] : memref<10240xf32, #tpu.memory_space<vmem_shared>> -> memref<10240xf32, #tpu.memory_space<vmem_shared>>
        tpu.enqueue_indirect_dma source(%arg7 : memref<128xf32, #tpu.memory_space<vmem>>) target(%dma_start3A_38 : memref<10240xf32, #tpu.memory_space<vmem_shared>>) offsets(%dma_start3A_36 : memref<128xi32, #tpu.memory_space<vmem>>) semaphore(%arg9 : memref<!tpu.dma_semaphore, #tpu.memory_space<semaphore_mem>>) {add = true}
        %add3A_39 = arith.constant 3 : i32
        %add3A_40 = arith.addi %mul3A_19, %add3A_39 : i32
        %dma_start3A_41 = arith.constant 0 : i32
        %dma_start3A_42 = tpu.memref_slice %arg6[%add3A_40, %dma_start3A_41] : memref<160x128xi32, #tpu.memory_space<vmem>> -> memref<1x128xi32, #tpu.memory_space<vmem>>
        %dma_start3A_43 = tpu.memref_squeeze %dma_start3A_42 : memref<1x128xi32, #tpu.memory_space<vmem>> -> memref<128xi32, #tpu.memory_space<vmem>>
        %dma_start3A_44 = arith.constant 0 : i32
        %dma_start3A_45 = tpu.memref_slice %arg8[%dma_start3A_44] : memref<10240xf32, #tpu.memory_space<vmem_shared>> -> memref<10240xf32, #tpu.memory_space<vmem_shared>>
        tpu.enqueue_indirect_dma source(%arg7 : memref<128xf32, #tpu.memory_space<vmem>>) target(%dma_start3A_45 : memref<10240xf32, #tpu.memory_space<vmem_shared>>) offsets(%dma_start3A_43 : memref<128xi32, #tpu.memory_space<vmem>>) semaphore(%arg9 : memref<!tpu.dma_semaphore, #tpu.memory_space<semaphore_mem>>) {add = true}
        %add3A_46 = arith.constant 4 : i32
        %add3A_47 = arith.addi %mul3A_19, %add3A_46 : i32
        %dma_start3A_48 = arith.constant 0 : i32
        %dma_start3A_49 = tpu.memref_slice %arg6[%add3A_47, %dma_start3A_48] : memref<160x128xi32, #tpu.memory_space<vmem>> -> memref<1x128xi32, #tpu.memory_space<vmem>>
        %dma_start3A_50 = tpu.memref_squeeze %dma_start3A_49 : memref<1x128xi32, #tpu.memory_space<vmem>> -> memref<128xi32, #tpu.memory_space<vmem>>
        %dma_start3A_51 = arith.constant 0 : i32
        %dma_start3A_52 = tpu.memref_slice %arg8[%dma_start3A_51] : memref<10240xf32, #tpu.memory_space<vmem_shared>> -> memref<10240xf32, #tpu.memory_space<vmem_shared>>
        tpu.enqueue_indirect_dma source(%arg7 : memref<128xf32, #tpu.memory_space<vmem>>) target(%dma_start3A_52 : memref<10240xf32, #tpu.memory_space<vmem_shared>>) offsets(%dma_start3A_50 : memref<128xi32, #tpu.memory_space<vmem>>) semaphore(%arg9 : memref<!tpu.dma_semaphore, #tpu.memory_space<semaphore_mem>>) {add = true}
        %add3A_53 = arith.constant 5 : i32
        %add3A_54 = arith.addi %mul3A_19, %add3A_53 : i32
        %dma_start3A_55 = arith.constant 0 : i32
        %dma_start3A_56 = tpu.memref_slice %arg6[%add3A_54, %dma_start3A_55] : memref<160x128xi32, #tpu.memory_space<vmem>> -> memref<1x128xi32, #tpu.memory_space<vmem>>
        %dma_start3A_57 = tpu.memref_squeeze %dma_start3A_56 : memref<1x128xi32, #tpu.memory_space<vmem>> -> memref<128xi32, #tpu.memory_space<vmem>>
        %dma_start3A_58 = arith.constant 0 : i32
        %dma_start3A_59 = tpu.memref_slice %arg8[%dma_start3A_58] : memref<10240xf32, #tpu.memory_space<vmem_shared>> -> memref<10240xf32, #tpu.memory_space<vmem_shared>>
        tpu.enqueue_indirect_dma source(%arg7 : memref<128xf32, #tpu.memory_space<vmem>>) target(%dma_start3A_59 : memref<10240xf32, #tpu.memory_space<vmem_shared>>) offsets(%dma_start3A_57 : memref<128xi32, #tpu.memory_space<vmem>>) semaphore(%arg9 : memref<!tpu.dma_semaphore, #tpu.memory_space<semaphore_mem>>) {add = true}
        %add3A_60 = arith.constant 6 : i32
        %add3A_61 = arith.addi %mul3A_19, %add3A_60 : i32
        %dma_start3A_62 = arith.constant 0 : i32
        %dma_start3A_63 = tpu.memref_slice %arg6[%add3A_61, %dma_start3A_62] : memref<160x128xi32, #tpu.memory_space<vmem>> -> memref<1x128xi32, #tpu.memory_space<vmem>>
        %dma_start3A_64 = tpu.memref_squeeze %dma_start3A_63 : memref<1x128xi32, #tpu.memory_space<vmem>> -> memref<128xi32, #tpu.memory_space<vmem>>
        %dma_start3A_65 = arith.constant 0 : i32
        %dma_start3A_66 = tpu.memref_slice %arg8[%dma_start3A_65] : memref<10240xf32, #tpu.memory_space<vmem_shared>> -> memref<10240xf32, #tpu.memory_space<vmem_shared>>
        tpu.enqueue_indirect_dma source(%arg7 : memref<128xf32, #tpu.memory_space<vmem>>) target(%dma_start3A_66 : memref<10240xf32, #tpu.memory_space<vmem_shared>>) offsets(%dma_start3A_64 : memref<128xi32, #tpu.memory_space<vmem>>) semaphore(%arg9 : memref<!tpu.dma_semaphore, #tpu.memory_space<semaphore_mem>>) {add = true}
        %add3A_67 = arith.constant 7 : i32
        %add3A_68 = arith.addi %mul3A_19, %add3A_67 : i32
        %dma_start3A_69 = arith.constant 0 : i32
        %dma_start3A_70 = tpu.memref_slice %arg6[%add3A_68, %dma_start3A_69] : memref<160x128xi32, #tpu.memory_space<vmem>> -> memref<1x128xi32, #tpu.memory_space<vmem>>
        %dma_start3A_71 = tpu.memref_squeeze %dma_start3A_70 : memref<1x128xi32, #tpu.memory_space<vmem>> -> memref<128xi32, #tpu.memory_space<vmem>>
        %dma_start3A_72 = arith.constant 0 : i32
        %dma_start3A_73 = tpu.memref_slice %arg8[%dma_start3A_72] : memref<10240xf32, #tpu.memory_space<vmem_shared>> -> memref<10240xf32, #tpu.memory_space<vmem_shared>>
        tpu.enqueue_indirect_dma source(%arg7 : memref<128xf32, #tpu.memory_space<vmem>>) target(%dma_start3A_73 : memref<10240xf32, #tpu.memory_space<vmem_shared>>) offsets(%dma_start3A_71 : memref<128xi32, #tpu.memory_space<vmem>>) semaphore(%arg9 : memref<!tpu.dma_semaphore, #tpu.memory_space<semaphore_mem>>) {add = true}
        %add3A_74 = arith.constant 0 : i32
        %add3A_75 = arith.addi %mul3A_19, %add3A_74 : i32
        %dma_wait3A = arith.constant 0 : i32
        %dma_wait3A_76 = tpu.memref_slice %arg6[%add3A_75, %dma_wait3A] : memref<160x128xi32, #tpu.memory_space<vmem>> -> memref<1x128xi32, #tpu.memory_space<vmem>>
        %dma_wait3A_77 = tpu.memref_squeeze %dma_wait3A_76 : memref<1x128xi32, #tpu.memory_space<vmem>> -> memref<128xi32, #tpu.memory_space<vmem>>
        %dma_wait3A_78 = arith.constant 0 : i32
        %dma_wait3A_79 = tpu.memref_slice %arg8[%dma_wait3A_78] : memref<10240xf32, #tpu.memory_space<vmem_shared>> -> memref<10240xf32, #tpu.memory_space<vmem_shared>>
        tpu.wait_indirect_dma semaphore(%arg9 : memref<!tpu.dma_semaphore, #tpu.memory_space<semaphore_mem>>) src(%arg7 : memref<128xf32, #tpu.memory_space<vmem>>) dst(%dma_wait3A_79 : memref<10240xf32, #tpu.memory_space<vmem_shared>>)
        %add3A_80 = arith.constant 1 : i32
        %add3A_81 = arith.addi %mul3A_19, %add3A_80 : i32
        %dma_wait3A_82 = arith.constant 0 : i32
        %dma_wait3A_83 = tpu.memref_slice %arg6[%add3A_81, %dma_wait3A_82] : memref<160x128xi32, #tpu.memory_space<vmem>> -> memref<1x128xi32, #tpu.memory_space<vmem>>
        %dma_wait3A_84 = tpu.memref_squeeze %dma_wait3A_83 : memref<1x128xi32, #tpu.memory_space<vmem>> -> memref<128xi32, #tpu.memory_space<vmem>>
        %dma_wait3A_85 = arith.constant 0 : i32
        %dma_wait3A_86 = tpu.memref_slice %arg8[%dma_wait3A_85] : memref<10240xf32, #tpu.memory_space<vmem_shared>> -> memref<10240xf32, #tpu.memory_space<vmem_shared>>
        tpu.wait_indirect_dma semaphore(%arg9 : memref<!tpu.dma_semaphore, #tpu.memory_space<semaphore_mem>>) src(%arg7 : memref<128xf32, #tpu.memory_space<vmem>>) dst(%dma_wait3A_86 : memref<10240xf32, #tpu.memory_space<vmem_shared>>)
        %add3A_87 = arith.constant 2 : i32
        %add3A_88 = arith.addi %mul3A_19, %add3A_87 : i32
        %dma_wait3A_89 = arith.constant 0 : i32
        %dma_wait3A_90 = tpu.memref_slice %arg6[%add3A_88, %dma_wait3A_89] : memref<160x128xi32, #tpu.memory_space<vmem>> -> memref<1x128xi32, #tpu.memory_space<vmem>>
        %dma_wait3A_91 = tpu.memref_squeeze %dma_wait3A_90 : memref<1x128xi32, #tpu.memory_space<vmem>> -> memref<128xi32, #tpu.memory_space<vmem>>
        %dma_wait3A_92 = arith.constant 0 : i32
        %dma_wait3A_93 = tpu.memref_slice %arg8[%dma_wait3A_92] : memref<10240xf32, #tpu.memory_space<vmem_shared>> -> memref<10240xf32, #tpu.memory_space<vmem_shared>>
        tpu.wait_indirect_dma semaphore(%arg9 : memref<!tpu.dma_semaphore, #tpu.memory_space<semaphore_mem>>) src(%arg7 : memref<128xf32, #tpu.memory_space<vmem>>) dst(%dma_wait3A_93 : memref<10240xf32, #tpu.memory_space<vmem_shared>>)
        %add3A_94 = arith.constant 3 : i32
        %add3A_95 = arith.addi %mul3A_19, %add3A_94 : i32
        %dma_wait3A_96 = arith.constant 0 : i32
        %dma_wait3A_97 = tpu.memref_slice %arg6[%add3A_95, %dma_wait3A_96] : memref<160x128xi32, #tpu.memory_space<vmem>> -> memref<1x128xi32, #tpu.memory_space<vmem>>
        %dma_wait3A_98 = tpu.memref_squeeze %dma_wait3A_97 : memref<1x128xi32, #tpu.memory_space<vmem>> -> memref<128xi32, #tpu.memory_space<vmem>>
        %dma_wait3A_99 = arith.constant 0 : i32
        %dma_wait3A_100 = tpu.memref_slice %arg8[%dma_wait3A_99] : memref<10240xf32, #tpu.memory_space<vmem_shared>> -> memref<10240xf32, #tpu.memory_space<vmem_shared>>
        tpu.wait_indirect_dma semaphore(%arg9 : memref<!tpu.dma_semaphore, #tpu.memory_space<semaphore_mem>>) src(%arg7 : memref<128xf32, #tpu.memory_space<vmem>>) dst(%dma_wait3A_100 : memref<10240xf32, #tpu.memory_space<vmem_shared>>)
        %add3A_101 = arith.constant 4 : i32
        %add3A_102 = arith.addi %mul3A_19, %add3A_101 : i32
        %dma_wait3A_103 = arith.constant 0 : i32
        %dma_wait3A_104 = tpu.memref_slice %arg6[%add3A_102, %dma_wait3A_103] : memref<160x128xi32, #tpu.memory_space<vmem>> -> memref<1x128xi32, #tpu.memory_space<vmem>>
        %dma_wait3A_105 = tpu.memref_squeeze %dma_wait3A_104 : memref<1x128xi32, #tpu.memory_space<vmem>> -> memref<128xi32, #tpu.memory_space<vmem>>
        %dma_wait3A_106 = arith.constant 0 : i32
        %dma_wait3A_107 = tpu.memref_slice %arg8[%dma_wait3A_106] : memref<10240xf32, #tpu.memory_space<vmem_shared>> -> memref<10240xf32, #tpu.memory_space<vmem_shared>>
        tpu.wait_indirect_dma semaphore(%arg9 : memref<!tpu.dma_semaphore, #tpu.memory_space<semaphore_mem>>) src(%arg7 : memref<128xf32, #tpu.memory_space<vmem>>) dst(%dma_wait3A_107 : memref<10240xf32, #tpu.memory_space<vmem_shared>>)
        %add3A_108 = arith.constant 5 : i32
        %add3A_109 = arith.addi %mul3A_19, %add3A_108 : i32
        %dma_wait3A_110 = arith.constant 0 : i32
        %dma_wait3A_111 = tpu.memref_slice %arg6[%add3A_109, %dma_wait3A_110] : memref<160x128xi32, #tpu.memory_space<vmem>> -> memref<1x128xi32, #tpu.memory_space<vmem>>
        %dma_wait3A_112 = tpu.memref_squeeze %dma_wait3A_111 : memref<1x128xi32, #tpu.memory_space<vmem>> -> memref<128xi32, #tpu.memory_space<vmem>>
        %dma_wait3A_113 = arith.constant 0 : i32
        %dma_wait3A_114 = tpu.memref_slice %arg8[%dma_wait3A_113] : memref<10240xf32, #tpu.memory_space<vmem_shared>> -> memref<10240xf32, #tpu.memory_space<vmem_shared>>
        tpu.wait_indirect_dma semaphore(%arg9 : memref<!tpu.dma_semaphore, #tpu.memory_space<semaphore_mem>>) src(%arg7 : memref<128xf32, #tpu.memory_space<vmem>>) dst(%dma_wait3A_114 : memref<10240xf32, #tpu.memory_space<vmem_shared>>)
        %add3A_115 = arith.constant 6 : i32
        %add3A_116 = arith.addi %mul3A_19, %add3A_115 : i32
        %dma_wait3A_117 = arith.constant 0 : i32
        %dma_wait3A_118 = tpu.memref_slice %arg6[%add3A_116, %dma_wait3A_117] : memref<160x128xi32, #tpu.memory_space<vmem>> -> memref<1x128xi32, #tpu.memory_space<vmem>>
        %dma_wait3A_119 = tpu.memref_squeeze %dma_wait3A_118 : memref<1x128xi32, #tpu.memory_space<vmem>> -> memref<128xi32, #tpu.memory_space<vmem>>
        %dma_wait3A_120 = arith.constant 0 : i32
        %dma_wait3A_121 = tpu.memref_slice %arg8[%dma_wait3A_120] : memref<10240xf32, #tpu.memory_space<vmem_shared>> -> memref<10240xf32, #tpu.memory_space<vmem_shared>>
        tpu.wait_indirect_dma semaphore(%arg9 : memref<!tpu.dma_semaphore, #tpu.memory_space<semaphore_mem>>) src(%arg7 : memref<128xf32, #tpu.memory_space<vmem>>) dst(%dma_wait3A_121 : memref<10240xf32, #tpu.memory_space<vmem_shared>>)
        %add3A_122 = arith.constant 7 : i32
        %add3A_123 = arith.addi %mul3A_19, %add3A_122 : i32
        %dma_wait3A_124 = arith.constant 0 : i32
        %dma_wait3A_125 = tpu.memref_slice %arg6[%add3A_123, %dma_wait3A_124] : memref<160x128xi32, #tpu.memory_space<vmem>> -> memref<1x128xi32, #tpu.memory_space<vmem>>
        %dma_wait3A_126 = tpu.memref_squeeze %dma_wait3A_125 : memref<1x128xi32, #tpu.memory_space<vmem>> -> memref<128xi32, #tpu.memory_space<vmem>>
        %dma_wait3A_127 = arith.constant 0 : i32
        %dma_wait3A_128 = tpu.memref_slice %arg8[%dma_wait3A_127] : memref<10240xf32, #tpu.memory_space<vmem_shared>> -> memref<10240xf32, #tpu.memory_space<vmem_shared>>
        tpu.wait_indirect_dma semaphore(%arg9 : memref<!tpu.dma_semaphore, #tpu.memory_space<semaphore_mem>>) src(%arg7 : memref<128xf32, #tpu.memory_space<vmem>>) dst(%dma_wait3A_128 : memref<10240xf32, #tpu.memory_space<vmem_shared>>)
      }
      %scan3A_11 = arith.constant 20 : i32
      %barrier3A_12 = arith.constant 0 : index
      tpu.barrier barrier_id(%barrier3A_12)
      %mul3A_13 = arith.constant 640 : i32
      %mul3A_14 = arith.muli %arg1, %mul3A_13 : i32
      %mul3A_15 = arith.constant 640 : i32
      %mul3A_16 = arith.muli %arg1, %mul3A_15 : i32
      "tpu.region"() ({
        %run_scoped3A = tpu.sem_alloc : memref<!tpu.dma_semaphore, #tpu.memory_space<semaphore_mem>>
        %dma_start3A = tpu.memref_slice %arg5[%mul3A_16] : memref<10240xf32, #tpu.memory_space<hbm>> -> memref<640xf32, #tpu.memory_space<hbm>>
        %dma_start3A_17 = tpu.memref_slice %arg8[%mul3A_14] : memref<10240xf32, #tpu.memory_space<vmem_shared>> -> memref<640xf32, #tpu.memory_space<vmem_shared>>
        tpu.enqueue_dma source(%dma_start3A_17 : memref<640xf32, #tpu.memory_space<vmem_shared>>) target(%dma_start3A : memref<640xf32, #tpu.memory_space<hbm>>) target_semaphore(%run_scoped3A : memref<!tpu.dma_semaphore, #tpu.memory_space<semaphore_mem>>)
        %dma_wait3A = tpu.memref_slice %arg5[%mul3A_16] : memref<10240xf32, #tpu.memory_space<hbm>> -> memref<640xf32, #tpu.memory_space<hbm>>
        %dma_wait3A_18 = tpu.memref_slice %arg8[%mul3A_14] : memref<10240xf32, #tpu.memory_space<vmem_shared>> -> memref<640xf32, #tpu.memory_space<vmem_shared>>
        tpu.wait_dma2 semaphore(%run_scoped3A : memref<!tpu.dma_semaphore, #tpu.memory_space<semaphore_mem>>) src(%dma_wait3A_18 : memref<640xf32, #tpu.memory_space<vmem_shared>>) dst(%dma_wait3A : memref<640xf32, #tpu.memory_space<hbm>>)
        tpu.yield
      }) : () -> ()
    } else {
    }
    return
  }
}

#map = affine_map<(d0, d1) -> (0, 0)>
module attributes {stable_mosaic.version = 14 : i64} {
  func.func @body(%arg0: i32, %arg1: i32, %arg2: memref<2560x128xi32, #tpu.memory_space<hbm>>, %arg3: memref<2560x128xi32, #tpu.memory_space<hbm>>, %arg4: memref<10240x128xf32, #tpu.memory_space<hbm>>, %arg5: memref<10240x128xf32, #tpu.memory_space<hbm>>, %arg6: memref<10240x128xf32, #tpu.memory_space<hbm>>, %arg7: memref<10240x128xf32, #tpu.memory_space<hbm>>, %arg8: memref<10240x128xf32, #tpu.memory_space<hbm>>, %arg9: memref<16x128xi32, #tpu.memory_space<vmem>>, %arg10: memref<16x128xi32, #tpu.memory_space<vmem>>, %arg11: memref<128x128xf32, #tpu.memory_space<vmem>>, %arg12: memref<128x128xf32, #tpu.memory_space<vmem>>, %arg13: memref<10240x128xf32, #tpu.memory_space<vmem_shared>>, %arg14: memref<!tpu.dma_semaphore, #tpu.memory_space<semaphore_mem>>, %arg15: memref<!tpu.dma_semaphore, #tpu.memory_space<semaphore_mem>>) attributes {dimension_semantics = [#tpu.dimension_semantics<core_parallel>, #tpu.dimension_semantics<subcore_parallel>], iteration_bounds = array<i64: 2, 16>, scalar_prefetch = 0 : i64, scratch_operands = 7 : i64, tpu.core_type = #tpu.core_type<sc_vector_subcore>, window_params = [{transform_indices = #map}, {transform_indices = #map}, {transform_indices = #map}, {transform_indices = #map}, {transform_indices = #map}, {transform_indices = #map}, {transform_indices = #map}]} {
    %mul3A = arith.constant 640 : i32
    %mul3A_0 = arith.muli %arg1, %mul3A : i32
    %mul3A_1 = arith.constant 640 : i32
    %mul3A_2 = arith.muli %arg1, %mul3A_1 : i32
    "tpu.region"() ({
      %run_scoped3A = tpu.sem_alloc : memref<!tpu.dma_semaphore, #tpu.memory_space<semaphore_mem>>
      %dma_start3A = arith.constant 0 : i32
      %dma_start3A_21 = tpu.memref_slice %arg13[%mul3A_2, %dma_start3A] : memref<10240x128xf32, #tpu.memory_space<vmem_shared>> -> memref<640x128xf32, #tpu.memory_space<vmem_shared>>
      %dma_start3A_22 = arith.constant 0 : i32
      %dma_start3A_23 = tpu.memref_slice %arg6[%mul3A_0, %dma_start3A_22] : memref<10240x128xf32, #tpu.memory_space<hbm>> -> memref<640x128xf32, #tpu.memory_space<hbm>>
      tpu.enqueue_dma source(%dma_start3A_23 : memref<640x128xf32, #tpu.memory_space<hbm>>) target(%dma_start3A_21 : memref<640x128xf32, #tpu.memory_space<vmem_shared>>) target_semaphore(%run_scoped3A : memref<!tpu.dma_semaphore, #tpu.memory_space<semaphore_mem>>)
      %dma_wait3A = arith.constant 0 : i32
      %dma_wait3A_24 = tpu.memref_slice %arg13[%mul3A_2, %dma_wait3A] : memref<10240x128xf32, #tpu.memory_space<vmem_shared>> -> memref<640x128xf32, #tpu.memory_space<vmem_shared>>
      %dma_wait3A_25 = arith.constant 0 : i32
      %dma_wait3A_26 = tpu.memref_slice %arg6[%mul3A_0, %dma_wait3A_25] : memref<10240x128xf32, #tpu.memory_space<hbm>> -> memref<640x128xf32, #tpu.memory_space<hbm>>
      tpu.wait_dma2 semaphore(%run_scoped3A : memref<!tpu.dma_semaphore, #tpu.memory_space<semaphore_mem>>) src(%dma_wait3A_26 : memref<640x128xf32, #tpu.memory_space<hbm>>) dst(%dma_wait3A_24 : memref<640x128xf32, #tpu.memory_space<vmem_shared>>)
      tpu.yield
    }) : () -> ()
    %barrier3A = arith.constant 0 : index
    tpu.barrier barrier_id(%barrier3A)
    %eq3A = arith.constant 0 : i32
    %eq3A_3 = arith.cmpi eq, %arg0, %eq3A : i32
    %convert_element_type3A = arith.extui %eq3A_3 : i1 to i32
    %cond3A = arith.constant 0 : i32
    %cond3A_4 = arith.cmpi ne, %convert_element_type3A, %cond3A : i32
    scf.if %cond3A_4 {
      %mul3A_21 = arith.constant 160 : i32
      %mul3A_22 = arith.muli %arg1, %mul3A_21 : i32
      %scan3A = arith.constant 0 : i32
      %scan3A_23 = arith.constant 0 : i32
      %scan3A_24 = arith.constant 10 : i32
      %scan3A_25 = arith.addi %scan3A_23, %scan3A_24 : i32
      %scan3A_26 = arith.constant 1 : i32
      scf.for %scan3A_28 = %scan3A_23 to %scan3A_25 step %scan3A_26  : i32 {
        %mul3A_29 = arith.constant 16 : i32
        %mul3A_30 = arith.muli %scan3A_28, %mul3A_29 : i32
        %add3A = arith.addi %mul3A_22, %mul3A_30 : i32
        "tpu.region"() ({
          %run_scoped3A = tpu.sem_alloc : memref<!tpu.dma_semaphore, #tpu.memory_space<semaphore_mem>>
          %dma_start3A_43 = arith.constant 0 : i32
          %dma_start3A_44 = tpu.memref_slice %arg2[%add3A, %dma_start3A_43] : memref<2560x128xi32, #tpu.memory_space<hbm>> -> memref<16x128xi32, #tpu.memory_space<hbm>>
          %dma_start3A_45 = arith.constant 0 : i32
          %dma_start3A_46 = tpu.memref_slice %arg2[%add3A, %dma_start3A_45] : memref<2560x128xi32, #tpu.memory_space<hbm>> -> memref<16x128xi32, #tpu.memory_space<hbm>>
          tpu.enqueue_dma source(%dma_start3A_46 : memref<16x128xi32, #tpu.memory_space<hbm>>) target(%arg9 : memref<16x128xi32, #tpu.memory_space<vmem>>) target_semaphore(%run_scoped3A : memref<!tpu.dma_semaphore, #tpu.memory_space<semaphore_mem>>)
          %dma_wait3A = arith.constant 0 : i32
          %dma_wait3A_47 = tpu.memref_slice %arg2[%add3A, %dma_wait3A] : memref<2560x128xi32, #tpu.memory_space<hbm>> -> memref<16x128xi32, #tpu.memory_space<hbm>>
          %dma_wait3A_48 = arith.constant 0 : i32
          %dma_wait3A_49 = tpu.memref_slice %arg2[%add3A, %dma_wait3A_48] : memref<2560x128xi32, #tpu.memory_space<hbm>> -> memref<16x128xi32, #tpu.memory_space<hbm>>
          tpu.wait_dma2 semaphore(%run_scoped3A : memref<!tpu.dma_semaphore, #tpu.memory_space<semaphore_mem>>) src(%dma_wait3A_49 : memref<16x128xi32, #tpu.memory_space<hbm>>) dst(%arg9 : memref<16x128xi32, #tpu.memory_space<vmem>>)
          tpu.yield
        }) : () -> ()
        "tpu.region"() ({
          %run_scoped3A = tpu.sem_alloc : memref<!tpu.dma_semaphore, #tpu.memory_space<semaphore_mem>>
          %dma_start3A_43 = arith.constant 0 : i32
          %dma_start3A_44 = tpu.memref_slice %arg3[%add3A, %dma_start3A_43] : memref<2560x128xi32, #tpu.memory_space<hbm>> -> memref<16x128xi32, #tpu.memory_space<hbm>>
          %dma_start3A_45 = arith.constant 0 : i32
          %dma_start3A_46 = tpu.memref_slice %arg3[%add3A, %dma_start3A_45] : memref<2560x128xi32, #tpu.memory_space<hbm>> -> memref<16x128xi32, #tpu.memory_space<hbm>>
          tpu.enqueue_dma source(%dma_start3A_46 : memref<16x128xi32, #tpu.memory_space<hbm>>) target(%arg10 : memref<16x128xi32, #tpu.memory_space<vmem>>) target_semaphore(%run_scoped3A : memref<!tpu.dma_semaphore, #tpu.memory_space<semaphore_mem>>)
          %dma_wait3A = arith.constant 0 : i32
          %dma_wait3A_47 = tpu.memref_slice %arg3[%add3A, %dma_wait3A] : memref<2560x128xi32, #tpu.memory_space<hbm>> -> memref<16x128xi32, #tpu.memory_space<hbm>>
          %dma_wait3A_48 = arith.constant 0 : i32
          %dma_wait3A_49 = tpu.memref_slice %arg3[%add3A, %dma_wait3A_48] : memref<2560x128xi32, #tpu.memory_space<hbm>> -> memref<16x128xi32, #tpu.memory_space<hbm>>
          tpu.wait_dma2 semaphore(%run_scoped3A : memref<!tpu.dma_semaphore, #tpu.memory_space<semaphore_mem>>) src(%dma_wait3A_49 : memref<16x128xi32, #tpu.memory_space<hbm>>) dst(%arg10 : memref<16x128xi32, #tpu.memory_space<vmem>>)
          tpu.yield
        }) : () -> ()
        %dma_start3A = arith.constant 0 : i32
        %dma_start3A_31 = arith.constant 0 : i32
        %dma_start3A_32 = tpu.memref_slice %arg9[%dma_start3A, %dma_start3A_31] : memref<16x128xi32, #tpu.memory_space<vmem>> -> memref<1x128xi32, #tpu.memory_space<vmem>>
        %dma_start3A_33 = tpu.memref_squeeze %dma_start3A_32 : memref<1x128xi32, #tpu.memory_space<vmem>> -> memref<128xi32, #tpu.memory_space<vmem>>
        %dma_start3A_34 = arith.constant 0 : i32
        %dma_start3A_35 = arith.constant 0 : i32
        %dma_start3A_36 = tpu.memref_slice %arg4[%dma_start3A_34, %dma_start3A_35] : memref<10240x128xf32, #tpu.memory_space<hbm>> -> memref<10240x128xf32, #tpu.memory_space<hbm>>
        tpu.enqueue_indirect_dma source(%dma_start3A_36 : memref<10240x128xf32, #tpu.memory_space<hbm>>) target(%arg11 : memref<128x128xf32, #tpu.memory_space<vmem>>) offsets(%dma_start3A_33 : memref<128xi32, #tpu.memory_space<vmem>>) semaphore(%arg14 : memref<!tpu.dma_semaphore, #tpu.memory_space<semaphore_mem>>)
        %scan3A_37 = arith.constant 0 : i32
        %scan3A_38 = arith.constant 0 : i32
        %scan3A_39 = arith.constant 8 : i32
        %scan3A_40 = arith.addi %scan3A_38, %scan3A_39 : i32
        %scan3A_41 = arith.constant 1 : i32
        scf.for %scan3A_43 = %scan3A_38 to %scan3A_40 step %scan3A_41  : i32 {
          %mul3A_44 = arith.constant 2 : i32
          %mul3A_45 = arith.muli %mul3A_44, %scan3A_43 : i32
          %dma_wait3A = arith.constant 0 : i32
          %dma_wait3A_46 = tpu.memref_slice %arg9[%mul3A_45, %dma_wait3A] : memref<16x128xi32, #tpu.memory_space<vmem>> -> memref<1x128xi32, #tpu.memory_space<vmem>>
          %dma_wait3A_47 = tpu.memref_squeeze %dma_wait3A_46 : memref<1x128xi32, #tpu.memory_space<vmem>> -> memref<128xi32, #tpu.memory_space<vmem>>
          %dma_wait3A_48 = arith.constant 0 : i32
          %dma_wait3A_49 = arith.constant 0 : i32
          %dma_wait3A_50 = tpu.memref_slice %arg4[%dma_wait3A_48, %dma_wait3A_49] : memref<10240x128xf32, #tpu.memory_space<hbm>> -> memref<10240x128xf32, #tpu.memory_space<hbm>>
          tpu.wait_indirect_dma semaphore(%arg14 : memref<!tpu.dma_semaphore, #tpu.memory_space<semaphore_mem>>) src(%dma_wait3A_50 : memref<10240x128xf32, #tpu.memory_space<hbm>>) dst(%arg11 : memref<128x128xf32, #tpu.memory_space<vmem>>)
          %add3A_51 = arith.constant 1 : i32
          %add3A_52 = arith.addi %mul3A_45, %add3A_51 : i32
          %dma_start3A_53 = arith.constant 0 : i32
          %dma_start3A_54 = tpu.memref_slice %arg9[%add3A_52, %dma_start3A_53] : memref<16x128xi32, #tpu.memory_space<vmem>> -> memref<1x128xi32, #tpu.memory_space<vmem>>
          %dma_start3A_55 = tpu.memref_squeeze %dma_start3A_54 : memref<1x128xi32, #tpu.memory_space<vmem>> -> memref<128xi32, #tpu.memory_space<vmem>>
          %dma_start3A_56 = arith.constant 0 : i32
          %dma_start3A_57 = arith.constant 0 : i32
          %dma_start3A_58 = tpu.memref_slice %arg4[%dma_start3A_56, %dma_start3A_57] : memref<10240x128xf32, #tpu.memory_space<hbm>> -> memref<10240x128xf32, #tpu.memory_space<hbm>>
          tpu.enqueue_indirect_dma source(%dma_start3A_58 : memref<10240x128xf32, #tpu.memory_space<hbm>>) target(%arg12 : memref<128x128xf32, #tpu.memory_space<vmem>>) offsets(%dma_start3A_55 : memref<128xi32, #tpu.memory_space<vmem>>) semaphore(%arg15 : memref<!tpu.dma_semaphore, #tpu.memory_space<semaphore_mem>>)
          "tpu.region"() ({
            %run_scoped3A = tpu.sem_alloc : memref<!tpu.dma_semaphore, #tpu.memory_space<semaphore_mem>>
            %dma_start3A_75 = arith.constant 0 : i32
            %dma_start3A_76 = tpu.memref_slice %arg10[%mul3A_45, %dma_start3A_75] : memref<16x128xi32, #tpu.memory_space<vmem>> -> memref<1x128xi32, #tpu.memory_space<vmem>>
            %dma_start3A_77 = tpu.memref_squeeze %dma_start3A_76 : memref<1x128xi32, #tpu.memory_space<vmem>> -> memref<128xi32, #tpu.memory_space<vmem>>
            %dma_start3A_78 = arith.constant 0 : i32
            %dma_start3A_79 = arith.constant 0 : i32
            %dma_start3A_80 = tpu.memref_slice %arg13[%dma_start3A_78, %dma_start3A_79] : memref<10240x128xf32, #tpu.memory_space<vmem_shared>> -> memref<10240x128xf32, #tpu.memory_space<vmem_shared>>
            tpu.enqueue_indirect_dma source(%arg11 : memref<128x128xf32, #tpu.memory_space<vmem>>) target(%dma_start3A_80 : memref<10240x128xf32, #tpu.memory_space<vmem_shared>>) offsets(%dma_start3A_77 : memref<128xi32, #tpu.memory_space<vmem>>) semaphore(%run_scoped3A : memref<!tpu.dma_semaphore, #tpu.memory_space<semaphore_mem>>) {add = true}
            %dma_wait3A_81 = arith.constant 0 : i32
            %dma_wait3A_82 = tpu.memref_slice %arg10[%mul3A_45, %dma_wait3A_81] : memref<16x128xi32, #tpu.memory_space<vmem>> -> memref<1x128xi32, #tpu.memory_space<vmem>>
            %dma_wait3A_83 = tpu.memref_squeeze %dma_wait3A_82 : memref<1x128xi32, #tpu.memory_space<vmem>> -> memref<128xi32, #tpu.memory_space<vmem>>
            %dma_wait3A_84 = arith.constant 0 : i32
            %dma_wait3A_85 = arith.constant 0 : i32
            %dma_wait3A_86 = tpu.memref_slice %arg13[%dma_wait3A_84, %dma_wait3A_85] : memref<10240x128xf32, #tpu.memory_space<vmem_shared>> -> memref<10240x128xf32, #tpu.memory_space<vmem_shared>>
            tpu.wait_indirect_dma semaphore(%run_scoped3A : memref<!tpu.dma_semaphore, #tpu.memory_space<semaphore_mem>>) src(%arg11 : memref<128x128xf32, #tpu.memory_space<vmem>>) dst(%dma_wait3A_86 : memref<10240x128xf32, #tpu.memory_space<vmem_shared>>)
            tpu.yield
          }) : () -> ()
          %add3A_59 = arith.constant 1 : i32
          %add3A_60 = arith.addi %mul3A_45, %add3A_59 : i32
          %dma_wait3A_61 = arith.constant 0 : i32
          %dma_wait3A_62 = tpu.memref_slice %arg9[%add3A_60, %dma_wait3A_61] : memref<16x128xi32, #tpu.memory_space<vmem>> -> memref<1x128xi32, #tpu.memory_space<vmem>>
          %dma_wait3A_63 = tpu.memref_squeeze %dma_wait3A_62 : memref<1x128xi32, #tpu.memory_space<vmem>> -> memref<128xi32, #tpu.memory_space<vmem>>
          %dma_wait3A_64 = arith.constant 0 : i32
          %dma_wait3A_65 = arith.constant 0 : i32
          %dma_wait3A_66 = tpu.memref_slice %arg4[%dma_wait3A_64, %dma_wait3A_65] : memref<10240x128xf32, #tpu.memory_space<hbm>> -> memref<10240x128xf32, #tpu.memory_space<hbm>>
          tpu.wait_indirect_dma semaphore(%arg15 : memref<!tpu.dma_semaphore, #tpu.memory_space<semaphore_mem>>) src(%dma_wait3A_66 : memref<10240x128xf32, #tpu.memory_space<hbm>>) dst(%arg12 : memref<128x128xf32, #tpu.memory_space<vmem>>)
          %add3A_67 = arith.constant 2 : i32
          %add3A_68 = arith.addi %mul3A_45, %add3A_67 : i32
          %lt3A = arith.constant 16 : i32
          %lt3A_69 = arith.cmpi slt, %add3A_68, %lt3A : i32
          %convert_element_type3A_70 = arith.extui %lt3A_69 : i1 to i32
          %cond3A_71 = arith.constant 0 : i32
          %cond3A_72 = arith.cmpi ne, %convert_element_type3A_70, %cond3A_71 : i32
          scf.if %cond3A_72 {
            %add3A_75 = arith.constant 2 : i32
            %add3A_76 = arith.addi %mul3A_45, %add3A_75 : i32
            %dma_start3A_77 = arith.constant 0 : i32
            %dma_start3A_78 = tpu.memref_slice %arg9[%add3A_76, %dma_start3A_77] : memref<16x128xi32, #tpu.memory_space<vmem>> -> memref<1x128xi32, #tpu.memory_space<vmem>>
            %dma_start3A_79 = tpu.memref_squeeze %dma_start3A_78 : memref<1x128xi32, #tpu.memory_space<vmem>> -> memref<128xi32, #tpu.memory_space<vmem>>
            %dma_start3A_80 = arith.constant 0 : i32
            %dma_start3A_81 = arith.constant 0 : i32
            %dma_start3A_82 = tpu.memref_slice %arg4[%dma_start3A_80, %dma_start3A_81] : memref<10240x128xf32, #tpu.memory_space<hbm>> -> memref<10240x128xf32, #tpu.memory_space<hbm>>
            tpu.enqueue_indirect_dma source(%dma_start3A_82 : memref<10240x128xf32, #tpu.memory_space<hbm>>) target(%arg11 : memref<128x128xf32, #tpu.memory_space<vmem>>) offsets(%dma_start3A_79 : memref<128xi32, #tpu.memory_space<vmem>>) semaphore(%arg14 : memref<!tpu.dma_semaphore, #tpu.memory_space<semaphore_mem>>)
          } else {
          }
          %add3A_73 = arith.constant 1 : i32
          %add3A_74 = arith.addi %mul3A_45, %add3A_73 : i32
          "tpu.region"() ({
            %run_scoped3A = tpu.sem_alloc : memref<!tpu.dma_semaphore, #tpu.memory_space<semaphore_mem>>
            %dma_start3A_75 = arith.constant 0 : i32
            %dma_start3A_76 = tpu.memref_slice %arg10[%add3A_74, %dma_start3A_75] : memref<16x128xi32, #tpu.memory_space<vmem>> -> memref<1x128xi32, #tpu.memory_space<vmem>>
            %dma_start3A_77 = tpu.memref_squeeze %dma_start3A_76 : memref<1x128xi32, #tpu.memory_space<vmem>> -> memref<128xi32, #tpu.memory_space<vmem>>
            %dma_start3A_78 = arith.constant 0 : i32
            %dma_start3A_79 = arith.constant 0 : i32
            %dma_start3A_80 = tpu.memref_slice %arg13[%dma_start3A_78, %dma_start3A_79] : memref<10240x128xf32, #tpu.memory_space<vmem_shared>> -> memref<10240x128xf32, #tpu.memory_space<vmem_shared>>
            tpu.enqueue_indirect_dma source(%arg12 : memref<128x128xf32, #tpu.memory_space<vmem>>) target(%dma_start3A_80 : memref<10240x128xf32, #tpu.memory_space<vmem_shared>>) offsets(%dma_start3A_77 : memref<128xi32, #tpu.memory_space<vmem>>) semaphore(%run_scoped3A : memref<!tpu.dma_semaphore, #tpu.memory_space<semaphore_mem>>) {add = true}
            %dma_wait3A_81 = arith.constant 0 : i32
            %dma_wait3A_82 = tpu.memref_slice %arg10[%add3A_74, %dma_wait3A_81] : memref<16x128xi32, #tpu.memory_space<vmem>> -> memref<1x128xi32, #tpu.memory_space<vmem>>
            %dma_wait3A_83 = tpu.memref_squeeze %dma_wait3A_82 : memref<1x128xi32, #tpu.memory_space<vmem>> -> memref<128xi32, #tpu.memory_space<vmem>>
            %dma_wait3A_84 = arith.constant 0 : i32
            %dma_wait3A_85 = arith.constant 0 : i32
            %dma_wait3A_86 = tpu.memref_slice %arg13[%dma_wait3A_84, %dma_wait3A_85] : memref<10240x128xf32, #tpu.memory_space<vmem_shared>> -> memref<10240x128xf32, #tpu.memory_space<vmem_shared>>
            tpu.wait_indirect_dma semaphore(%run_scoped3A : memref<!tpu.dma_semaphore, #tpu.memory_space<semaphore_mem>>) src(%arg12 : memref<128x128xf32, #tpu.memory_space<vmem>>) dst(%dma_wait3A_86 : memref<10240x128xf32, #tpu.memory_space<vmem_shared>>)
            tpu.yield
          }) : () -> ()
        }
        %scan3A_42 = arith.constant 8 : i32
      }
      %scan3A_27 = arith.constant 10 : i32
    } else {
    }
    %eq3A_5 = arith.constant 1 : i32
    %eq3A_6 = arith.cmpi eq, %arg0, %eq3A_5 : i32
    %convert_element_type3A_7 = arith.extui %eq3A_6 : i1 to i32
    %cond3A_8 = arith.constant 0 : i32
    %cond3A_9 = arith.cmpi ne, %convert_element_type3A_7, %cond3A_8 : i32
    scf.if %cond3A_9 {
      %mul3A_21 = arith.constant 160 : i32
      %mul3A_22 = arith.muli %arg1, %mul3A_21 : i32
      %scan3A = arith.constant 0 : i32
      %scan3A_23 = arith.constant 0 : i32
      %scan3A_24 = arith.constant 10 : i32
      %scan3A_25 = arith.addi %scan3A_23, %scan3A_24 : i32
      %scan3A_26 = arith.constant 1 : i32
      scf.for %scan3A_28 = %scan3A_23 to %scan3A_25 step %scan3A_26  : i32 {
        %mul3A_29 = arith.constant 16 : i32
        %mul3A_30 = arith.muli %scan3A_28, %mul3A_29 : i32
        %add3A = arith.addi %mul3A_22, %mul3A_30 : i32
        "tpu.region"() ({
          %run_scoped3A = tpu.sem_alloc : memref<!tpu.dma_semaphore, #tpu.memory_space<semaphore_mem>>
          %dma_start3A_43 = arith.constant 0 : i32
          %dma_start3A_44 = tpu.memref_slice %arg2[%add3A, %dma_start3A_43] : memref<2560x128xi32, #tpu.memory_space<hbm>> -> memref<16x128xi32, #tpu.memory_space<hbm>>
          %dma_start3A_45 = arith.constant 0 : i32
          %dma_start3A_46 = tpu.memref_slice %arg2[%add3A, %dma_start3A_45] : memref<2560x128xi32, #tpu.memory_space<hbm>> -> memref<16x128xi32, #tpu.memory_space<hbm>>
          tpu.enqueue_dma source(%dma_start3A_46 : memref<16x128xi32, #tpu.memory_space<hbm>>) target(%arg9 : memref<16x128xi32, #tpu.memory_space<vmem>>) target_semaphore(%run_scoped3A : memref<!tpu.dma_semaphore, #tpu.memory_space<semaphore_mem>>)
          %dma_wait3A = arith.constant 0 : i32
          %dma_wait3A_47 = tpu.memref_slice %arg2[%add3A, %dma_wait3A] : memref<2560x128xi32, #tpu.memory_space<hbm>> -> memref<16x128xi32, #tpu.memory_space<hbm>>
          %dma_wait3A_48 = arith.constant 0 : i32
          %dma_wait3A_49 = tpu.memref_slice %arg2[%add3A, %dma_wait3A_48] : memref<2560x128xi32, #tpu.memory_space<hbm>> -> memref<16x128xi32, #tpu.memory_space<hbm>>
          tpu.wait_dma2 semaphore(%run_scoped3A : memref<!tpu.dma_semaphore, #tpu.memory_space<semaphore_mem>>) src(%dma_wait3A_49 : memref<16x128xi32, #tpu.memory_space<hbm>>) dst(%arg9 : memref<16x128xi32, #tpu.memory_space<vmem>>)
          tpu.yield
        }) : () -> ()
        "tpu.region"() ({
          %run_scoped3A = tpu.sem_alloc : memref<!tpu.dma_semaphore, #tpu.memory_space<semaphore_mem>>
          %dma_start3A_43 = arith.constant 0 : i32
          %dma_start3A_44 = tpu.memref_slice %arg3[%add3A, %dma_start3A_43] : memref<2560x128xi32, #tpu.memory_space<hbm>> -> memref<16x128xi32, #tpu.memory_space<hbm>>
          %dma_start3A_45 = arith.constant 0 : i32
          %dma_start3A_46 = tpu.memref_slice %arg3[%add3A, %dma_start3A_45] : memref<2560x128xi32, #tpu.memory_space<hbm>> -> memref<16x128xi32, #tpu.memory_space<hbm>>
          tpu.enqueue_dma source(%dma_start3A_46 : memref<16x128xi32, #tpu.memory_space<hbm>>) target(%arg10 : memref<16x128xi32, #tpu.memory_space<vmem>>) target_semaphore(%run_scoped3A : memref<!tpu.dma_semaphore, #tpu.memory_space<semaphore_mem>>)
          %dma_wait3A = arith.constant 0 : i32
          %dma_wait3A_47 = tpu.memref_slice %arg3[%add3A, %dma_wait3A] : memref<2560x128xi32, #tpu.memory_space<hbm>> -> memref<16x128xi32, #tpu.memory_space<hbm>>
          %dma_wait3A_48 = arith.constant 0 : i32
          %dma_wait3A_49 = tpu.memref_slice %arg3[%add3A, %dma_wait3A_48] : memref<2560x128xi32, #tpu.memory_space<hbm>> -> memref<16x128xi32, #tpu.memory_space<hbm>>
          tpu.wait_dma2 semaphore(%run_scoped3A : memref<!tpu.dma_semaphore, #tpu.memory_space<semaphore_mem>>) src(%dma_wait3A_49 : memref<16x128xi32, #tpu.memory_space<hbm>>) dst(%arg10 : memref<16x128xi32, #tpu.memory_space<vmem>>)
          tpu.yield
        }) : () -> ()
        %dma_start3A = arith.constant 0 : i32
        %dma_start3A_31 = arith.constant 0 : i32
        %dma_start3A_32 = tpu.memref_slice %arg9[%dma_start3A, %dma_start3A_31] : memref<16x128xi32, #tpu.memory_space<vmem>> -> memref<1x128xi32, #tpu.memory_space<vmem>>
        %dma_start3A_33 = tpu.memref_squeeze %dma_start3A_32 : memref<1x128xi32, #tpu.memory_space<vmem>> -> memref<128xi32, #tpu.memory_space<vmem>>
        %dma_start3A_34 = arith.constant 0 : i32
        %dma_start3A_35 = arith.constant 0 : i32
        %dma_start3A_36 = tpu.memref_slice %arg5[%dma_start3A_34, %dma_start3A_35] : memref<10240x128xf32, #tpu.memory_space<hbm>> -> memref<10240x128xf32, #tpu.memory_space<hbm>>
        tpu.enqueue_indirect_dma source(%dma_start3A_36 : memref<10240x128xf32, #tpu.memory_space<hbm>>) target(%arg11 : memref<128x128xf32, #tpu.memory_space<vmem>>) offsets(%dma_start3A_33 : memref<128xi32, #tpu.memory_space<vmem>>) semaphore(%arg14 : memref<!tpu.dma_semaphore, #tpu.memory_space<semaphore_mem>>)
        %scan3A_37 = arith.constant 0 : i32
        %scan3A_38 = arith.constant 0 : i32
        %scan3A_39 = arith.constant 8 : i32
        %scan3A_40 = arith.addi %scan3A_38, %scan3A_39 : i32
        %scan3A_41 = arith.constant 1 : i32
        scf.for %scan3A_43 = %scan3A_38 to %scan3A_40 step %scan3A_41  : i32 {
          %mul3A_44 = arith.constant 2 : i32
          %mul3A_45 = arith.muli %mul3A_44, %scan3A_43 : i32
          %dma_wait3A = arith.constant 0 : i32
          %dma_wait3A_46 = tpu.memref_slice %arg9[%mul3A_45, %dma_wait3A] : memref<16x128xi32, #tpu.memory_space<vmem>> -> memref<1x128xi32, #tpu.memory_space<vmem>>
          %dma_wait3A_47 = tpu.memref_squeeze %dma_wait3A_46 : memref<1x128xi32, #tpu.memory_space<vmem>> -> memref<128xi32, #tpu.memory_space<vmem>>
          %dma_wait3A_48 = arith.constant 0 : i32
          %dma_wait3A_49 = arith.constant 0 : i32
          %dma_wait3A_50 = tpu.memref_slice %arg5[%dma_wait3A_48, %dma_wait3A_49] : memref<10240x128xf32, #tpu.memory_space<hbm>> -> memref<10240x128xf32, #tpu.memory_space<hbm>>
          tpu.wait_indirect_dma semaphore(%arg14 : memref<!tpu.dma_semaphore, #tpu.memory_space<semaphore_mem>>) src(%dma_wait3A_50 : memref<10240x128xf32, #tpu.memory_space<hbm>>) dst(%arg11 : memref<128x128xf32, #tpu.memory_space<vmem>>)
          %add3A_51 = arith.constant 1 : i32
          %add3A_52 = arith.addi %mul3A_45, %add3A_51 : i32
          %dma_start3A_53 = arith.constant 0 : i32
          %dma_start3A_54 = tpu.memref_slice %arg9[%add3A_52, %dma_start3A_53] : memref<16x128xi32, #tpu.memory_space<vmem>> -> memref<1x128xi32, #tpu.memory_space<vmem>>
          %dma_start3A_55 = tpu.memref_squeeze %dma_start3A_54 : memref<1x128xi32, #tpu.memory_space<vmem>> -> memref<128xi32, #tpu.memory_space<vmem>>
          %dma_start3A_56 = arith.constant 0 : i32
          %dma_start3A_57 = arith.constant 0 : i32
          %dma_start3A_58 = tpu.memref_slice %arg5[%dma_start3A_56, %dma_start3A_57] : memref<10240x128xf32, #tpu.memory_space<hbm>> -> memref<10240x128xf32, #tpu.memory_space<hbm>>
          tpu.enqueue_indirect_dma source(%dma_start3A_58 : memref<10240x128xf32, #tpu.memory_space<hbm>>) target(%arg12 : memref<128x128xf32, #tpu.memory_space<vmem>>) offsets(%dma_start3A_55 : memref<128xi32, #tpu.memory_space<vmem>>) semaphore(%arg15 : memref<!tpu.dma_semaphore, #tpu.memory_space<semaphore_mem>>)
          "tpu.region"() ({
            %run_scoped3A = tpu.sem_alloc : memref<!tpu.dma_semaphore, #tpu.memory_space<semaphore_mem>>
            %dma_start3A_75 = arith.constant 0 : i32
            %dma_start3A_76 = tpu.memref_slice %arg10[%mul3A_45, %dma_start3A_75] : memref<16x128xi32, #tpu.memory_space<vmem>> -> memref<1x128xi32, #tpu.memory_space<vmem>>
            %dma_start3A_77 = tpu.memref_squeeze %dma_start3A_76 : memref<1x128xi32, #tpu.memory_space<vmem>> -> memref<128xi32, #tpu.memory_space<vmem>>
            %dma_start3A_78 = arith.constant 0 : i32
            %dma_start3A_79 = arith.constant 0 : i32
            %dma_start3A_80 = tpu.memref_slice %arg13[%dma_start3A_78, %dma_start3A_79] : memref<10240x128xf32, #tpu.memory_space<vmem_shared>> -> memref<10240x128xf32, #tpu.memory_space<vmem_shared>>
            tpu.enqueue_indirect_dma source(%arg11 : memref<128x128xf32, #tpu.memory_space<vmem>>) target(%dma_start3A_80 : memref<10240x128xf32, #tpu.memory_space<vmem_shared>>) offsets(%dma_start3A_77 : memref<128xi32, #tpu.memory_space<vmem>>) semaphore(%run_scoped3A : memref<!tpu.dma_semaphore, #tpu.memory_space<semaphore_mem>>) {add = true}
            %dma_wait3A_81 = arith.constant 0 : i32
            %dma_wait3A_82 = tpu.memref_slice %arg10[%mul3A_45, %dma_wait3A_81] : memref<16x128xi32, #tpu.memory_space<vmem>> -> memref<1x128xi32, #tpu.memory_space<vmem>>
            %dma_wait3A_83 = tpu.memref_squeeze %dma_wait3A_82 : memref<1x128xi32, #tpu.memory_space<vmem>> -> memref<128xi32, #tpu.memory_space<vmem>>
            %dma_wait3A_84 = arith.constant 0 : i32
            %dma_wait3A_85 = arith.constant 0 : i32
            %dma_wait3A_86 = tpu.memref_slice %arg13[%dma_wait3A_84, %dma_wait3A_85] : memref<10240x128xf32, #tpu.memory_space<vmem_shared>> -> memref<10240x128xf32, #tpu.memory_space<vmem_shared>>
            tpu.wait_indirect_dma semaphore(%run_scoped3A : memref<!tpu.dma_semaphore, #tpu.memory_space<semaphore_mem>>) src(%arg11 : memref<128x128xf32, #tpu.memory_space<vmem>>) dst(%dma_wait3A_86 : memref<10240x128xf32, #tpu.memory_space<vmem_shared>>)
            tpu.yield
          }) : () -> ()
          %add3A_59 = arith.constant 1 : i32
          %add3A_60 = arith.addi %mul3A_45, %add3A_59 : i32
          %dma_wait3A_61 = arith.constant 0 : i32
          %dma_wait3A_62 = tpu.memref_slice %arg9[%add3A_60, %dma_wait3A_61] : memref<16x128xi32, #tpu.memory_space<vmem>> -> memref<1x128xi32, #tpu.memory_space<vmem>>
          %dma_wait3A_63 = tpu.memref_squeeze %dma_wait3A_62 : memref<1x128xi32, #tpu.memory_space<vmem>> -> memref<128xi32, #tpu.memory_space<vmem>>
          %dma_wait3A_64 = arith.constant 0 : i32
          %dma_wait3A_65 = arith.constant 0 : i32
          %dma_wait3A_66 = tpu.memref_slice %arg5[%dma_wait3A_64, %dma_wait3A_65] : memref<10240x128xf32, #tpu.memory_space<hbm>> -> memref<10240x128xf32, #tpu.memory_space<hbm>>
          tpu.wait_indirect_dma semaphore(%arg15 : memref<!tpu.dma_semaphore, #tpu.memory_space<semaphore_mem>>) src(%dma_wait3A_66 : memref<10240x128xf32, #tpu.memory_space<hbm>>) dst(%arg12 : memref<128x128xf32, #tpu.memory_space<vmem>>)
          %add3A_67 = arith.constant 2 : i32
          %add3A_68 = arith.addi %mul3A_45, %add3A_67 : i32
          %lt3A = arith.constant 16 : i32
          %lt3A_69 = arith.cmpi slt, %add3A_68, %lt3A : i32
          %convert_element_type3A_70 = arith.extui %lt3A_69 : i1 to i32
          %cond3A_71 = arith.constant 0 : i32
          %cond3A_72 = arith.cmpi ne, %convert_element_type3A_70, %cond3A_71 : i32
          scf.if %cond3A_72 {
            %add3A_75 = arith.constant 2 : i32
            %add3A_76 = arith.addi %mul3A_45, %add3A_75 : i32
            %dma_start3A_77 = arith.constant 0 : i32
            %dma_start3A_78 = tpu.memref_slice %arg9[%add3A_76, %dma_start3A_77] : memref<16x128xi32, #tpu.memory_space<vmem>> -> memref<1x128xi32, #tpu.memory_space<vmem>>
            %dma_start3A_79 = tpu.memref_squeeze %dma_start3A_78 : memref<1x128xi32, #tpu.memory_space<vmem>> -> memref<128xi32, #tpu.memory_space<vmem>>
            %dma_start3A_80 = arith.constant 0 : i32
            %dma_start3A_81 = arith.constant 0 : i32
            %dma_start3A_82 = tpu.memref_slice %arg5[%dma_start3A_80, %dma_start3A_81] : memref<10240x128xf32, #tpu.memory_space<hbm>> -> memref<10240x128xf32, #tpu.memory_space<hbm>>
            tpu.enqueue_indirect_dma source(%dma_start3A_82 : memref<10240x128xf32, #tpu.memory_space<hbm>>) target(%arg11 : memref<128x128xf32, #tpu.memory_space<vmem>>) offsets(%dma_start3A_79 : memref<128xi32, #tpu.memory_space<vmem>>) semaphore(%arg14 : memref<!tpu.dma_semaphore, #tpu.memory_space<semaphore_mem>>)
          } else {
          }
          %add3A_73 = arith.constant 1 : i32
          %add3A_74 = arith.addi %mul3A_45, %add3A_73 : i32
          "tpu.region"() ({
            %run_scoped3A = tpu.sem_alloc : memref<!tpu.dma_semaphore, #tpu.memory_space<semaphore_mem>>
            %dma_start3A_75 = arith.constant 0 : i32
            %dma_start3A_76 = tpu.memref_slice %arg10[%add3A_74, %dma_start3A_75] : memref<16x128xi32, #tpu.memory_space<vmem>> -> memref<1x128xi32, #tpu.memory_space<vmem>>
            %dma_start3A_77 = tpu.memref_squeeze %dma_start3A_76 : memref<1x128xi32, #tpu.memory_space<vmem>> -> memref<128xi32, #tpu.memory_space<vmem>>
            %dma_start3A_78 = arith.constant 0 : i32
            %dma_start3A_79 = arith.constant 0 : i32
            %dma_start3A_80 = tpu.memref_slice %arg13[%dma_start3A_78, %dma_start3A_79] : memref<10240x128xf32, #tpu.memory_space<vmem_shared>> -> memref<10240x128xf32, #tpu.memory_space<vmem_shared>>
            tpu.enqueue_indirect_dma source(%arg12 : memref<128x128xf32, #tpu.memory_space<vmem>>) target(%dma_start3A_80 : memref<10240x128xf32, #tpu.memory_space<vmem_shared>>) offsets(%dma_start3A_77 : memref<128xi32, #tpu.memory_space<vmem>>) semaphore(%run_scoped3A : memref<!tpu.dma_semaphore, #tpu.memory_space<semaphore_mem>>) {add = true}
            %dma_wait3A_81 = arith.constant 0 : i32
            %dma_wait3A_82 = tpu.memref_slice %arg10[%add3A_74, %dma_wait3A_81] : memref<16x128xi32, #tpu.memory_space<vmem>> -> memref<1x128xi32, #tpu.memory_space<vmem>>
            %dma_wait3A_83 = tpu.memref_squeeze %dma_wait3A_82 : memref<1x128xi32, #tpu.memory_space<vmem>> -> memref<128xi32, #tpu.memory_space<vmem>>
            %dma_wait3A_84 = arith.constant 0 : i32
            %dma_wait3A_85 = arith.constant 0 : i32
            %dma_wait3A_86 = tpu.memref_slice %arg13[%dma_wait3A_84, %dma_wait3A_85] : memref<10240x128xf32, #tpu.memory_space<vmem_shared>> -> memref<10240x128xf32, #tpu.memory_space<vmem_shared>>
            tpu.wait_indirect_dma semaphore(%run_scoped3A : memref<!tpu.dma_semaphore, #tpu.memory_space<semaphore_mem>>) src(%arg12 : memref<128x128xf32, #tpu.memory_space<vmem>>) dst(%dma_wait3A_86 : memref<10240x128xf32, #tpu.memory_space<vmem_shared>>)
            tpu.yield
          }) : () -> ()
        }
        %scan3A_42 = arith.constant 8 : i32
      }
      %scan3A_27 = arith.constant 10 : i32
    } else {
    }
    %barrier3A_10 = arith.constant 0 : index
    tpu.barrier barrier_id(%barrier3A_10)
    %eq3A_11 = arith.constant 0 : i32
    %eq3A_12 = arith.cmpi eq, %arg0, %eq3A_11 : i32
    %convert_element_type3A_13 = arith.extui %eq3A_12 : i1 to i32
    %cond3A_14 = arith.constant 0 : i32
    %cond3A_15 = arith.cmpi ne, %convert_element_type3A_13, %cond3A_14 : i32
    scf.if %cond3A_15 {
      %mul3A_21 = arith.constant 640 : i32
      %mul3A_22 = arith.muli %arg1, %mul3A_21 : i32
      %mul3A_23 = arith.constant 640 : i32
      %mul3A_24 = arith.muli %arg1, %mul3A_23 : i32
      "tpu.region"() ({
        %run_scoped3A = tpu.sem_alloc : memref<!tpu.dma_semaphore, #tpu.memory_space<semaphore_mem>>
        %dma_start3A = arith.constant 0 : i32
        %dma_start3A_25 = tpu.memref_slice %arg7[%mul3A_24, %dma_start3A] : memref<10240x128xf32, #tpu.memory_space<hbm>> -> memref<640x128xf32, #tpu.memory_space<hbm>>
        %dma_start3A_26 = arith.constant 0 : i32
        %dma_start3A_27 = tpu.memref_slice %arg13[%mul3A_22, %dma_start3A_26] : memref<10240x128xf32, #tpu.memory_space<vmem_shared>> -> memref<640x128xf32, #tpu.memory_space<vmem_shared>>
        tpu.enqueue_dma source(%dma_start3A_27 : memref<640x128xf32, #tpu.memory_space<vmem_shared>>) target(%dma_start3A_25 : memref<640x128xf32, #tpu.memory_space<hbm>>) target_semaphore(%run_scoped3A : memref<!tpu.dma_semaphore, #tpu.memory_space<semaphore_mem>>)
        %dma_wait3A = arith.constant 0 : i32
        %dma_wait3A_28 = tpu.memref_slice %arg7[%mul3A_24, %dma_wait3A] : memref<10240x128xf32, #tpu.memory_space<hbm>> -> memref<640x128xf32, #tpu.memory_space<hbm>>
        %dma_wait3A_29 = arith.constant 0 : i32
        %dma_wait3A_30 = tpu.memref_slice %arg13[%mul3A_22, %dma_wait3A_29] : memref<10240x128xf32, #tpu.memory_space<vmem_shared>> -> memref<640x128xf32, #tpu.memory_space<vmem_shared>>
        tpu.wait_dma2 semaphore(%run_scoped3A : memref<!tpu.dma_semaphore, #tpu.memory_space<semaphore_mem>>) src(%dma_wait3A_30 : memref<640x128xf32, #tpu.memory_space<vmem_shared>>) dst(%dma_wait3A_28 : memref<640x128xf32, #tpu.memory_space<hbm>>)
        tpu.yield
      }) : () -> ()
    } else {
    }
    %eq3A_16 = arith.constant 1 : i32
    %eq3A_17 = arith.cmpi eq, %arg0, %eq3A_16 : i32
    %convert_element_type3A_18 = arith.extui %eq3A_17 : i1 to i32
    %cond3A_19 = arith.constant 0 : i32
    %cond3A_20 = arith.cmpi ne, %convert_element_type3A_18, %cond3A_19 : i32
    scf.if %cond3A_20 {
      %mul3A_21 = arith.constant 640 : i32
      %mul3A_22 = arith.muli %arg1, %mul3A_21 : i32
      %mul3A_23 = arith.constant 640 : i32
      %mul3A_24 = arith.muli %arg1, %mul3A_23 : i32
      "tpu.region"() ({
        %run_scoped3A = tpu.sem_alloc : memref<!tpu.dma_semaphore, #tpu.memory_space<semaphore_mem>>
        %dma_start3A = arith.constant 0 : i32
        %dma_start3A_25 = tpu.memref_slice %arg8[%mul3A_24, %dma_start3A] : memref<10240x128xf32, #tpu.memory_space<hbm>> -> memref<640x128xf32, #tpu.memory_space<hbm>>
        %dma_start3A_26 = arith.constant 0 : i32
        %dma_start3A_27 = tpu.memref_slice %arg13[%mul3A_22, %dma_start3A_26] : memref<10240x128xf32, #tpu.memory_space<vmem_shared>> -> memref<640x128xf32, #tpu.memory_space<vmem_shared>>
        tpu.enqueue_dma source(%dma_start3A_27 : memref<640x128xf32, #tpu.memory_space<vmem_shared>>) target(%dma_start3A_25 : memref<640x128xf32, #tpu.memory_space<hbm>>) target_semaphore(%run_scoped3A : memref<!tpu.dma_semaphore, #tpu.memory_space<semaphore_mem>>)
        %dma_wait3A = arith.constant 0 : i32
        %dma_wait3A_28 = tpu.memref_slice %arg8[%mul3A_24, %dma_wait3A] : memref<10240x128xf32, #tpu.memory_space<hbm>> -> memref<640x128xf32, #tpu.memory_space<hbm>>
        %dma_wait3A_29 = arith.constant 0 : i32
        %dma_wait3A_30 = tpu.memref_slice %arg13[%mul3A_22, %dma_wait3A_29] : memref<10240x128xf32, #tpu.memory_space<vmem_shared>> -> memref<640x128xf32, #tpu.memory_space<vmem_shared>>
        tpu.wait_dma2 semaphore(%run_scoped3A : memref<!tpu.dma_semaphore, #tpu.memory_space<semaphore_mem>>) src(%dma_wait3A_30 : memref<640x128xf32, #tpu.memory_space<vmem_shared>>) dst(%dma_wait3A_28 : memref<640x128xf32, #tpu.memory_space<hbm>>)
        tpu.yield
      }) : () -> ()
    } else {
    }
    return
  }
}

module attributes {stable_mosaic.version = 14 : i64} {
  func.func @_mm1_body(%arg0: i32, %arg1: memref<512x128xf32, #tpu.memory_space<vmem>>, %arg2: memref<128x128xf32, #tpu.memory_space<vmem>>, %arg3: memref<512x1xf32, #tpu.memory_space<vmem>>, %arg4: memref<512x128xf32, #tpu.memory_space<vmem>>) attributes {dimension_semantics = [#tpu.dimension_semantics<parallel>], iteration_bounds = array<i64: 20>, scalar_prefetch = 0 : i64, scratch_operands = 0 : i64, tpu.core_type = #tpu.core_type<tc>, window_params = [{transform_indices = @transform_0, window_bounds = array<i64: 512, 128>}, {pipeline_mode = #tpu.pipeline_mode<synchronous>, transform_indices = @transform_1, window_bounds = array<i64: 128, 128>}, {transform_indices = @transform_2, window_bounds = array<i64: 512, 1>}, {transform_indices = @transform_3, window_bounds = array<i64: 512, 128>}]} {
    %get3A = arith.constant 0 : index
    %get3A_0 = arith.constant 0 : index
    %get3A_1 = vector.load %arg3[%get3A, %get3A_0] : memref<512x1xf32, #tpu.memory_space<vmem>>, vector<512x1xf32>
    %add3A = arith.constant 1.000000e-16 : f32
    %add3A_2 = vector.broadcast %add3A : f32 to vector<512x1xf32>
    %add3A_3 = arith.addf %get3A_1, %add3A_2 : vector<512x1xf32>
    %rsqrt3A = math.rsqrt %add3A_3 : vector<512x1xf32>
    %get3A_4 = arith.constant 0 : index
    %get3A_5 = arith.constant 0 : index
    %get3A_6 = vector.load %arg1[%get3A_4, %get3A_5] : memref<512x128xf32, #tpu.memory_space<vmem>>, vector<512x128xf32>
    %get3A_7 = arith.constant 0 : index
    %get3A_8 = arith.constant 0 : index
    %get3A_9 = vector.load %arg2[%get3A_7, %get3A_8] : memref<128x128xf32, #tpu.memory_space<vmem>>, vector<128x128xf32>
    %dot_general3A = arith.constant dense<0.000000e+00> : vector<512x128xf32>
    %dot_general3A_10 = tpu.matmul %get3A_6, %get3A_9, %dot_general3A {dimension_numbers = #tpu.dot_dimension_numbers<[1], [0], [0], [1], [0, 0, 1, 1], [], []>, transpose_lhs_hint = false} : vector<512x128xf32>, vector<128x128xf32>, vector<512x128xf32> -> vector<512x128xf32>
    %mul3A = vector.broadcast %rsqrt3A : vector<512x1xf32> to vector<512x128xf32>
    %mul3A_11 = arith.mulf %dot_general3A_10, %mul3A : vector<512x128xf32>
    %swap3A = arith.constant 0 : index
    %swap3A_12 = arith.constant 0 : index
    %swap3A_13 = vector.load %arg4[%swap3A, %swap3A_12] : memref<512x128xf32, #tpu.memory_space<vmem>>, vector<512x128xf32>
    tpu.vector_store %arg4[%swap3A, %swap3A_12], %mul3A_11 {strides = array<i32>} : memref<512x128xf32, #tpu.memory_space<vmem>>, vector<512x128xf32>,
    return
  }
  func.func @transform_0(%arg0: i32) -> (i32, i32) {
    %c0_i32 = arith.constant 0 : i32
    %c0_i32_0 = arith.constant 0 : i32
    return %arg0, %c0_i32 : i32, i32
  }
  func.func @transform_1(%arg0: i32) -> (i32, i32) {
    %c0_i32 = arith.constant 0 : i32
    %c0_i32_0 = arith.constant 0 : i32
    %c0_i32_1 = arith.constant 0 : i32
    return %c0_i32, %c0_i32_0 : i32, i32
  }
  func.func @transform_2(%arg0: i32) -> (i32, i32) {
    %c0_i32 = arith.constant 0 : i32
    %c0_i32_0 = arith.constant 0 : i32
    return %arg0, %c0_i32 : i32, i32
  }
  func.func @transform_3(%arg0: i32) -> (i32, i32) {
    %c0_i32 = arith.constant 0 : i32
    %c0_i32_0 = arith.constant 0 : i32
    return %arg0, %c0_i32 : i32, i32
  }
}

module attributes {stable_mosaic.version = 14 : i64} {
  func.func @_mm3_body(%arg0: i32, %arg1: memref<512x128xf32, #tpu.memory_space<vmem>>, %arg2: memref<512x128xf32, #tpu.memory_space<vmem>>, %arg3: memref<512x1xf32, #tpu.memory_space<vmem>>, %arg4: memref<64x64xf32, #tpu.memory_space<vmem>>, %arg5: memref<64x64xf32, #tpu.memory_space<vmem>>, %arg6: memref<64x64xf32, #tpu.memory_space<vmem>>, %arg7: memref<64x64xf32, #tpu.memory_space<vmem>>, %arg8: memref<1x64xf32, #tpu.memory_space<vmem>>, %arg9: memref<1x64xf32, #tpu.memory_space<vmem>>, %arg10: memref<1x64xf32, #tpu.memory_space<vmem>>, %arg11: memref<1x64xf32, #tpu.memory_space<vmem>>, %arg12: memref<512x64xf32, #tpu.memory_space<vmem>>, %arg13: memref<512x64xf32, #tpu.memory_space<vmem>>, %arg14: memref<512x64xf32, #tpu.memory_space<vmem>>, %arg15: memref<512x64xf32, #tpu.memory_space<vmem>>) attributes {dimension_semantics = [#tpu.dimension_semantics<parallel>], iteration_bounds = array<i64: 20>, scalar_prefetch = 0 : i64, scratch_operands = 0 : i64, tpu.core_type = #tpu.core_type<tc>, window_params = [{transform_indices = @transform_0, window_bounds = array<i64: 512, 128>}, {transform_indices = @transform_1, window_bounds = array<i64: 512, 128>}, {transform_indices = @transform_2, window_bounds = array<i64: 512, 1>}, {pipeline_mode = #tpu.pipeline_mode<synchronous>, transform_indices = @transform_3, window_bounds = array<i64: 64, 64>}, {pipeline_mode = #tpu.pipeline_mode<synchronous>, transform_indices = @transform_4, window_bounds = array<i64: 64, 64>}, {pipeline_mode = #tpu.pipeline_mode<synchronous>, transform_indices = @transform_5, window_bounds = array<i64: 64, 64>}, {pipeline_mode = #tpu.pipeline_mode<synchronous>, transform_indices = @transform_6, window_bounds = array<i64: 64, 64>}, {pipeline_mode = #tpu.pipeline_mode<synchronous>, transform_indices = @transform_7, window_bounds = array<i64: 1, 64>}, {pipeline_mode = #tpu.pipeline_mode<synchronous>, transform_indices = @transform_8, window_bounds = array<i64: 1, 64>}, {pipeline_mode = #tpu.pipeline_mode<synchronous>, transform_indices = @transform_9, window_bounds = array<i64: 1, 64>}, {pipeline_mode = #tpu.pipeline_mode<synchronous>, transform_indices = @transform_10, window_bounds = array<i64: 1, 64>}, {transform_indices = @transform_11, window_bounds = array<i64: 512, 64>}, {transform_indices = @transform_12, window_bounds = array<i64: 512, 64>}, {transform_indices = @transform_13, window_bounds = array<i64: 512, 64>}, {transform_indices = @transform_14, window_bounds = array<i64: 512, 64>}]} {
    %get3A = arith.constant 0 : index
    %get3A_0 = arith.constant 0 : index
    %get3A_1 = vector.load %arg3[%get3A, %get3A_0] : memref<512x1xf32, #tpu.memory_space<vmem>>, vector<512x1xf32>
    %add3A = arith.constant 1.000000e-16 : f32
    %add3A_2 = vector.broadcast %add3A : f32 to vector<512x1xf32>
    %add3A_3 = arith.addf %get3A_1, %add3A_2 : vector<512x1xf32>
    %rsqrt3A = math.rsqrt %add3A_3 : vector<512x1xf32>
    %get3A_4 = arith.constant 0 : index
    %get3A_5 = arith.constant 0 : index
    %get3A_6 = vector.load %arg1[%get3A_4, %get3A_5] : memref<512x128xf32, #tpu.memory_space<vmem>>, vector<512x128xf32>
    %get3A_7 = arith.constant 0 : index
    %get3A_8 = arith.constant 0 : index
    %get3A_9 = vector.load %arg2[%get3A_7, %get3A_8] : memref<512x128xf32, #tpu.memory_space<vmem>>, vector<512x128xf32>
    %concatenate3A = tpu.concatenate %get3A_6, %get3A_9 in 1 : vector<512x128xf32>, vector<512x128xf32> -> vector<512x256xf32>
    %mul3A = vector.broadcast %rsqrt3A : vector<512x1xf32> to vector<512x256xf32>
    %mul3A_10 = arith.mulf %concatenate3A, %mul3A : vector<512x256xf32>
    %logistic3A = arith.negf %mul3A_10 : vector<512x256xf32>
    %logistic3A_11 = math.exp %logistic3A : vector<512x256xf32>
    %logistic3A_12 = arith.constant 1.000000e+00 : f32
    %logistic3A_13 = vector.broadcast %logistic3A_12 : f32 to vector<512x256xf32>
    %logistic3A_14 = arith.addf %logistic3A_13, %logistic3A_11 : vector<512x256xf32>
    %logistic3A_15 = arith.divf %logistic3A_13, %logistic3A_14 : vector<512x256xf32>
    %slice3A = vector.extract_strided_slice %logistic3A_15 {offsets = [0, 0], sizes = [512, 64], strides = [1, 1]} : vector<512x256xf32> to vector<512x64xf32>
    %get3A_16 = arith.constant 0 : index
    %get3A_17 = arith.constant 0 : index
    %get3A_18 = vector.load %arg4[%get3A_16, %get3A_17] : memref<64x64xf32, #tpu.memory_space<vmem>>, vector<64x64xf32>
    %dot_general3A = arith.constant dense<0.000000e+00> : vector<512x64xf32>
    %dot_general3A_19 = tpu.matmul %slice3A, %get3A_18, %dot_general3A {dimension_numbers = #tpu.dot_dimension_numbers<[1], [0], [0], [1], [0, 0, 1, 1], [], []>, transpose_lhs_hint = false} : vector<512x64xf32>, vector<64x64xf32>, vector<512x64xf32> -> vector<512x64xf32>
    %get3A_20 = arith.constant 0 : index
    %get3A_21 = arith.constant 0 : index
    %get3A_22 = vector.load %arg8[%get3A_20, %get3A_21] : memref<1x64xf32, #tpu.memory_space<vmem>>, vector<1x64xf32>
    %add3A_23 = vector.broadcast %get3A_22 : vector<1x64xf32> to vector<512x64xf32>
    %add3A_24 = arith.addf %dot_general3A_19, %add3A_23 : vector<512x64xf32>
    %swap3A = arith.constant 0 : index
    %swap3A_25 = arith.constant 0 : index
    %swap3A_26 = vector.load %arg12[%swap3A, %swap3A_25] : memref<512x64xf32, #tpu.memory_space<vmem>>, vector<512x64xf32>
    tpu.vector_store %arg12[%swap3A, %swap3A_25], %add3A_24 {strides = array<i32>} : memref<512x64xf32, #tpu.memory_space<vmem>>, vector<512x64xf32>,
    %slice3A_27 = vector.extract_strided_slice %logistic3A_15 {offsets = [0, 64], sizes = [512, 64], strides = [1, 1]} : vector<512x256xf32> to vector<512x64xf32>
    %get3A_28 = arith.constant 0 : index
    %get3A_29 = arith.constant 0 : index
    %get3A_30 = vector.load %arg5[%get3A_28, %get3A_29] : memref<64x64xf32, #tpu.memory_space<vmem>>, vector<64x64xf32>
    %dot_general3A_31 = arith.constant dense<0.000000e+00> : vector<512x64xf32>
    %dot_general3A_32 = tpu.matmul %slice3A_27, %get3A_30, %dot_general3A_31 {dimension_numbers = #tpu.dot_dimension_numbers<[1], [0], [0], [1], [0, 0, 1, 1], [], []>, transpose_lhs_hint = false} : vector<512x64xf32>, vector<64x64xf32>, vector<512x64xf32> -> vector<512x64xf32>
    %get3A_33 = arith.constant 0 : index
    %get3A_34 = arith.constant 0 : index
    %get3A_35 = vector.load %arg9[%get3A_33, %get3A_34] : memref<1x64xf32, #tpu.memory_space<vmem>>, vector<1x64xf32>
    %add3A_36 = vector.broadcast %get3A_35 : vector<1x64xf32> to vector<512x64xf32>
    %add3A_37 = arith.addf %dot_general3A_32, %add3A_36 : vector<512x64xf32>
    %swap3A_38 = arith.constant 0 : index
    %swap3A_39 = arith.constant 0 : index
    %swap3A_40 = vector.load %arg13[%swap3A_38, %swap3A_39] : memref<512x64xf32, #tpu.memory_space<vmem>>, vector<512x64xf32>
    tpu.vector_store %arg13[%swap3A_38, %swap3A_39], %add3A_37 {strides = array<i32>} : memref<512x64xf32, #tpu.memory_space<vmem>>, vector<512x64xf32>,
    %slice3A_41 = vector.extract_strided_slice %logistic3A_15 {offsets = [0, 128], sizes = [512, 64], strides = [1, 1]} : vector<512x256xf32> to vector<512x64xf32>
    %get3A_42 = arith.constant 0 : index
    %get3A_43 = arith.constant 0 : index
    %get3A_44 = vector.load %arg6[%get3A_42, %get3A_43] : memref<64x64xf32, #tpu.memory_space<vmem>>, vector<64x64xf32>
    %dot_general3A_45 = arith.constant dense<0.000000e+00> : vector<512x64xf32>
    %dot_general3A_46 = tpu.matmul %slice3A_41, %get3A_44, %dot_general3A_45 {dimension_numbers = #tpu.dot_dimension_numbers<[1], [0], [0], [1], [0, 0, 1, 1], [], []>, transpose_lhs_hint = false} : vector<512x64xf32>, vector<64x64xf32>, vector<512x64xf32> -> vector<512x64xf32>
    %get3A_47 = arith.constant 0 : index
    %get3A_48 = arith.constant 0 : index
    %get3A_49 = vector.load %arg10[%get3A_47, %get3A_48] : memref<1x64xf32, #tpu.memory_space<vmem>>, vector<1x64xf32>
    %add3A_50 = vector.broadcast %get3A_49 : vector<1x64xf32> to vector<512x64xf32>
    %add3A_51 = arith.addf %dot_general3A_46, %add3A_50 : vector<512x64xf32>
    %swap3A_52 = arith.constant 0 : index
    %swap3A_53 = arith.constant 0 : index
    %swap3A_54 = vector.load %arg14[%swap3A_52, %swap3A_53] : memref<512x64xf32, #tpu.memory_space<vmem>>, vector<512x64xf32>
    tpu.vector_store %arg14[%swap3A_52, %swap3A_53], %add3A_51 {strides = array<i32>} : memref<512x64xf32, #tpu.memory_space<vmem>>, vector<512x64xf32>,
    %slice3A_55 = vector.extract_strided_slice %logistic3A_15 {offsets = [0, 192], sizes = [512, 64], strides = [1, 1]} : vector<512x256xf32> to vector<512x64xf32>
    %get3A_56 = arith.constant 0 : index
    %get3A_57 = arith.constant 0 : index
    %get3A_58 = vector.load %arg7[%get3A_56, %get3A_57] : memref<64x64xf32, #tpu.memory_space<vmem>>, vector<64x64xf32>
    %dot_general3A_59 = arith.constant dense<0.000000e+00> : vector<512x64xf32>
    %dot_general3A_60 = tpu.matmul %slice3A_55, %get3A_58, %dot_general3A_59 {dimension_numbers = #tpu.dot_dimension_numbers<[1], [0], [0], [1], [0, 0, 1, 1], [], []>, transpose_lhs_hint = false} : vector<512x64xf32>, vector<64x64xf32>, vector<512x64xf32> -> vector<512x64xf32>
    %get3A_61 = arith.constant 0 : index
    %get3A_62 = arith.constant 0 : index
    %get3A_63 = vector.load %arg11[%get3A_61, %get3A_62] : memref<1x64xf32, #tpu.memory_space<vmem>>, vector<1x64xf32>
    %add3A_64 = vector.broadcast %get3A_63 : vector<1x64xf32> to vector<512x64xf32>
    %add3A_65 = arith.addf %dot_general3A_60, %add3A_64 : vector<512x64xf32>
    %max3A = arith.constant 0.000000e+00 : f32
    %max3A_66 = vector.broadcast %max3A : f32 to vector<512x64xf32>
    %max3A_67 = arith.maximumf %add3A_65, %max3A_66 : vector<512x64xf32>
    %abs3A = math.absf %add3A_65 : vector<512x64xf32>
    %neg3A = arith.constant 0.000000e+00 : f32
    %neg3A_68 = vector.broadcast %neg3A : f32 to vector<512x64xf32>
    %neg3A_69 = arith.subf %neg3A_68, %abs3A : vector<512x64xf32>
    %exp3A = math.exp %neg3A_69 : vector<512x64xf32>
    %log1p3A = math.log1p %exp3A : vector<512x64xf32>
    %add3A_70 = arith.addf %max3A_67, %log1p3A : vector<512x64xf32>
    %swap3A_71 = arith.constant 0 : index
    %swap3A_72 = arith.constant 0 : index
    %swap3A_73 = vector.load %arg15[%swap3A_71, %swap3A_72] : memref<512x64xf32, #tpu.memory_space<vmem>>, vector<512x64xf32>
    tpu.vector_store %arg15[%swap3A_71, %swap3A_72], %add3A_70 {strides = array<i32>} : memref<512x64xf32, #tpu.memory_space<vmem>>, vector<512x64xf32>,
    return
  }
  func.func @transform_0(%arg0: i32) -> (i32, i32) {
    %c0_i32 = arith.constant 0 : i32
    %c0_i32_0 = arith.constant 0 : i32
    return %arg0, %c0_i32 : i32, i32
  }
  func.func @transform_1(%arg0: i32) -> (i32, i32) {
    %c0_i32 = arith.constant 0 : i32
    %c0_i32_0 = arith.constant 0 : i32
    return %arg0, %c0_i32 : i32, i32
  }
  func.func @transform_2(%arg0: i32) -> (i32, i32) {
    %c0_i32 = arith.constant 0 : i32
    %c0_i32_0 = arith.constant 0 : i32
    return %arg0, %c0_i32 : i32, i32
  }
  func.func @transform_3(%arg0: i32) -> (i32, i32) {
    %c0_i32 = arith.constant 0 : i32
    %c0_i32_0 = arith.constant 0 : i32
    %c0_i32_1 = arith.constant 0 : i32
    return %c0_i32, %c0_i32_0 : i32, i32
  }
  func.func @transform_4(%arg0: i32) -> (i32, i32) {
    %c0_i32 = arith.constant 0 : i32
    %c0_i32_0 = arith.constant 0 : i32
    %c0_i32_1 = arith.constant 0 : i32
    return %c0_i32, %c0_i32_0 : i32, i32
  }
  func.func @transform_5(%arg0: i32) -> (i32, i32) {
    %c0_i32 = arith.constant 0 : i32
    %c0_i32_0 = arith.constant 0 : i32
    %c0_i32_1 = arith.constant 0 : i32
    return %c0_i32, %c0_i32_0 : i32, i32
  }
  func.func @transform_6(%arg0: i32) -> (i32, i32) {
    %c0_i32 = arith.constant 0 : i32
    %c0_i32_0 = arith.constant 0 : i32
    %c0_i32_1 = arith.constant 0 : i32
    return %c0_i32, %c0_i32_0 : i32, i32
  }
  func.func @transform_7(%arg0: i32) -> (i32, i32) {
    %c0_i32 = arith.constant 0 : i32
    %c0_i32_0 = arith.constant 0 : i32
    %c0_i32_1 = arith.constant 0 : i32
    return %c0_i32, %c0_i32_0 : i32, i32
  }
  func.func @transform_8(%arg0: i32) -> (i32, i32) {
    %c0_i32 = arith.constant 0 : i32
    %c0_i32_0 = arith.constant 0 : i32
    %c0_i32_1 = arith.constant 0 : i32
    return %c0_i32, %c0_i32_0 : i32, i32
  }
  func.func @transform_9(%arg0: i32) -> (i32, i32) {
    %c0_i32 = arith.constant 0 : i32
    %c0_i32_0 = arith.constant 0 : i32
    %c0_i32_1 = arith.constant 0 : i32
    return %c0_i32, %c0_i32_0 : i32, i32
  }
  func.func @transform_10(%arg0: i32) -> (i32, i32) {
    %c0_i32 = arith.constant 0 : i32
    %c0_i32_0 = arith.constant 0 : i32
    %c0_i32_1 = arith.constant 0 : i32
    return %c0_i32, %c0_i32_0 : i32, i32
  }
  func.func @transform_11(%arg0: i32) -> (i32, i32) {
    %c0_i32 = arith.constant 0 : i32
    %c0_i32_0 = arith.constant 0 : i32
    return %arg0, %c0_i32 : i32, i32
  }
  func.func @transform_12(%arg0: i32) -> (i32, i32) {
    %c0_i32 = arith.constant 0 : i32
    %c0_i32_0 = arith.constant 0 : i32
    return %arg0, %c0_i32 : i32, i32
  }
  func.func @transform_13(%arg0: i32) -> (i32, i32) {
    %c0_i32 = arith.constant 0 : i32
    %c0_i32_0 = arith.constant 0 : i32
    return %arg0, %c0_i32 : i32, i32
  }
  func.func @transform_14(%arg0: i32) -> (i32, i32) {
    %c0_i32 = arith.constant 0 : i32
    %c0_i32_0 = arith.constant 0 : i32
    return %arg0, %c0_i32 : i32, i32
  }
}

module attributes {stable_mosaic.version = 14 : i64} {
  func.func @_mm2_body(%arg0: i32, %arg1: memref<512x128xf32, #tpu.memory_space<vmem>>, %arg2: memref<512x128xf32, #tpu.memory_space<vmem>>, %arg3: memref<512x1xf32, #tpu.memory_space<vmem>>, %arg4: memref<128x256xf32, #tpu.memory_space<vmem>>, %arg5: memref<512x128xf32, #tpu.memory_space<vmem>>, %arg6: memref<512x128xf32, #tpu.memory_space<vmem>>) attributes {dimension_semantics = [#tpu.dimension_semantics<parallel>], iteration_bounds = array<i64: 20>, scalar_prefetch = 0 : i64, scratch_operands = 0 : i64, tpu.core_type = #tpu.core_type<tc>, window_params = [{transform_indices = @transform_0, window_bounds = array<i64: 512, 128>}, {transform_indices = @transform_1, window_bounds = array<i64: 512, 128>}, {transform_indices = @transform_2, window_bounds = array<i64: 512, 1>}, {pipeline_mode = #tpu.pipeline_mode<synchronous>, transform_indices = @transform_3, window_bounds = array<i64: 128, 256>}, {transform_indices = @transform_4, window_bounds = array<i64: 512, 128>}, {transform_indices = @transform_5, window_bounds = array<i64: 512, 128>}]} {
    %get3A = arith.constant 0 : index
    %get3A_0 = arith.constant 0 : index
    %get3A_1 = vector.load %arg3[%get3A, %get3A_0] : memref<512x1xf32, #tpu.memory_space<vmem>>, vector<512x1xf32>
    %add3A = arith.constant 1.000000e-16 : f32
    %add3A_2 = vector.broadcast %add3A : f32 to vector<512x1xf32>
    %add3A_3 = arith.addf %get3A_1, %add3A_2 : vector<512x1xf32>
    %rsqrt3A = math.rsqrt %add3A_3 : vector<512x1xf32>
    %get3A_4 = arith.constant 0 : index
    %get3A_5 = arith.constant 0 : index
    %get3A_6 = vector.load %arg1[%get3A_4, %get3A_5] : memref<512x128xf32, #tpu.memory_space<vmem>>, vector<512x128xf32>
    %get3A_7 = arith.constant 0 : index
    %get3A_8 = arith.constant 0 : index
    %get3A_9 = vector.load %arg2[%get3A_7, %get3A_8] : memref<512x128xf32, #tpu.memory_space<vmem>>, vector<512x128xf32>
    %add3A_10 = arith.addf %get3A_6, %get3A_9 : vector<512x128xf32>
    %mul3A = vector.broadcast %rsqrt3A : vector<512x1xf32> to vector<512x128xf32>
    %mul3A_11 = arith.mulf %add3A_10, %mul3A : vector<512x128xf32>
    %get3A_12 = arith.constant 0 : index
    %get3A_13 = arith.constant 0 : index
    %get3A_14 = vector.load %arg4[%get3A_12, %get3A_13] : memref<128x256xf32, #tpu.memory_space<vmem>>, vector<128x256xf32>
    %dot_general3A = arith.constant dense<0.000000e+00> : vector<512x256xf32>
    %dot_general3A_15 = tpu.matmul %mul3A_11, %get3A_14, %dot_general3A {dimension_numbers = #tpu.dot_dimension_numbers<[1], [0], [0], [1], [0, 0, 1, 1], [], []>, transpose_lhs_hint = false} : vector<512x128xf32>, vector<128x256xf32>, vector<512x256xf32> -> vector<512x256xf32>
    %mul3A_16 = vector.broadcast %rsqrt3A : vector<512x1xf32> to vector<512x256xf32>
    %mul3A_17 = arith.mulf %dot_general3A_15, %mul3A_16 : vector<512x256xf32>
    %slice3A = vector.extract_strided_slice %mul3A_17 {offsets = [0, 0], sizes = [512, 128], strides = [1, 1]} : vector<512x256xf32> to vector<512x128xf32>
    %swap3A = arith.constant 0 : index
    %swap3A_18 = arith.constant 0 : index
    %swap3A_19 = vector.load %arg5[%swap3A, %swap3A_18] : memref<512x128xf32, #tpu.memory_space<vmem>>, vector<512x128xf32>
    tpu.vector_store %arg5[%swap3A, %swap3A_18], %slice3A {strides = array<i32>} : memref<512x128xf32, #tpu.memory_space<vmem>>, vector<512x128xf32>,
    %slice3A_20 = vector.extract_strided_slice %mul3A_17 {offsets = [0, 128], sizes = [512, 128], strides = [1, 1]} : vector<512x256xf32> to vector<512x128xf32>
    %swap3A_21 = arith.constant 0 : index
    %swap3A_22 = arith.constant 0 : index
    %swap3A_23 = vector.load %arg6[%swap3A_21, %swap3A_22] : memref<512x128xf32, #tpu.memory_space<vmem>>, vector<512x128xf32>
    tpu.vector_store %arg6[%swap3A_21, %swap3A_22], %slice3A_20 {strides = array<i32>} : memref<512x128xf32, #tpu.memory_space<vmem>>, vector<512x128xf32>,
    return
  }
  func.func @transform_0(%arg0: i32) -> (i32, i32) {
    %c0_i32 = arith.constant 0 : i32
    %c0_i32_0 = arith.constant 0 : i32
    return %arg0, %c0_i32 : i32, i32
  }
  func.func @transform_1(%arg0: i32) -> (i32, i32) {
    %c0_i32 = arith.constant 0 : i32
    %c0_i32_0 = arith.constant 0 : i32
    return %arg0, %c0_i32 : i32, i32
  }
  func.func @transform_2(%arg0: i32) -> (i32, i32) {
    %c0_i32 = arith.constant 0 : i32
    %c0_i32_0 = arith.constant 0 : i32
    return %arg0, %c0_i32 : i32, i32
  }
  func.func @transform_3(%arg0: i32) -> (i32, i32) {
    %c0_i32 = arith.constant 0 : i32
    %c0_i32_0 = arith.constant 0 : i32
    %c0_i32_1 = arith.constant 0 : i32
    return %c0_i32, %c0_i32_0 : i32, i32
  }
  func.func @transform_4(%arg0: i32) -> (i32, i32) {
    %c0_i32 = arith.constant 0 : i32
    %c0_i32_0 = arith.constant 0 : i32
    return %arg0, %c0_i32 : i32, i32
  }
  func.func @transform_5(%arg0: i32) -> (i32, i32) {
    %c0_i32 = arith.constant 0 : i32
    %c0_i32_0 = arith.constant 0 : i32
    return %arg0, %c0_i32 : i32, i32
  }
}

</mosaic_0001>

<sc_bundles>
// kernel: kernel.11.cloned.1.call-start
scs
__scs_entry_jumppad:
0x0: {  	(pc) =	sbr.rel $0x88, $3  }
0x1: {  	(tag) =	ssettag $0x0;
	lr =	simm.s32 $0x1  }
0x2: {  	[smem:$0x3F92] =	sst lr;
	_ =	strace $0xD0000000  }
0x3: {  	_ = 	snop  }
0x4: {  	_ = 	snop  }
0x5: {  	_ = 	snop  }
0x6: {  	_ = 	snop  }
0x7: {  	_ = 	snop  }
__scs_overlays_trampoline_lowered:
0x8: {  	[smem:$0x3FA1] =	sst s0  }
0x9: {  	[smem:$0x3FA2] =	sst s1  }
0xa: {  	[smem:$0x3FA3] =	sst s2  }
0xb: {  	[smem:$0x3FA4] =	sst s3  }
0xc: {  	[smem:$0x3FA5] =	sst s4  }
0xd: {  	[smem:$0x3FA6] =	sst s5  }
0xe: {  	[smem:$0x3FA7] =	sst s6  }
0xf: {  	[smem:$0x3FA8] =	sst s7  }
0x10: {  	[smem:$0x3FA9] =	sst s8  }
0x11: {  	[smem:$0x3FAA] =	sst s9;
	s0 =	simm.s32 @!p0 $0x0  }
0x12: {  	s1 =	sld [smem:$0x3F90];
	s0 =	simm.s32 @p0 $0x1  }
0x13: {  	[smem:$0x3FAB] =	sst s0;
	s0 =	simm.s32 @!p1 $0x0  }
0x14: {  	s2 =	sld [smem:$0x3F8F];
	s0 =	simm.s32 @p1 $0x1  }
0x15: {  	[smem:$0x3FAC] =	sst s0;
	s0 =	simm.s32 @!p2 $0x0  }
0x16: {  	s3 =	sld [smem:$0x3FDB];
	s0 =	simm.s32 @p2 $0x1  }
0x17: {  	s4 =	simm.s32 $0x1BF5;
	[smem:$0x3FAE] =	sst s0  }
0x18: {  	s0 =	sld [smem:$0x3F91];
	_ =	swait.ge [sflag:s4], $0x0  }
0x19: {  	s7 =	sld [smem:$0x3F92]  }
0x1a: {  	s8 =	sadd.s32 $0xFFFFE003, lr  }
0x1b: {  	s9 =	sadd.s32 $0xFFFFFEF7, lr;
	s5 =	simm.s32 $0xFFFFFFFF;
	p2 =	slt.u32 s8, $0xFFFFF086  }
0x1c: {  	p1 =	slt.u32 s9, $0xF7A;
	s5 =	simm.s32 @!p2 $0x0  }
0x1d: {  	s5 =	simm.s32 @p1 $0x1;
	p0 =	seq.s32 s7, s2  }
0x1e: {  	s7 =	smul.u32 @!p0 $0xF7A, s2;
	p2 =	seq.s32 @!p0 s5, $0x0  }
0x1f: {  	s9 =	smul.u32 $0xF7A, s1;
	s8 =	simm.s32 @!p0 $0x1BF5;
	p2 =	por !p2, p0  }
0x20: {  	[sflag:s8] =	ssyncset.s32 @!p0 $0xFFFFF086;
	s6 =	sadd.s32 @!p0 s3, s7;
	s7 =	simm.s32 @!p0 $0x108  }
0x21: {  	s3 =	sadd.s32 s3, s9;
	s6 =	sadd.s32 @!p0 $0x88, s6;
	s7 =	simm.s32 @p2 $0x1082  }
0x22: {  	[simem:s7], [sflag:s8] =	dma.local @!p0 [hbm:s6], $0xF7A  }
0x23: {  	s9 =	sor.u32 $0xD0000000, s2;
	s6 =	simm.s32 $0x108;
	_ =	swait.ge @!p0 [sflag:s8], $0x0  }
0x24: {  	s3 =	sadd.s32 $0x88, s3;
	s6 =	simm.s32 @!p1 $0x1082;
	[sflag:s4] =	ssyncset.s32 $0xFFFFF086  }
0x25: {  	[simem:s6], [sflag:s4] =	dma.local [hbm:s3], $0xF7A  }
0x26: {  	[smem:$0x3F92] =	sst s1;
	(tag) =	ssettag s2;
	_ =	strace s9  }
0x27: {  	s1 =	sld [smem:$0x3FA2]  }
0x28: {  	s2 =	sld [smem:$0x3FA3]  }
0x29: {  	s4 =	sld [smem:$0x3FA5]  }
0x2a: {  	p0 =	seq.s32 s5, $0x0;
	s5 =	sld [smem:$0x3FA6]  }
0x2b: {  	s6 =	sld [smem:$0x3FA7]  }
0x2c: {  	s7 =	sld [smem:$0x3FA8]  }
0x2d: {  	s3 =	simm.s32 $0x108;
	s8 =	sld [smem:$0x3FA9]  }
0x2e: {  	s3 =	simm.s32 @!p0 $0x1082;
	s9 =	sld [smem:$0x3FAA]  }
0x2f: {  	lr =	sadd.s32 s0, s3;
	s0 =	sld [smem:$0x3FA1]  }
0x30: {  	s3 =	sld [smem:$0x3FA4]  }
0x31: {  	[smem:$0x3FAD] =	sst s10  }
0x32: {  	s10 =	sld [smem:$0x3FAB];
	_ =	sdelay $0x3  }
0x33: {  	p0 =	seq.s32 s10, $0x1;
	s10 =	sld [smem:$0x3FAD];
	_ =	sdelay $0x3  }
0x34: {  	[smem:$0x3FAD] =	sst s10  }
0x35: {  	s10 =	sld [smem:$0x3FAC];
	_ =	sdelay $0x3  }
0x36: {  	p1 =	seq.s32 s10, $0x1;
	s10 =	sld [smem:$0x3FAD];
	_ =	sdelay $0x3  }
0x37: {  	[smem:$0x3FAD] =	sst s10  }
0x38: {  	s10 =	sld [smem:$0x3FAE]  }
0x39: {  	_ = 	snop;
	(pc) =	sbr.ind lr, $3  }
0x3a: {  	_ = 	snop  }
0x3b: {  	_ = 	snop  }
0x3c: {  	p2 =	seq.s32 s10, $0x1;
	s10 =	sld [smem:$0x3FAD]  }
0x3d: {  	_ =	shalt  }
0x3e: {  	_ =	shalt  }
0x3f: {  	_ =	shalt  }
0x40: {  	_ =	shalt  }
0x41: {  	_ =	shalt  }
0x42: {  	_ =	shalt  }
0x43: {  	_ =	shalt  }
0x44: {  	_ =	shalt  }
0x45: {  	_ =	shalt  }
0x46: {  	_ =	shalt  }
0x47: {  	_ =	shalt  }
0x48: {  	_ =	shalt  }
0x49: {  	_ =	shalt  }
0x4a: {  	_ =	shalt  }
0x4b: {  	_ =	shalt  }
0x4c: {  	_ =	shalt  }
0x4d: {  	_ =	shalt  }
0x4e: {  	_ =	shalt  }
0x4f: {  	_ =	shalt  }
0x50: {  	_ =	shalt  }
0x51: {  	_ =	shalt  }
0x52: {  	_ =	shalt  }
0x53: {  	_ =	shalt  }
0x54: {  	_ =	shalt  }
0x55: {  	_ =	shalt  }
0x56: {  	_ =	shalt  }
0x57: {  	_ =	shalt  }
0x58: {  	_ =	shalt  }
0x59: {  	_ =	shalt  }
0x5a: {  	_ =	shalt  }
0x5b: {  	_ =	shalt  }
0x5c: {  	_ =	shalt  }
0x5d: {  	_ =	shalt  }
0x5e: {  	_ =	shalt  }
0x5f: {  	_ =	shalt  }
0x60: {  	_ =	shalt  }
0x61: {  	_ =	shalt  }
0x62: {  	_ =	shalt  }
0x63: {  	_ =	shalt  }
0x64: {  	_ =	shalt  }
0x65: {  	_ =	shalt  }
0x66: {  	_ =	shalt  }
0x67: {  	_ =	shalt  }
0x68: {  	_ =	shalt  }
0x69: {  	_ =	shalt  }
0x6a: {  	_ =	shalt  }
0x6b: {  	_ =	shalt  }
0x6c: {  	_ =	shalt  }
0x6d: {  	_ =	shalt  }
0x6e: {  	_ =	shalt  }
0x6f: {  	_ =	shalt  }
0x70: {  	_ =	shalt  }
0x71: {  	_ =	shalt  }
0x72: {  	_ =	shalt  }
0x73: {  	_ =	shalt  }
0x74: {  	_ =	shalt  }
0x75: {  	_ =	shalt  }
0x76: {  	_ =	shalt  }
0x77: {  	_ =	shalt  }
0x78: {  	_ =	shalt  }
0x79: {  	_ =	shalt  }
0x7a: {  	_ =	shalt  }
0x7b: {  	_ =	shalt  }
0x7c: {  	_ =	shalt  }
0x7d: {  	_ =	shalt  }
0x7e: {  	_ =	shalt  }
0x7f: {  	_ =	shalt  }
0x80: {  	_ =	shalt  }
0x81: {  	_ =	shalt  }
0x82: {  	_ =	shalt  }
0x83: {  	_ =	shalt  }
0x84: {  	_ =	shalt  }
0x85: {  	_ =	shalt  }
0x86: {  	_ =	shalt  }
0x87: {  	_ =	shalt  }
.Lfunc_end0:
.L_simem_size_0:
called_computation.1_lowered:
.L_overlay_start_0:
0x88: {  	s2 =	sld [smem:$0x3FD9]  }
0x89: {  	s3 =	sld [smem:$0x3FFE];
	_ =	sdelay $0x1  }
0x8a: {  	s1 =	srdreg.scid  }
0x8b: {  	s0 =	sand.u32 $0x1, s1  }
0x8c: {  	s14 =	sshll.u32 s0, $0xA;
	s2 =	sadd.s32 s3, s2  }
0x8d: {  	s2 =	sadd.s32 s2, s14  }
0x8e: {  	[smem:$0x3FB9] =	sst s2  }
0x8f: {  	_ = 	snop  }
0x90: {  	s2 =	sld [smem:$0x3FD0];
	_ =	sdelay $0x2  }
0x91: {  	s15 =	simm.s32 $0xA;
	s4 =	simm.s32 $0x10  }
0x92: {  	[smem:s4], [sflag:s15] =	dma.local [hbm:s2], $0x1  }
0x93: {  	_ =	swait.eq [sflag:s15], $0x1  }
0x94: {  	[sflag:s15] =	ssyncset.done $0x0  }
0x95: {  	s16 =	sld [smem:$0x12];
	[sflag:s15] =	ssyncadd.s32 $0xFFFFFFFF  }
0x96: {  	s17 =	sld [smem:$0x13];
	(tm) =	ssettm $0x1  }
0x97: {  	s18 =	sld [smem:$0x3FFB];
	_ =	sdelay $0x3  }
0x98: {  	_ =	strace s18  }
0x99: {  	s4 =	sld [smem:$0x3FFC];
	_ =	sdelay $0x3  }
0x9a: {  	_ =	strace s4  }
0x9b: {  	s4 =	sld [smem:$0x3FFD];
	_ =	sdelay $0x3  }
0x9c: {  	_ =	strace s4  }
0x9d: {  	_ =	strace $0x8FFFFFFF  }
0x9e: {  	s19 =	sld [smem:$0x3FDB];
	_ =	sdelay $0x1  }
0x9f: {  	s5 =	simm.s32 $_scs_section_size  }
0xa0: {  	s6 =	simm.s32 $_size__tile_overlayer_lowered;
	s7 =	simm.s32 $_tile_overlayer_lowered  }
0xa1: {  	s22 =	simm.s32 $0x1BFF;
	s21 =	sshll.u32 s7, $0x1;
	s4 =	sadd.s32 s5, s19  }
0xa2: {  	s8 =	simm.s32 $0x0;
	s20 =	sshll.u32 s6, $0x1;
	s6 =	sadd.s32 s21, s4  }
0xa3: {  	[timem:s8], [sflag:s22] =	dma.local [hbm:s6], s20  }
0xa4: {  	_ =	swait.ge [sflag:s22], s20  }
0xa5: {  	s5 =	ssub.s32 $0x0, s20;
	[sflag:s22] =	ssyncset.done $0x0  }
0xa6: {  	[sflag:s22] =	ssyncadd.s32 s5;
	_ =	sdelay $0x1  }
0xa7: {  	s23 =	simm.s32 $0x1B8B  }
0xa8: {  	_ =	swait.ge [sflag:s23], $0x1  }
0xa9: {  	[sflag:s23] =	ssyncset.done $0x0  }
0xaa: {  	s25 =	simm.s32 $0x1B8E;
	s24 =	sld [smem:$0x3FFE];
	[sflag:s23] =	ssyncadd.s32 $0xFFFFFFFF  }
0xab: {  	s26 =	simm.s32 $execute0_lowered;
	[smem:$0x3FD2] =	sst s25  }
0xac: {  	s6 =	sshll.u32 s26, $0x1;
	_ =	strace $0x80000049;
	[dreg:$0x1] =	wrdreg $0xFFFFFFFF  }
0xad: {  	s28 =	simm.s32 $_size_execute0_lowered;
	s4 =	sadd.s32 s4, s6;
	[dreg:$0x0] =	wrdreg $0x0  }
0xae: {  	s6 =	sshll.u32 s28, $0x1;
	[dreg:$0x2] =	wrdreg s4  }
0xaf: {  	[dreg:$0x3] =	wrdreg s6  }
0xb0: {  	[dreg:$0x4] =	wrdreg $0xC0  }
0xb1: {  	_ =	task [dreg:s8], $0x5FFFF  }
0xb2: {  	[dreg:$0x1] =	wrdreg $0xFFFFFFFF  }
0xb3: {  	[dreg:$0x0] =	wrdreg $0x60  }
0xb4: {  	[dreg:$0x2] =	wrdreg s16  }
0xb5: {  	[dreg:$0x3] =	wrdreg s17  }
0xb6: {  	[dreg:$0x4] =	wrdreg s24  }
0xb7: {  	[dreg:$0x5] =	wrdreg $0x90000  }
0xb8: {  	[dreg:$0x6] =	wrdreg $0x9  }
0xb9: {  	_ =	task.clear_ibuf [dreg:s8], $0x7FFFF;
	_ =	strace $0x90000049  }
0xba: {  	s29 =	simm.s32 $0x9;
	_ =	strace $0x8000004B  }
0xbb: {  	_ =	swait.ge [sflag:s29], $0x1  }
0xbc: {  	[sflag:s29] =	ssyncadd.s32 $0xFFFFFFFF  }
0xbd: {  	_ =	strace $0x9000004B  }
0xbe: {  	_ =	sfence  }
0xbf: {  	s30 =	sld [smem:$0x0];
	_ =	sdelay $0x2  }
0xc0: {  	s31 =	sshll.u32 s1, $0xD;
	s1 =	sshrl.u32 s1, $0x2  }
0xc1: {  	s3 =	sand.u32 $0x4000, s31;
	s1 =	sadd.s32 s1, s30  }
0xc2: {  	s0 =	sor.u32 s3, s0;
	s1 =	sshll.u32 s1, $0x11  }
0xc3: {  	s0 =	sor.u32 s1, s0  }
0xc4: {  	s0 =	sadd.s32 $0x8F2B, s0  }
0xc5: {  	[sflag:s0] =	ssyncadd.remote.s32 $0x1  }
0xc6: {  	_ =	sfence.sel $0xFFFF  }
0xc7: {  	[dreg:$0x0] =	wrdreg $0xFFFFFFFF;
	(pc) =	sbr.abs _section_cstart, $3  }
0xc8: {  	[dreg:$0x1] =	wrdreg $0xFFFFFFFF  }
0xc9: {  	_ =	task.clear_ibuf [dreg:s8], $0x2FFFF;
	_ =	strace $0x9FFFFFFF  }
0xca: {  	(tm) =	ssettm $0x7FFFFFFF  }
0xcb: {  	_ =	shalt  }
tec
execute0_lowered:
.L_overlay_start_1:
0x0: {  	(tag) =	ssettag $0x1  }
0x1: {  	s0 =	rddreg [dreg:$0x0]  }
0x2: {  	s1 =	rddreg [dreg:$0x1]  }
0x3: {  	s5 =	rddreg [dreg:$0x2]  }
0x4: {  	s2 =	rddreg [dreg:$0x3];
	s3 =	simm.s32 $0x0;
	s12 =	stileid.u32  }
0x5: {  	s7 =	srdreg.scid;
	s14 =	simm.s32 $0x100;
	s15 =	simm.s32 $0x880  }
0x6: {  	s17 =	simm.s32 $0x180;
	s18 =	simm.s32 $0x900;
	[smem:$0x7FF] =	sst s3  }
0x7: {  	s19 =	simm.s32 $0x200;
	_ =	strace $0x8000004A;
	[dreg:$0x7] =	wrdreg s14  }
0x8: {  	s20 =	simm.s32 $0x980;
	s21 =	simm.s32 $0x280;
	[dreg:$0x8] =	wrdreg s15  }
0x9: {  	s22 =	simm.s32 $0xA00;
	s23 =	simm.s32 $0x300;
	[dreg:$0x9] =	wrdreg s17  }
0xa: {  	s24 =	simm.s32 $0xA80;
	s28 =	simm.s32 $0x680;
	[dreg:$0xa] =	wrdreg s18  }
0xb: {  	s29 =	simm.s32 $0xE00;
	s30 =	simm.s32 $0x700;
	[dreg:$0xb] =	wrdreg s19  }
0xc: {  	s31 =	simm.s32 $0xE80;
	s6 =	smul.u32 $0x2800, s12;
	[dreg:$0xc] =	wrdreg s20  }
0xd: {  	s4 =	sadd.s32 $0x2C000, s5;
	s8 =	smul.u32 $0x50000, s12;
	[dreg:$0xd] =	wrdreg s21  }
0xe: {  	s7 =	sand.u32 $0x1, s7;
	s9 =	smul.u32 $0xA00, s12;
	[dreg:$0xe] =	wrdreg s22  }
0xf: {  	s12 =	sshll.u32 s12, $0x6;
	s25 =	ssub.s32 $0x2, s7;
	[dreg:$0xf] =	wrdreg s23  }
0x10: {  	s11 =	smul.u32 $0x500, s7;
	p0 =	seq.s32 s7, $0x1;
	[dreg:$0x10] =	wrdreg s24  }
0x11: {  	s14 =	simm.s32 $0x1;
	s15 =	simm.s32 $0x5000;
	s17 =	simm.s32 $0x400  }
0x12: {  	s18 =	simm.s32 $0xB80;
	s19 =	simm.s32 $0x480;
	s20 =	simm.s32 $0xC00  }
0x13: {  	s21 =	simm.s32 $0x500;
	s22 =	simm.s32 $0xC80;
	s23 =	simm.s32 $0x580  }
0x14: {  	s24 =	simm.s32 $0xD00;
	s5 =	sadd.s32 s6, s5;
	s10 =	sshrl.u32 s25, $0x1  }
0x15: {  	s8 =	sshrl.u32 s8, $0x2;
	s0 =	sadd.s32 s9, s0;
	s1 =	sadd.s32 s9, s1  }
0x16: {  	s9 =	sor.u32 $0x1C03, s12;
	s12 =	simm.s32 $0x80;
	s6 =	ssub.s32 s25, s10  }
0x17: {  	s8 =	sadd.s32 s8, s2;
	s26 =	sadd.s32 $0x54000, s5;
	[dreg:$0x14] =	wrdreg s9  }
0x18: {  	s0 =	sadd.s32 s11, s0;
	s13 =	sadd.s32 s11, s1;
	[dreg:$0x13] =	wrdreg s26  }
0x19: {  	s1 =	simm.s32 $0xA4000;
	s10 =	simm.s32 $0x3;
	[dreg:$0x5] =	wrdreg s0  }
0x1a: {  	s11 =	simm.s32 $0x800;
	s25 =	simm.s32 $0x380;
	[dreg:$0x6] =	wrdreg s13  }
0x1b: {  	s16 =	smax.u32 s6, $0x1;
	s1 =	simm.s32 @!p0 $0x7C000;
	s7 =	sshrl.u32 s8, $0x3  }
0x1c: {  	s13 =	simm.s32 $0x1000;
	[dreg:$0x11] =	wrdreg s25;
	s26 =	simm.s32 $0xB00  }
0x1d: {  	s25 =	simm.s32 $0x600;
	s0 =	simm.s32 $0x780;
	[dreg:$0x15] =	wrdreg s16  }
0x1e: {  	s8 =	simm.s32 $0x0;
	s1 =	sadd.s32 s1, s5;
	[dreg:$0x12] =	wrdreg s26  }
0x1f: {  	s16 =	simm.s32 $0x2;
	s26 =	simm.s32 $0xD80;
	[dreg:$0x17] =	wrdreg s7  }
0x20: {  	s5 =	simm.s32 $0xF80;
	[dreg:$0x16] =	wrdreg s1;
	s1 =	simm.s32 $0xF00  }
.LBB2_1:
0x21: {  	[dreg:$0x18] =	wrdreg s8  }
0x22: {  	s6 =	rddreg [dreg:$0x13]  }
0x23: {  	[spmem:s7], [sflag:s9] =	dma.local [hbm:s6], $0x2800  }
0x24: {  	_ =	swait.ge [sflag:s10], $0x2800  }
0x25: {  	[sflag:s10] =	ssyncset.done $0x0  }
0x26: {  	[sflag:s10] =	ssyncadd.s32 $0xFFFFD800  }
0x27: {  	[bflag:$0x0] =	sbarrier.arrive $0xFFFF  }
0x28: {  	s7 =	rddreg [dreg:$0x5]  }
0x29: {  	s6 =	sadd.s32 $0x0, s7  }
0x2a: {  	[tilespmem:s3], [sflag:$0x3] =	stream.linear.gather [hbm4b:s6+s3], $0x800, $0x38;
	[tilespmem:$0x1D000] =	vst v63  }
0x2b: {  	_ =	swait.ge [sflag:s10], $0x800  }
0x2c: {  	s8 =	rddreg [dreg:$0x6];
	[sflag:s10] =	ssyncset.done $0x0  }
0x2d: {  	[sflag:s10] =	ssyncadd.s32 $0xFFFFF800;
	s6 =	sadd.s32 $0x0, s8  }
0x2e: {  	[tilespmem:s11], [sflag:$0x3] =	stream.linear.gather [hbm4b:s6+s3], $0x800, $0x38;
	[tilespmem:$0x1D000] =	vst v63  }
0x2f: {  	_ =	swait.ge [sflag:s10], $0x800  }
0x30: {  	[sflag:s10] =	ssyncset.done $0x0  }
0x31: {  	[sflag:s10] =	ssyncadd.s32 $0xFFFFF800  }
0x32: {  	[tilespmem:s13], [sflag:$0x1] =	stream.indirect.gather [hbm4b:s4+s12], $0x80, s3, s12, $0xb8;
	[tilespmem:$0x1D000] =	vst v63  }
0x33: {  	_ =	swait.ge [sflag:s14], $0x4000  }
0x34: {  	[sflag:s14] =	ssyncset.done $0x0  }
0x35: {  	[sflag:s14] =	ssyncadd.s32 $0xFFFFC000  }
0x36: {  	[tilespmem:s15], [sflag:$0x2] =	stream.indirect.gather [hbm4b:s4+s12], $0x80, s12, s12, $0xb8;
	[tilespmem:$0x1D000] =	vst v63  }
0x37: {  	_ = 	snop  }
0x38: {  	[spmem:s2] =	stream.indirect.scatter.add.f32 [tilespmem:s13], [sflag:$0x3], $0x80, s11, s12, $0xb8;
	[tilespmem:$0x1D000] =	vst v63  }
0x39: {  	_ =	swait.ge [sflag:s10], $0x4000  }
0x3a: {  	[sflag:s10] =	ssyncset.done $0x0  }
0x3b: {  	[sflag:s10] =	ssyncadd.s32 $0xFFFFC000  }
0x3c: {  	_ =	swait.ge [sflag:s16], $0x4000  }
0x3d: {  	[sflag:s16] =	ssyncset.done $0x0  }
0x3e: {  	s9 =	rddreg [dreg:$0x7];
	[sflag:s16] =	ssyncadd.s32 $0xFFFFC000  }
0x3f: {  	[tilespmem:s13], [sflag:$0x1] =	stream.indirect.gather [hbm4b:s4+s12], $0x80, s9, s12, $0xb8;
	[tilespmem:$0x1D000] =	vst v63  }
0x40: {  	s7 =	rddreg [dreg:$0x8]  }
0x41: {  	[spmem:s2] =	stream.indirect.scatter.add.f32 [tilespmem:s15], [sflag:$0x3], $0x80, s7, s12, $0xb8;
	[tilespmem:$0x1D000] =	vst v63  }
0x42: {  	_ =	swait.ge [sflag:s10], $0x4000  }
0x43: {  	[sflag:s10] =	ssyncset.done $0x0  }
0x44: {  	[sflag:s10] =	ssyncadd.s32 $0xFFFFC000  }
0x45: {  	_ =	swait.ge [sflag:s14], $0x4000  }
0x46: {  	[sflag:s14] =	ssyncset.done $0x0  }
0x47: {  	s9 =	rddreg [dreg:$0x9];
	[sflag:s14] =	ssyncadd.s32 $0xFFFFC000  }
0x48: {  	[tilespmem:s15], [sflag:$0x2] =	stream.indirect.gather [hbm4b:s4+s12], $0x80, s9, s12, $0xb8;
	[tilespmem:$0x1D000] =	vst v63  }
0x49: {  	s7 =	rddreg [dreg:$0xa]  }
0x4a: {  	[spmem:s2] =	stream.indirect.scatter.add.f32 [tilespmem:s13], [sflag:$0x3], $0x80, s7, s12, $0xb8;
	[tilespmem:$0x1D000] =	vst v63  }
0x4b: {  	_ =	swait.ge [sflag:s10], $0x4000  }
0x4c: {  	[sflag:s10] =	ssyncset.done $0x0  }
0x4d: {  	[sflag:s10] =	ssyncadd.s32 $0xFFFFC000  }
0x4e: {  	_ =	swait.ge [sflag:s16], $0x4000  }
0x4f: {  	[sflag:s16] =	ssyncset.done $0x0  }
0x50: {  	s9 =	rddreg [dreg:$0xb];
	[sflag:s16] =	ssyncadd.s32 $0xFFFFC000  }
0x51: {  	[tilespmem:s13], [sflag:$0x1] =	stream.indirect.gather [hbm4b:s4+s12], $0x80, s9, s12, $0xb8;
	[tilespmem:$0x1D000] =	vst v63  }
0x52: {  	s7 =	rddreg [dreg:$0xc]  }
0x53: {  	[spmem:s2] =	stream.indirect.scatter.add.f32 [tilespmem:s15], [sflag:$0x3], $0x80, s7, s12, $0xb8;
	[tilespmem:$0x1D000] =	vst v63  }
0x54: {  	_ =	swait.ge [sflag:s10], $0x4000  }
0x55: {  	[sflag:s10] =	ssyncset.done $0x0  }
0x56: {  	[sflag:s10] =	ssyncadd.s32 $0xFFFFC000  }
0x57: {  	_ =	swait.ge [sflag:s14], $0x4000  }
0x58: {  	[sflag:s14] =	ssyncset.done $0x0  }
0x59: {  	s9 =	rddreg [dreg:$0xd];
	[sflag:s14] =	ssyncadd.s32 $0xFFFFC000  }
0x5a: {  	[tilespmem:s15], [sflag:$0x2] =	stream.indirect.gather [hbm4b:s4+s12], $0x80, s9, s12, $0xb8;
	[tilespmem:$0x1D000] =	vst v63  }
0x5b: {  	s7 =	rddreg [dreg:$0xe]  }
0x5c: {  	[spmem:s2] =	stream.indirect.scatter.add.f32 [tilespmem:s13], [sflag:$0x3], $0x80, s7, s12, $0xb8;
	[tilespmem:$0x1D000] =	vst v63  }
0x5d: {  	_ =	swait.ge [sflag:s10], $0x4000  }
0x5e: {  	[sflag:s10] =	ssyncset.done $0x0  }
0x5f: {  	[sflag:s10] =	ssyncadd.s32 $0xFFFFC000  }
0x60: {  	_ =	swait.ge [sflag:s16], $0x4000  }
0x61: {  	[sflag:s16] =	ssyncset.done $0x0  }
0x62: {  	s9 =	rddreg [dreg:$0xf];
	[sflag:s16] =	ssyncadd.s32 $0xFFFFC000  }
0x63: {  	[tilespmem:s13], [sflag:$0x1] =	stream.indirect.gather [hbm4b:s4+s12], $0x80, s9, s12, $0xb8;
	[tilespmem:$0x1D000] =	vst v63  }
0x64: {  	s7 =	rddreg [dreg:$0x10]  }
0x65: {  	[spmem:s2] =	stream.indirect.scatter.add.f32 [tilespmem:s15], [sflag:$0x3], $0x80, s7, s12, $0xb8;
	[tilespmem:$0x1D000] =	vst v63  }
0x66: {  	_ =	swait.ge [sflag:s10], $0x4000  }
0x67: {  	[sflag:s10] =	ssyncset.done $0x0  }
0x68: {  	[sflag:s10] =	ssyncadd.s32 $0xFFFFC000  }
0x69: {  	_ =	swait.ge [sflag:s14], $0x4000  }
0x6a: {  	[sflag:s14] =	ssyncset.done $0x0  }
0x6b: {  	s8 =	rddreg [dreg:$0x11];
	[sflag:s14] =	ssyncadd.s32 $0xFFFFC000  }
0x6c: {  	[tilespmem:s15], [sflag:$0x2] =	stream.indirect.gather [hbm4b:s4+s12], $0x80, s8, s12, $0xb8;
	[tilespmem:$0x1D000] =	vst v63  }
0x6d: {  	s9 =	rddreg [dreg:$0x12]  }
0x6e: {  	[spmem:s2] =	stream.indirect.scatter.add.f32 [tilespmem:s13], [sflag:$0x3], $0x80, s9, s12, $0xb8;
	[tilespmem:$0x1D000] =	vst v63  }
0x6f: {  	_ =	swait.ge [sflag:s10], $0x4000  }
0x70: {  	[sflag:s10] =	ssyncset.done $0x0  }
0x71: {  	[sflag:s10] =	ssyncadd.s32 $0xFFFFC000  }
0x72: {  	_ =	swait.ge [sflag:s16], $0x4000  }
0x73: {  	[sflag:s16] =	ssyncset.done $0x0  }
0x74: {  	[sflag:s16] =	ssyncadd.s32 $0xFFFFC000  }
0x75: {  	[tilespmem:s13], [sflag:$0x1] =	stream.indirect.gather [hbm4b:s4+s12], $0x80, s17, s12, $0xb8;
	[tilespmem:$0x1D000] =	vst v63  }
0x76: {  	_ = 	snop  }
0x77: {  	[spmem:s2] =	stream.indirect.scatter.add.f32 [tilespmem:s15], [sflag:$0x3], $0x80, s18, s12, $0xb8;
	[tilespmem:$0x1D000] =	vst v63  }
0x78: {  	_ =	swait.ge [sflag:s10], $0x4000  }
0x79: {  	[sflag:s10] =	ssyncset.done $0x0  }
0x7a: {  	[sflag:s10] =	ssyncadd.s32 $0xFFFFC000  }
0x7b: {  	_ =	swait.ge [sflag:s14], $0x4000  }
0x7c: {  	[sflag:s14] =	ssyncset.done $0x0  }
0x7d: {  	[sflag:s14] =	ssyncadd.s32 $0xFFFFC000  }
0x7e: {  	[tilespmem:s15], [sflag:$0x2] =	stream.indirect.gather [hbm4b:s4+s12], $0x80, s19, s12, $0xb8;
	[tilespmem:$0x1D000] =	vst v63  }
0x7f: {  	_ = 	snop  }
0x80: {  	[spmem:s2] =	stream.indirect.scatter.add.f32 [tilespmem:s13], [sflag:$0x3], $0x80, s20, s12, $0xb8;
	[tilespmem:$0x1D000] =	vst v63  }
0x81: {  	_ =	swait.ge [sflag:s10], $0x4000  }
0x82: {  	[sflag:s10] =	ssyncset.done $0x0  }
0x83: {  	[sflag:s10] =	ssyncadd.s32 $0xFFFFC000  }
0x84: {  	_ =	swait.ge [sflag:s16], $0x4000  }
0x85: {  	[sflag:s16] =	ssyncset.done $0x0  }
0x86: {  	[sflag:s16] =	ssyncadd.s32 $0xFFFFC000  }
0x87: {  	[tilespmem:s13], [sflag:$0x1] =	stream.indirect.gather [hbm4b:s4+s12], $0x80, s21, s12, $0xb8;
	[tilespmem:$0x1D000] =	vst v63  }
0x88: {  	_ = 	snop  }
0x89: {  	[spmem:s2] =	stream.indirect.scatter.add.f32 [tilespmem:s15], [sflag:$0x3], $0x80, s22, s12, $0xb8;
	[tilespmem:$0x1D000] =	vst v63  }
0x8a: {  	_ =	swait.ge [sflag:s10], $0x4000  }
0x8b: {  	[sflag:s10] =	ssyncset.done $0x0  }
0x8c: {  	[sflag:s10] =	ssyncadd.s32 $0xFFFFC000  }
0x8d: {  	_ =	swait.ge [sflag:s14], $0x4000  }
0x8e: {  	[sflag:s14] =	ssyncset.done $0x0  }
0x8f: {  	[sflag:s14] =	ssyncadd.s32 $0xFFFFC000  }
0x90: {  	[tilespmem:s15], [sflag:$0x2] =	stream.indirect.gather [hbm4b:s4+s12], $0x80, s23, s12, $0xb8;
	[tilespmem:$0x1D000] =	vst v63  }
0x91: {  	_ = 	snop  }
0x92: {  	[spmem:s2] =	stream.indirect.scatter.add.f32 [tilespmem:s13], [sflag:$0x3], $0x80, s24, s12, $0xb8;
	[tilespmem:$0x1D000] =	vst v63  }
0x93: {  	_ =	swait.ge [sflag:s10], $0x4000  }
0x94: {  	[sflag:s10] =	ssyncset.done $0x0  }
0x95: {  	[sflag:s10] =	ssyncadd.s32 $0xFFFFC000  }
0x96: {  	_ =	swait.ge [sflag:s16], $0x4000  }
0x97: {  	[sflag:s16] =	ssyncset.done $0x0  }
0x98: {  	[sflag:s16] =	ssyncadd.s32 $0xFFFFC000  }
0x99: {  	[tilespmem:s13], [sflag:$0x1] =	stream.indirect.gather [hbm4b:s4+s12], $0x80, s25, s12, $0xb8;
	[tilespmem:$0x1D000] =	vst v63  }
0x9a: {  	_ = 	snop  }
0x9b: {  	[spmem:s2] =	stream.indirect.scatter.add.f32 [tilespmem:s15], [sflag:$0x3], $0x80, s26, s12, $0xb8;
	[tilespmem:$0x1D000] =	vst v63  }
0x9c: {  	_ =	swait.ge [sflag:s10], $0x4000  }
0x9d: {  	[sflag:s10] =	ssyncset.done $0x0  }
0x9e: {  	[sflag:s10] =	ssyncadd.s32 $0xFFFFC000  }
0x9f: {  	_ =	swait.ge [sflag:s14], $0x4000  }
0xa0: {  	[sflag:s14] =	ssyncset.done $0x0  }
0xa1: {  	[sflag:s14] =	ssyncadd.s32 $0xFFFFC000  }
0xa2: {  	[tilespmem:s15], [sflag:$0x2] =	stream.indirect.gather [hbm4b:s4+s12], $0x80, s28, s12, $0xb8;
	[tilespmem:$0x1D000] =	vst v63  }
0xa3: {  	_ = 	snop  }
0xa4: {  	[spmem:s2] =	stream.indirect.scatter.add.f32 [tilespmem:s13], [sflag:$0x3], $0x80, s29, s12, $0xb8;
	[tilespmem:$0x1D000] =	vst v63  }
0xa5: {  	_ =	swait.ge [sflag:s10], $0x4000  }
0xa6: {  	[sflag:s10] =	ssyncset.done $0x0  }
0xa7: {  	[sflag:s10] =	ssyncadd.s32 $0xFFFFC000  }
0xa8: {  	_ =	swait.ge [sflag:s16], $0x4000  }
0xa9: {  	[sflag:s16] =	ssyncset.done $0x0  }
0xaa: {  	[sflag:s16] =	ssyncadd.s32 $0xFFFFC000  }
0xab: {  	[tilespmem:s13], [sflag:$0x1] =	stream.indirect.gather [hbm4b:s4+s12], $0x80, s30, s12, $0xb8;
	[tilespmem:$0x1D000] =	vst v63  }
0xac: {  	_ = 	snop  }
0xad: {  	[spmem:s2] =	stream.indirect.scatter.add.f32 [tilespmem:s15], [sflag:$0x3], $0x80, s31, s12, $0xb8;
	[tilespmem:$0x1D000] =	vst v63  }
0xae: {  	_ =	swait.ge [sflag:s10], $0x4000  }
0xaf: {  	[sflag:s10] =	ssyncset.done $0x0  }
0xb0: {  	[sflag:s10] =	ssyncadd.s32 $0xFFFFC000  }
0xb1: {  	_ =	swait.ge [sflag:s14], $0x4000  }
0xb2: {  	[sflag:s14] =	ssyncset.done $0x0  }
0xb3: {  	[sflag:s14] =	ssyncadd.s32 $0xFFFFC000  }
0xb4: {  	[tilespmem:s15], [sflag:$0x2] =	stream.indirect.gather [hbm4b:s4+s12], $0x80, s0, s12, $0xb8;
	[tilespmem:$0x1D000] =	vst v63  }
0xb5: {  	_ = 	snop  }
0xb6: {  	[spmem:s2] =	stream.indirect.scatter.add.f32 [tilespmem:s13], [sflag:$0x3], $0x80, s1, s12, $0xb8;
	[tilespmem:$0x1D000] =	vst v63  }
0xb7: {  	_ =	swait.ge [sflag:s10], $0x4000  }
0xb8: {  	[sflag:s10] =	ssyncset.done $0x0  }
0xb9: {  	[sflag:s10] =	ssyncadd.s32 $0xFFFFC000  }
0xba: {  	_ =	swait.ge [sflag:s16], $0x4000  }
0xbb: {  	[sflag:s16] =	ssyncset.done $0x0  }
0xbc: {  	[sflag:s16] =	ssyncadd.s32 $0xFFFFC000  }
0xbd: {  	[spmem:s2] =	stream.indirect.scatter.add.f32 [tilespmem:s15], [sflag:$0x3], $0x80, s5, s12, $0xb8;
	[tilespmem:$0x1D000] =	vst v63  }
0xbe: {  	s6 =	simm.s32 $0x200;
	_ =	swait.ge [sflag:s10], $0x4000  }
0xbf: {  	s8 =	simm.s32 $0x100;
	s9 =	rddreg [dreg:$0x5];
	[sflag:s10] =	ssyncset.done $0x0  }
.LBB2_2:
0xc0: {  	[sflag:s10] =	ssyncadd.s32 $0xFFFFC000;
	s9 =	sadd.s32 s8, s9  }
0xc1: {  	[tilespmem:s3], [sflag:$0x3] =	stream.linear.gather [hbm4b:s9+s3], $0x800, $0x38;
	[tilespmem:$0x1D000] =	vst v63  }
0xc2: {  	_ =	swait.ge [sflag:s10], $0x800  }
0xc3: {  	s9 =	rddreg [dreg:$0x6];
	[sflag:s10] =	ssyncset.done $0x0  }
0xc4: {  	[sflag:s10] =	ssyncadd.s32 $0xFFFFF800;
	s9 =	sadd.s32 s8, s9  }
0xc5: {  	[tilespmem:s11], [sflag:$0x3] =	stream.linear.gather [hbm4b:s9+s3], $0x800, $0x38;
	[tilespmem:$0x1D000] =	vst v63  }
0xc6: {  	_ =	swait.ge [sflag:s10], $0x800  }
0xc7: {  	[sflag:s10] =	ssyncset.done $0x0  }
0xc8: {  	[sflag:s10] =	ssyncadd.s32 $0xFFFFF800  }
0xc9: {  	[tilespmem:s13], [sflag:$0x1] =	stream.indirect.gather [hbm4b:s4+s12], $0x80, s3, s12, $0xb8;
	[tilespmem:$0x1D000] =	vst v63  }
0xca: {  	_ =	swait.ge [sflag:s14], $0x4000  }
0xcb: {  	[sflag:s14] =	ssyncset.done $0x0  }
0xcc: {  	[sflag:s14] =	ssyncadd.s32 $0xFFFFC000  }
0xcd: {  	[tilespmem:s15], [sflag:$0x2] =	stream.indirect.gather [hbm4b:s4+s12], $0x80, s12, s12, $0xb8;
	[tilespmem:$0x1D000] =	vst v63  }
0xce: {  	_ = 	snop  }
0xcf: {  	[spmem:s2] =	stream.indirect.scatter.add.f32 [tilespmem:s13], [sflag:$0x3], $0x80, s11, s12, $0xb8;
	[tilespmem:$0x1D000] =	vst v63  }
0xd0: {  	_ =	swait.ge [sflag:s10], $0x4000  }
0xd1: {  	[sflag:s10] =	ssyncset.done $0x0  }
0xd2: {  	[sflag:s10] =	ssyncadd.s32 $0xFFFFC000  }
0xd3: {  	_ =	swait.ge [sflag:s16], $0x4000  }
0xd4: {  	s7 =	smov.u32 s6;
	[sflag:s16] =	ssyncset.done $0x0  }
0xd5: {  	s8 =	smov.u32 s7;
	s7 =	rddreg [dreg:$0x7];
	[sflag:s16] =	ssyncadd.s32 $0xFFFFC000  }
0xd6: {  	[tilespmem:s13], [sflag:$0x1] =	stream.indirect.gather [hbm4b:s4+s12], $0x80, s7, s12, $0xb8;
	[tilespmem:$0x1D000] =	vst v63  }
0xd7: {  	s9 =	rddreg [dreg:$0x8]  }
0xd8: {  	[spmem:s2] =	stream.indirect.scatter.add.f32 [tilespmem:s15], [sflag:$0x3], $0x80, s9, s12, $0xb8;
	[tilespmem:$0x1D000] =	vst v63  }
0xd9: {  	_ =	swait.ge [sflag:s10], $0x4000  }
0xda: {  	[sflag:s10] =	ssyncset.done $0x0  }
0xdb: {  	[sflag:s10] =	ssyncadd.s32 $0xFFFFC000  }
0xdc: {  	_ =	swait.ge [sflag:s14], $0x4000  }
0xdd: {  	[sflag:s14] =	ssyncset.done $0x0  }
0xde: {  	s7 =	rddreg [dreg:$0x9];
	[sflag:s14] =	ssyncadd.s32 $0xFFFFC000  }
0xdf: {  	[tilespmem:s15], [sflag:$0x2] =	stream.indirect.gather [hbm4b:s4+s12], $0x80, s7, s12, $0xb8;
	[tilespmem:$0x1D000] =	vst v63  }
0xe0: {  	s9 =	rddreg [dreg:$0xa]  }
0xe1: {  	[spmem:s2] =	stream.indirect.scatter.add.f32 [tilespmem:s13], [sflag:$0x3], $0x80, s9, s12, $0xb8;
	[tilespmem:$0x1D000] =	vst v63  }
0xe2: {  	_ =	swait.ge [sflag:s10], $0x4000  }
0xe3: {  	[sflag:s10] =	ssyncset.done $0x0  }
0xe4: {  	[sflag:s10] =	ssyncadd.s32 $0xFFFFC000  }
0xe5: {  	_ =	swait.ge [sflag:s16], $0x4000  }
0xe6: {  	[sflag:s16] =	ssyncset.done $0x0  }
0xe7: {  	s7 =	rddreg [dreg:$0xb];
	[sflag:s16] =	ssyncadd.s32 $0xFFFFC000  }
0xe8: {  	[tilespmem:s13], [sflag:$0x1] =	stream.indirect.gather [hbm4b:s4+s12], $0x80, s7, s12, $0xb8;
	[tilespmem:$0x1D000] =	vst v63  }
0xe9: {  	s9 =	rddreg [dreg:$0xc]  }
0xea: {  	[spmem:s2] =	stream.indirect.scatter.add.f32 [tilespmem:s15], [sflag:$0x3], $0x80, s9, s12, $0xb8;
	[tilespmem:$0x1D000] =	vst v63  }
0xeb: {  	_ =	swait.ge [sflag:s10], $0x4000  }
0xec: {  	[sflag:s10] =	ssyncset.done $0x0  }
0xed: {  	[sflag:s10] =	ssyncadd.s32 $0xFFFFC000  }
0xee: {  	_ =	swait.ge [sflag:s14], $0x4000  }
0xef: {  	[sflag:s14] =	ssyncset.done $0x0  }
0xf0: {  	s7 =	rddreg [dreg:$0xd];
	[sflag:s14] =	ssyncadd.s32 $0xFFFFC000  }
0xf1: {  	[tilespmem:s15], [sflag:$0x2] =	stream.indirect.gather [hbm4b:s4+s12], $0x80, s7, s12, $0xb8;
	[tilespmem:$0x1D000] =	vst v63  }
0xf2: {  	s9 =	rddreg [dreg:$0xe]  }
0xf3: {  	[spmem:s2] =	stream.indirect.scatter.add.f32 [tilespmem:s13], [sflag:$0x3], $0x80, s9, s12, $0xb8;
	[tilespmem:$0x1D000] =	vst v63  }
0xf4: {  	_ =	swait.ge [sflag:s10], $0x4000  }
0xf5: {  	[sflag:s10] =	ssyncset.done $0x0  }
0xf6: {  	[sflag:s10] =	ssyncadd.s32 $0xFFFFC000  }
0xf7: {  	_ =	swait.ge [sflag:s16], $0x4000  }
0xf8: {  	[sflag:s16] =	ssyncset.done $0x0  }
0xf9: {  	s7 =	rddreg [dreg:$0xf];
	[sflag:s16] =	ssyncadd.s32 $0xFFFFC000  }
0xfa: {  	[tilespmem:s13], [sflag:$0x1] =	stream.indirect.gather [hbm4b:s4+s12], $0x80, s7, s12, $0xb8;
	[tilespmem:$0x1D000] =	vst v63  }
0xfb: {  	s9 =	rddreg [dreg:$0x10]  }
0xfc: {  	[spmem:s2] =	stream.indirect.scatter.add.f32 [tilespmem:s15], [sflag:$0x3], $0x80, s9, s12, $0xb8;
	[tilespmem:$0x1D000] =	vst v63  }
0xfd: {  	_ =	swait.ge [sflag:s10], $0x4000  }
0xfe: {  	[sflag:s10] =	ssyncset.done $0x0  }
0xff: {  	[sflag:s10] =	ssyncadd.s32 $0xFFFFC000  }
0x100: {  	_ =	swait.ge [sflag:s14], $0x4000  }
0x101: {  	[sflag:s14] =	ssyncset.done $0x0  }
0x102: {  	s7 =	rddreg [dreg:$0x11];
	[sflag:s14] =	ssyncadd.s32 $0xFFFFC000  }
0x103: {  	[tilespmem:s15], [sflag:$0x2] =	stream.indirect.gather [hbm4b:s4+s12], $0x80, s7, s12, $0xb8;
	[tilespmem:$0x1D000] =	vst v63  }
0x104: {  	s9 =	rddreg [dreg:$0x12]  }
0x105: {  	[spmem:s2] =	stream.indirect.scatter.add.f32 [tilespmem:s13], [sflag:$0x3], $0x80, s9, s12, $0xb8;
	[tilespmem:$0x1D000] =	vst v63  }
0x106: {  	_ =	swait.ge [sflag:s10], $0x4000  }
0x107: {  	[sflag:s10] =	ssyncset.done $0x0  }
0x108: {  	[sflag:s10] =	ssyncadd.s32 $0xFFFFC000  }
0x109: {  	_ =	swait.ge [sflag:s16], $0x4000  }
0x10a: {  	[sflag:s16] =	ssyncset.done $0x0  }
0x10b: {  	[sflag:s16] =	ssyncadd.s32 $0xFFFFC000  }
0x10c: {  	[tilespmem:s13], [sflag:$0x1] =	stream.indirect.gather [hbm4b:s4+s12], $0x80, s17, s12, $0xb8;
	[tilespmem:$0x1D000] =	vst v63  }
0x10d: {  	_ = 	snop  }
0x10e: {  	[spmem:s2] =	stream.indirect.scatter.add.f32 [tilespmem:s15], [sflag:$0x3], $0x80, s18, s12, $0xb8;
	[tilespmem:$0x1D000] =	vst v63  }
0x10f: {  	_ =	swait.ge [sflag:s10], $0x4000  }
0x110: {  	[sflag:s10] =	ssyncset.done $0x0  }
0x111: {  	[sflag:s10] =	ssyncadd.s32 $0xFFFFC000  }
0x112: {  	_ =	swait.ge [sflag:s14], $0x4000  }
0x113: {  	[sflag:s14] =	ssyncset.done $0x0  }
0x114: {  	[sflag:s14] =	ssyncadd.s32 $0xFFFFC000  }
0x115: {  	[tilespmem:s15], [sflag:$0x2] =	stream.indirect.gather [hbm4b:s4+s12], $0x80, s19, s12, $0xb8;
	[tilespmem:$0x1D000] =	vst v63  }
0x116: {  	_ = 	snop  }
0x117: {  	[spmem:s2] =	stream.indirect.scatter.add.f32 [tilespmem:s13], [sflag:$0x3], $0x80, s20, s12, $0xb8;
	[tilespmem:$0x1D000] =	vst v63  }
0x118: {  	_ =	swait.ge [sflag:s10], $0x4000  }
0x119: {  	[sflag:s10] =	ssyncset.done $0x0  }
0x11a: {  	[sflag:s10] =	ssyncadd.s32 $0xFFFFC000  }
0x11b: {  	_ =	swait.ge [sflag:s16], $0x4000  }
0x11c: {  	[sflag:s16] =	ssyncset.done $0x0  }
0x11d: {  	[sflag:s16] =	ssyncadd.s32 $0xFFFFC000  }
0x11e: {  	[tilespmem:s13], [sflag:$0x1] =	stream.indirect.gather [hbm4b:s4+s12], $0x80, s21, s12, $0xb8;
	[tilespmem:$0x1D000] =	vst v63  }
0x11f: {  	_ = 	snop  }
0x120: {  	[spmem:s2] =	stream.indirect.scatter.add.f32 [tilespmem:s15], [sflag:$0x3], $0x80, s22, s12, $0xb8;
	[tilespmem:$0x1D000] =	vst v63  }
0x121: {  	_ =	swait.ge [sflag:s10], $0x4000  }
0x122: {  	[sflag:s10] =	ssyncset.done $0x0  }
0x123: {  	[sflag:s10] =	ssyncadd.s32 $0xFFFFC000  }
0x124: {  	_ =	swait.ge [sflag:s14], $0x4000  }
0x125: {  	[sflag:s14] =	ssyncset.done $0x0  }
0x126: {  	[sflag:s14] =	ssyncadd.s32 $0xFFFFC000  }
0x127: {  	[tilespmem:s15], [sflag:$0x2] =	stream.indirect.gather [hbm4b:s4+s12], $0x80, s23, s12, $0xb8;
	[tilespmem:$0x1D000] =	vst v63  }
0x128: {  	_ = 	snop  }
0x129: {  	[spmem:s2] =	stream.indirect.scatter.add.f32 [tilespmem:s13], [sflag:$0x3], $0x80, s24, s12, $0xb8;
	[tilespmem:$0x1D000] =	vst v63  }
0x12a: {  	_ =	swait.ge [sflag:s10], $0x4000  }
0x12b: {  	[sflag:s10] =	ssyncset.done $0x0  }
0x12c: {  	[sflag:s10] =	ssyncadd.s32 $0xFFFFC000  }
0x12d: {  	_ =	swait.ge [sflag:s16], $0x4000  }
0x12e: {  	[sflag:s16] =	ssyncset.done $0x0  }
0x12f: {  	[sflag:s16] =	ssyncadd.s32 $0xFFFFC000  }
0x130: {  	[tilespmem:s13], [sflag:$0x1] =	stream.indirect.gather [hbm4b:s4+s12], $0x80, s25, s12, $0xb8;
	[tilespmem:$0x1D000] =	vst v63  }
0x131: {  	_ = 	snop  }
0x132: {  	[spmem:s2] =	stream.indirect.scatter.add.f32 [tilespmem:s15], [sflag:$0x3], $0x80, s26, s12, $0xb8;
	[tilespmem:$0x1D000] =	vst v63  }
0x133: {  	_ =	swait.ge [sflag:s10], $0x4000  }
0x134: {  	[sflag:s10] =	ssyncset.done $0x0  }
0x135: {  	[sflag:s10] =	ssyncadd.s32 $0xFFFFC000  }
0x136: {  	_ =	swait.ge [sflag:s14], $0x4000  }
0x137: {  	[sflag:s14] =	ssyncset.done $0x0  }
0x138: {  	[sflag:s14] =	ssyncadd.s32 $0xFFFFC000  }
0x139: {  	[tilespmem:s15], [sflag:$0x2] =	stream.indirect.gather [hbm4b:s4+s12], $0x80, s28, s12, $0xb8;
	[tilespmem:$0x1D000] =	vst v63  }
0x13a: {  	_ = 	snop  }
0x13b: {  	[spmem:s2] =	stream.indirect.scatter.add.f32 [tilespmem:s13], [sflag:$0x3], $0x80, s29, s12, $0xb8;
	[tilespmem:$0x1D000] =	vst v63  }
0x13c: {  	_ =	swait.ge [sflag:s10], $0x4000  }
0x13d: {  	[sflag:s10] =	ssyncset.done $0x0  }
0x13e: {  	[sflag:s10] =	ssyncadd.s32 $0xFFFFC000  }
0x13f: {  	_ =	swait.ge [sflag:s16], $0x4000  }
0x140: {  	[sflag:s16] =	ssyncset.done $0x0  }
0x141: {  	[sflag:s16] =	ssyncadd.s32 $0xFFFFC000  }
0x142: {  	[tilespmem:s13], [sflag:$0x1] =	stream.indirect.gather [hbm4b:s4+s12], $0x80, s30, s12, $0xb8;
	[tilespmem:$0x1D000] =	vst v63  }
0x143: {  	_ = 	snop  }
0x144: {  	[spmem:s2] =	stream.indirect.scatter.add.f32 [tilespmem:s15], [sflag:$0x3], $0x80, s31, s12, $0xb8;
	[tilespmem:$0x1D000] =	vst v63  }
0x145: {  	_ =	swait.ge [sflag:s10], $0x4000  }
0x146: {  	[sflag:s10] =	ssyncset.done $0x0  }
0x147: {  	[sflag:s10] =	ssyncadd.s32 $0xFFFFC000  }
0x148: {  	_ =	swait.ge [sflag:s14], $0x4000  }
0x149: {  	[sflag:s14] =	ssyncset.done $0x0  }
0x14a: {  	[sflag:s14] =	ssyncadd.s32 $0xFFFFC000  }
0x14b: {  	[tilespmem:s15], [sflag:$0x2] =	stream.indirect.gather [hbm4b:s4+s12], $0x80, s0, s12, $0xb8;
	[tilespmem:$0x1D000] =	vst v63  }
0x14c: {  	_ = 	snop  }
0x14d: {  	[spmem:s2] =	stream.indirect.scatter.add.f32 [tilespmem:s13], [sflag:$0x3], $0x80, s1, s12, $0xb8;
	[tilespmem:$0x1D000] =	vst v63  }
0x14e: {  	_ =	swait.ge [sflag:s10], $0x4000  }
0x14f: {  	[sflag:s10] =	ssyncset.done $0x0  }
0x150: {  	[sflag:s10] =	ssyncadd.s32 $0xFFFFC000  }
0x151: {  	p0 =	sne.s32 s6, $0x400;
	_ =	swait.ge [sflag:s16], $0x4000  }
.Ltmp0:
0x152: {  	[sflag:s16] =	ssyncset.done $0x0;
	(pc) =	sbr.rel @p0 .LBB2_2-.Ltmp0, $4  }
0x153: {  	[sflag:s16] =	ssyncadd.s32 $0xFFFFC000  }
0x154: {  	[spmem:s2] =	stream.indirect.scatter.add.f32 [tilespmem:s15], [sflag:$0x3], $0x80, s5, s12, $0xb8;
	[tilespmem:$0x1D000] =	vst v63  }
0x155: {  	_ =	swait.ge [sflag:s10], $0x4000  }
0x156: {  	s6 =	sadd.s32 $0x100, s6;
	s9 =	rddreg [dreg:$0x5];
	[sflag:s10] =	ssyncset.done $0x0  }
0x157: {  	[sflag:s10] =	ssyncadd.s32 $0xFFFFC000;
	s6 =	sadd.s32 s8, s9  }
0x158: {  	[tilespmem:s3], [sflag:$0x3] =	stream.linear.gather [hbm4b:s6+s3], $0x800, $0x38;
	[tilespmem:$0x1D000] =	vst v63  }
0x159: {  	_ =	swait.ge [sflag:s10], $0x800  }
0x15a: {  	s7 =	rddreg [dreg:$0x6];
	[sflag:s10] =	ssyncset.done $0x0  }
0x15b: {  	[sflag:s10] =	ssyncadd.s32 $0xFFFFF800;
	s6 =	sadd.s32 s8, s7  }
0x15c: {  	[tilespmem:s11], [sflag:$0x3] =	stream.linear.gather [hbm4b:s6+s3], $0x800, $0x38;
	[tilespmem:$0x1D000] =	vst v63  }
0x15d: {  	_ =	swait.ge [sflag:s10], $0x800  }
0x15e: {  	[sflag:s10] =	ssyncset.done $0x0  }
0x15f: {  	[sflag:s10] =	ssyncadd.s32 $0xFFFFF800  }
0x160: {  	[tilespmem:s13], [sflag:$0x1] =	stream.indirect.gather [hbm4b:s4+s12], $0x80, s3, s12, $0xb8;
	[tilespmem:$0x1D000] =	vst v63  }
0x161: {  	_ =	swait.ge [sflag:s14], $0x4000  }
0x162: {  	[sflag:s14] =	ssyncset.done $0x0  }
0x163: {  	[sflag:s14] =	ssyncadd.s32 $0xFFFFC000  }
0x164: {  	[tilespmem:s15], [sflag:$0x2] =	stream.indirect.gather [hbm4b:s4+s12], $0x80, s12, s12, $0xb8;
	[tilespmem:$0x1D000] =	vst v63  }
0x165: {  	_ = 	snop  }
0x166: {  	[spmem:s2] =	stream.indirect.scatter.add.f32 [tilespmem:s13], [sflag:$0x3], $0x80, s11, s12, $0xb8;
	[tilespmem:$0x1D000] =	vst v63  }
0x167: {  	_ =	swait.ge [sflag:s10], $0x4000  }
0x168: {  	[sflag:s10] =	ssyncset.done $0x0  }
0x169: {  	[sflag:s10] =	ssyncadd.s32 $0xFFFFC000  }
0x16a: {  	_ =	swait.ge [sflag:s16], $0x4000  }
0x16b: {  	[sflag:s16] =	ssyncset.done $0x0  }
0x16c: {  	s9 =	rddreg [dreg:$0x7];
	[sflag:s16] =	ssyncadd.s32 $0xFFFFC000  }
0x16d: {  	[tilespmem:s13], [sflag:$0x1] =	stream.indirect.gather [hbm4b:s4+s12], $0x80, s9, s12, $0xb8;
	[tilespmem:$0x1D000] =	vst v63  }
0x16e: {  	s7 =	rddreg [dreg:$0x8]  }
0x16f: {  	[spmem:s2] =	stream.indirect.scatter.add.f32 [tilespmem:s15], [sflag:$0x3], $0x80, s7, s12, $0xb8;
	[tilespmem:$0x1D000] =	vst v63  }
0x170: {  	_ =	swait.ge [sflag:s10], $0x4000  }
0x171: {  	[sflag:s10] =	ssyncset.done $0x0  }
0x172: {  	[sflag:s10] =	ssyncadd.s32 $0xFFFFC000  }
0x173: {  	_ =	swait.ge [sflag:s14], $0x4000  }
0x174: {  	[sflag:s14] =	ssyncset.done $0x0  }
0x175: {  	s8 =	rddreg [dreg:$0x9];
	[sflag:s14] =	ssyncadd.s32 $0xFFFFC000  }
0x176: {  	[tilespmem:s15], [sflag:$0x2] =	stream.indirect.gather [hbm4b:s4+s12], $0x80, s8, s12, $0xb8;
	[tilespmem:$0x1D000] =	vst v63  }
0x177: {  	s9 =	rddreg [dreg:$0xa]  }
0x178: {  	[spmem:s2] =	stream.indirect.scatter.add.f32 [tilespmem:s13], [sflag:$0x3], $0x80, s9, s12, $0xb8;
	[tilespmem:$0x1D000] =	vst v63  }
0x179: {  	_ =	swait.ge [sflag:s10], $0x4000  }
0x17a: {  	[sflag:s10] =	ssyncset.done $0x0  }
0x17b: {  	[sflag:s10] =	ssyncadd.s32 $0xFFFFC000  }
0x17c: {  	_ =	swait.ge [sflag:s16], $0x4000  }
0x17d: {  	[sflag:s16] =	ssyncset.done $0x0  }
0x17e: {  	s8 =	rddreg [dreg:$0xb];
	[sflag:s16] =	ssyncadd.s32 $0xFFFFC000  }
0x17f: {  	[tilespmem:s13], [sflag:$0x1] =	stream.indirect.gather [hbm4b:s4+s12], $0x80, s8, s12, $0xb8;
	[tilespmem:$0x1D000] =	vst v63  }
0x180: {  	s9 =	rddreg [dreg:$0xc]  }
0x181: {  	[spmem:s2] =	stream.indirect.scatter.add.f32 [tilespmem:s15], [sflag:$0x3], $0x80, s9, s12, $0xb8;
	[tilespmem:$0x1D000] =	vst v63  }
0x182: {  	_ =	swait.ge [sflag:s10], $0x4000  }
0x183: {  	[sflag:s10] =	ssyncset.done $0x0  }
0x184: {  	[sflag:s10] =	ssyncadd.s32 $0xFFFFC000  }
0x185: {  	_ =	swait.ge [sflag:s14], $0x4000  }
0x186: {  	[sflag:s14] =	ssyncset.done $0x0  }
0x187: {  	s8 =	rddreg [dreg:$0xd];
	[sflag:s14] =	ssyncadd.s32 $0xFFFFC000  }
0x188: {  	[tilespmem:s15], [sflag:$0x2] =	stream.indirect.gather [hbm4b:s4+s12], $0x80, s8, s12, $0xb8;
	[tilespmem:$0x1D000] =	vst v63  }
0x189: {  	s9 =	rddreg [dreg:$0xe]  }
0x18a: {  	[spmem:s2] =	stream.indirect.scatter.add.f32 [tilespmem:s13], [sflag:$0x3], $0x80, s9, s12, $0xb8;
	[tilespmem:$0x1D000] =	vst v63  }
0x18b: {  	_ =	swait.ge [sflag:s10], $0x4000  }
0x18c: {  	[sflag:s10] =	ssyncset.done $0x0  }
0x18d: {  	[sflag:s10] =	ssyncadd.s32 $0xFFFFC000  }
0x18e: {  	_ =	swait.ge [sflag:s16], $0x4000  }
0x18f: {  	[sflag:s16] =	ssyncset.done $0x0  }
0x190: {  	s8 =	rddreg [dreg:$0xf];
	[sflag:s16] =	ssyncadd.s32 $0xFFFFC000  }
0x191: {  	[tilespmem:s13], [sflag:$0x1] =	stream.indirect.gather [hbm4b:s4+s12], $0x80, s8, s12, $0xb8;
	[tilespmem:$0x1D000] =	vst v63  }
0x192: {  	s9 =	rddreg [dreg:$0x10]  }
0x193: {  	[spmem:s2] =	stream.indirect.scatter.add.f32 [tilespmem:s15], [sflag:$0x3], $0x80, s9, s12, $0xb8;
	[tilespmem:$0x1D000] =	vst v63  }
0x194: {  	_ =	swait.ge [sflag:s10], $0x4000  }
0x195: {  	[sflag:s10] =	ssyncset.done $0x0  }
0x196: {  	[sflag:s10] =	ssyncadd.s32 $0xFFFFC000  }
0x197: {  	_ =	swait.ge [sflag:s14], $0x4000  }
0x198: {  	[sflag:s14] =	ssyncset.done $0x0  }
0x199: {  	s8 =	rddreg [dreg:$0x11];
	[sflag:s14] =	ssyncadd.s32 $0xFFFFC000  }
0x19a: {  	[tilespmem:s15], [sflag:$0x2] =	stream.indirect.gather [hbm4b:s4+s12], $0x80, s8, s12, $0xb8;
	[tilespmem:$0x1D000] =	vst v63  }
0x19b: {  	s9 =	rddreg [dreg:$0x12]  }
0x19c: {  	[spmem:s2] =	stream.indirect.scatter.add.f32 [tilespmem:s13], [sflag:$0x3], $0x80, s9, s12, $0xb8;
	[tilespmem:$0x1D000] =	vst v63  }
0x19d: {  	_ =	swait.ge [sflag:s10], $0x4000  }
0x19e: {  	[sflag:s10] =	ssyncset.done $0x0  }
0x19f: {  	[sflag:s10] =	ssyncadd.s32 $0xFFFFC000  }
0x1a0: {  	_ =	swait.ge [sflag:s16], $0x4000  }
0x1a1: {  	[sflag:s16] =	ssyncset.done $0x0  }
0x1a2: {  	[sflag:s16] =	ssyncadd.s32 $0xFFFFC000  }
0x1a3: {  	[tilespmem:s13], [sflag:$0x1] =	stream.indirect.gather [hbm4b:s4+s12], $0x80, s17, s12, $0xb8;
	[tilespmem:$0x1D000] =	vst v63  }
0x1a4: {  	_ = 	snop  }
0x1a5: {  	[spmem:s2] =	stream.indirect.scatter.add.f32 [tilespmem:s15], [sflag:$0x3], $0x80, s18, s12, $0xb8;
	[tilespmem:$0x1D000] =	vst v63  }
0x1a6: {  	_ =	swait.ge [sflag:s10], $0x4000  }
0x1a7: {  	[sflag:s10] =	ssyncset.done $0x0  }
0x1a8: {  	[sflag:s10] =	ssyncadd.s32 $0xFFFFC000  }
0x1a9: {  	_ =	swait.ge [sflag:s14], $0x4000  }
0x1aa: {  	[sflag:s14] =	ssyncset.done $0x0  }
0x1ab: {  	[sflag:s14] =	ssyncadd.s32 $0xFFFFC000  }
0x1ac: {  	[tilespmem:s15], [sflag:$0x2] =	stream.indirect.gather [hbm4b:s4+s12], $0x80, s19, s12, $0xb8;
	[tilespmem:$0x1D000] =	vst v63  }
0x1ad: {  	_ = 	snop  }
0x1ae: {  	[spmem:s2] =	stream.indirect.scatter.add.f32 [tilespmem:s13], [sflag:$0x3], $0x80, s20, s12, $0xb8;
	[tilespmem:$0x1D000] =	vst v63  }
0x1af: {  	_ =	swait.ge [sflag:s10], $0x4000  }
0x1b0: {  	[sflag:s10] =	ssyncset.done $0x0  }
0x1b1: {  	[sflag:s10] =	ssyncadd.s32 $0xFFFFC000  }
0x1b2: {  	_ =	swait.ge [sflag:s16], $0x4000  }
0x1b3: {  	[sflag:s16] =	ssyncset.done $0x0  }
0x1b4: {  	[sflag:s16] =	ssyncadd.s32 $0xFFFFC000  }
0x1b5: {  	[tilespmem:s13], [sflag:$0x1] =	stream.indirect.gather [hbm4b:s4+s12], $0x80, s21, s12, $0xb8;
	[tilespmem:$0x1D000] =	vst v63  }
0x1b6: {  	_ = 	snop  }
0x1b7: {  	[spmem:s2] =	stream.indirect.scatter.add.f32 [tilespmem:s15], [sflag:$0x3], $0x80, s22, s12, $0xb8;
	[tilespmem:$0x1D000] =	vst v63  }
0x1b8: {  	_ =	swait.ge [sflag:s10], $0x4000  }
0x1b9: {  	[sflag:s10] =	ssyncset.done $0x0  }
0x1ba: {  	[sflag:s10] =	ssyncadd.s32 $0xFFFFC000  }
0x1bb: {  	_ =	swait.ge [sflag:s14], $0x4000  }
0x1bc: {  	[sflag:s14] =	ssyncset.done $0x0  }
0x1bd: {  	[sflag:s14] =	ssyncadd.s32 $0xFFFFC000  }
0x1be: {  	[tilespmem:s15], [sflag:$0x2] =	stream.indirect.gather [hbm4b:s4+s12], $0x80, s23, s12, $0xb8;
	[tilespmem:$0x1D000] =	vst v63  }
0x1bf: {  	_ = 	snop  }
0x1c0: {  	[spmem:s2] =	stream.indirect.scatter.add.f32 [tilespmem:s13], [sflag:$0x3], $0x80, s24, s12, $0xb8;
	[tilespmem:$0x1D000] =	vst v63  }
0x1c1: {  	_ =	swait.ge [sflag:s10], $0x4000  }
0x1c2: {  	[sflag:s10] =	ssyncset.done $0x0  }
0x1c3: {  	[sflag:s10] =	ssyncadd.s32 $0xFFFFC000  }
0x1c4: {  	_ =	swait.ge [sflag:s16], $0x4000  }
0x1c5: {  	[sflag:s16] =	ssyncset.done $0x0  }
0x1c6: {  	[sflag:s16] =	ssyncadd.s32 $0xFFFFC000  }
0x1c7: {  	[tilespmem:s13], [sflag:$0x1] =	stream.indirect.gather [hbm4b:s4+s12], $0x80, s25, s12, $0xb8;
	[tilespmem:$0x1D000] =	vst v63  }
0x1c8: {  	_ = 	snop  }
0x1c9: {  	[spmem:s2] =	stream.indirect.scatter.add.f32 [tilespmem:s15], [sflag:$0x3], $0x80, s26, s12, $0xb8;
	[tilespmem:$0x1D000] =	vst v63  }
0x1ca: {  	_ =	swait.ge [sflag:s10], $0x4000  }
0x1cb: {  	[sflag:s10] =	ssyncset.done $0x0  }
0x1cc: {  	[sflag:s10] =	ssyncadd.s32 $0xFFFFC000  }
0x1cd: {  	_ =	swait.ge [sflag:s14], $0x4000  }
0x1ce: {  	[sflag:s14] =	ssyncset.done $0x0  }
0x1cf: {  	[sflag:s14] =	ssyncadd.s32 $0xFFFFC000  }
0x1d0: {  	[tilespmem:s15], [sflag:$0x2] =	stream.indirect.gather [hbm4b:s4+s12], $0x80, s28, s12, $0xb8;
	[tilespmem:$0x1D000] =	vst v63  }
0x1d1: {  	_ = 	snop  }
0x1d2: {  	[spmem:s2] =	stream.indirect.scatter.add.f32 [tilespmem:s13], [sflag:$0x3], $0x80, s29, s12, $0xb8;
	[tilespmem:$0x1D000] =	vst v63  }
0x1d3: {  	_ =	swait.ge [sflag:s10], $0x4000  }
0x1d4: {  	[sflag:s10] =	ssyncset.done $0x0  }
0x1d5: {  	[sflag:s10] =	ssyncadd.s32 $0xFFFFC000  }
0x1d6: {  	_ =	swait.ge [sflag:s16], $0x4000  }
0x1d7: {  	[sflag:s16] =	ssyncset.done $0x0  }
0x1d8: {  	[sflag:s16] =	ssyncadd.s32 $0xFFFFC000  }
0x1d9: {  	[tilespmem:s13], [sflag:$0x1] =	stream.indirect.gather [hbm4b:s4+s12], $0x80, s30, s12, $0xb8;
	[tilespmem:$0x1D000] =	vst v63  }
0x1da: {  	_ = 	snop  }
0x1db: {  	[spmem:s2] =	stream.indirect.scatter.add.f32 [tilespmem:s15], [sflag:$0x3], $0x80, s31, s12, $0xb8;
	[tilespmem:$0x1D000] =	vst v63  }
0x1dc: {  	_ =	swait.ge [sflag:s10], $0x4000  }
0x1dd: {  	[sflag:s10] =	ssyncset.done $0x0  }
0x1de: {  	[sflag:s10] =	ssyncadd.s32 $0xFFFFC000  }
0x1df: {  	_ =	swait.ge [sflag:s14], $0x4000  }
0x1e0: {  	[sflag:s14] =	ssyncset.done $0x0  }
0x1e1: {  	[sflag:s14] =	ssyncadd.s32 $0xFFFFC000  }
0x1e2: {  	[tilespmem:s15], [sflag:$0x2] =	stream.indirect.gather [hbm4b:s4+s12], $0x80, s0, s12, $0xb8;
	[tilespmem:$0x1D000] =	vst v63  }
0x1e3: {  	_ = 	snop  }
0x1e4: {  	[spmem:s2] =	stream.indirect.scatter.add.f32 [tilespmem:s13], [sflag:$0x3], $0x80, s1, s12, $0xb8;
	[tilespmem:$0x1D000] =	vst v63  }
0x1e5: {  	_ =	swait.ge [sflag:s10], $0x4000  }
0x1e6: {  	[sflag:s10] =	ssyncset.done $0x0  }
0x1e7: {  	[sflag:s10] =	ssyncadd.s32 $0xFFFFC000  }
0x1e8: {  	_ =	swait.ge [sflag:s16], $0x4000  }
0x1e9: {  	[sflag:s16] =	ssyncset.done $0x0  }
0x1ea: {  	[sflag:s16] =	ssyncadd.s32 $0xFFFFC000  }
0x1eb: {  	[spmem:s2] =	stream.indirect.scatter.add.f32 [tilespmem:s15], [sflag:$0x3], $0x80, s5, s12, $0xb8;
	[tilespmem:$0x1D000] =	vst v63  }
0x1ec: {  	_ =	swait.ge [sflag:s10], $0x4000  }
0x1ed: {  	[sflag:s10] =	ssyncset.done $0x0  }
0x1ee: {  	[sflag:s10] =	ssyncadd.s32 $0xFFFFC000  }
0x1ef: {  	[bflag:$0x0] =	sbarrier.arrive $0xFFFF  }
0x1f0: {  	s9 =	rddreg [dreg:$0x14]  }
0x1f1: {  	s8 =	rddreg [dreg:$0x16]  }
0x1f2: {  	s7 =	rddreg [dreg:$0x17]  }
0x1f3: {  	[hbm:s8], [sflag:s9] =	dma.local [spmem:s7], $0x2800  }
0x1f4: {  	_ =	swait.ge [sflag:s10], $0x2800  }
0x1f5: {  	s6 =	rddreg [dreg:$0x18]  }
0x1f6: {  	s8 =	sadd.s32 $0x1, s6;
	s6 =	rddreg [dreg:$0x15]  }
0x1f7: {  	p0 =	sne.s32 s8, s6  }
.Ltmp1:
0x1f8: {  	_ = 	snop;
	(pc) =	sbr.rel @p0 .LBB2_1-.Ltmp1, $3  }
0x1f9: {  	_ =	sdelay $0x1  }
0x1fa: {  	[sflag:s10] =	ssyncset.done $0x0  }
0x1fb: {  	[sflag:s10] =	ssyncadd.s32 $0xFFFFD800  }
0x1fc: {  	_ =	sfence.sel $0x180000  }
0x1fd: {  	[bflag:$0x0] =	sbarrier.arrive $0xFFFF  }
0x1fe: {  	_ =	strace $0x9000004A  }
0x1ff: {  	s0 =	stileid.u32;
	[bflag:$0x2] =	sbarrier.arrive $0xFFFF  }
0x200: {  	p0 =	sne.s32 s0, $0x0;
	s0 =	rddreg [dreg:$0x4]  }
0x201: {  	s0 =	sadd.s32 @!p0 $0x100000, s0  }
0x202: {  	[sflag:s0] =	ssyncadd.tile.s32 @!p0 $0x1;
	_ =	shalt  }
.Lfunc_end2:
_tile_overlayer_lowered:
.L_overlay_start_2:
0x203: {  	(tag) =	ssettag $0x2  }
0x204: {  	s0 =	rddreg [dreg:$0x0];
	s2 =	stileid.u32  }
0x205: {  	s1 =	rddreg [dreg:$0x1];
	p0 =	sne.s32 s2, $0x0  }
0x206: {  	s3 =	rddreg [dreg:$0x2];
	[bflag:$0x3] =	sbarrier.arrive $0xFFFF;
	s2 =	simm.s32 @!p0 $0x1C03  }
0x207: {  	[timem:s3], [sflag:s2] =	dma.local @!p0 [hbm:s0], s1  }
0x208: {  	s0 =	simm.s32 @!p0 $0x3  }
0x209: {  	_ =	swait.ge @!p0 [sflag:s0], s1  }
0x20a: {  	s1 =	ssub.s32 @!p0 $0x0, s1;
	[sflag:s0] =	ssyncset.done @!p0 $0x0  }
0x20b: {  	[sflag:s0] =	ssyncadd.s32 @!p0 s1  }
0x20c: {  	[bflag:$0x3] =	sbarrier.arrive $0xFFFF  }
0x20d: {  	_ =	shalt  }

// kernel: kernel.14.cloned.1.call-start
scs
__scs_entry_jumppad:
0x0: {  	(pc) =	sbr.rel $0x88, $3  }
0x1: {  	(tag) =	ssettag $0x0;
	lr =	simm.s32 $0x1  }
0x2: {  	[smem:$0x3F92] =	sst lr;
	_ =	strace $0xD0000000  }
0x3: {  	_ = 	snop  }
0x4: {  	_ = 	snop  }
0x5: {  	_ = 	snop  }
0x6: {  	_ = 	snop  }
0x7: {  	_ = 	snop  }
__scs_overlays_trampoline_lowered:
0x8: {  	[smem:$0x3FA1] =	sst s0  }
0x9: {  	[smem:$0x3FA2] =	sst s1  }
0xa: {  	[smem:$0x3FA3] =	sst s2  }
0xb: {  	[smem:$0x3FA4] =	sst s3  }
0xc: {  	[smem:$0x3FA5] =	sst s4  }
0xd: {  	[smem:$0x3FA6] =	sst s5  }
0xe: {  	[smem:$0x3FA7] =	sst s6  }
0xf: {  	[smem:$0x3FA8] =	sst s7  }
0x10: {  	[smem:$0x3FA9] =	sst s8  }
0x11: {  	[smem:$0x3FAA] =	sst s9;
	s0 =	simm.s32 @!p0 $0x0  }
0x12: {  	s1 =	sld [smem:$0x3F90];
	s0 =	simm.s32 @p0 $0x1  }
0x13: {  	[smem:$0x3FAB] =	sst s0;
	s0 =	simm.s32 @!p1 $0x0  }
0x14: {  	s2 =	sld [smem:$0x3F8F];
	s0 =	simm.s32 @p1 $0x1  }
0x15: {  	[smem:$0x3FAC] =	sst s0;
	s0 =	simm.s32 @!p2 $0x0  }
0x16: {  	s3 =	sld [smem:$0x3FDB];
	s0 =	simm.s32 @p2 $0x1  }
0x17: {  	s4 =	simm.s32 $0x1BF5;
	[smem:$0x3FAE] =	sst s0  }
0x18: {  	s0 =	sld [smem:$0x3F91];
	_ =	swait.ge [sflag:s4], $0x0  }
0x19: {  	s7 =	sld [smem:$0x3F92]  }
0x1a: {  	s8 =	sadd.s32 $0xFFFFE003, lr  }
0x1b: {  	s9 =	sadd.s32 $0xFFFFFEF7, lr;
	s5 =	simm.s32 $0xFFFFFFFF;
	p2 =	slt.u32 s8, $0xFFFFF086  }
0x1c: {  	p1 =	slt.u32 s9, $0xF7A;
	s5 =	simm.s32 @!p2 $0x0  }
0x1d: {  	s5 =	simm.s32 @p1 $0x1;
	p0 =	seq.s32 s7, s2  }
0x1e: {  	s7 =	smul.u32 @!p0 $0xF7A, s2;
	p2 =	seq.s32 @!p0 s5, $0x0  }
0x1f: {  	s9 =	smul.u32 $0xF7A, s1;
	s8 =	simm.s32 @!p0 $0x1BF5;
	p2 =	por !p2, p0  }
0x20: {  	[sflag:s8] =	ssyncset.s32 @!p0 $0xFFFFF086;
	s6 =	sadd.s32 @!p0 s3, s7;
	s7 =	simm.s32 @!p0 $0x108  }
0x21: {  	s3 =	sadd.s32 s3, s9;
	s6 =	sadd.s32 @!p0 $0x88, s6;
	s7 =	simm.s32 @p2 $0x1082  }
0x22: {  	[simem:s7], [sflag:s8] =	dma.local @!p0 [hbm:s6], $0xF7A  }
0x23: {  	s9 =	sor.u32 $0xD0000000, s2;
	s6 =	simm.s32 $0x108;
	_ =	swait.ge @!p0 [sflag:s8], $0x0  }
0x24: {  	s3 =	sadd.s32 $0x88, s3;
	s6 =	simm.s32 @!p1 $0x1082;
	[sflag:s4] =	ssyncset.s32 $0xFFFFF086  }
0x25: {  	[simem:s6], [sflag:s4] =	dma.local [hbm:s3], $0xF7A  }
0x26: {  	[smem:$0x3F92] =	sst s1;
	(tag) =	ssettag s2;
	_ =	strace s9  }
0x27: {  	s1 =	sld [smem:$0x3FA2]  }
0x28: {  	s2 =	sld [smem:$0x3FA3]  }
0x29: {  	s4 =	sld [smem:$0x3FA5]  }
0x2a: {  	p0 =	seq.s32 s5, $0x0;
	s5 =	sld [smem:$0x3FA6]  }
0x2b: {  	s6 =	sld [smem:$0x3FA7]  }
0x2c: {  	s7 =	sld [smem:$0x3FA8]  }
0x2d: {  	s3 =	simm.s32 $0x108;
	s8 =	sld [smem:$0x3FA9]  }
0x2e: {  	s3 =	simm.s32 @!p0 $0x1082;
	s9 =	sld [smem:$0x3FAA]  }
0x2f: {  	lr =	sadd.s32 s0, s3;
	s0 =	sld [smem:$0x3FA1]  }
0x30: {  	s3 =	sld [smem:$0x3FA4]  }
0x31: {  	[smem:$0x3FAD] =	sst s10  }
0x32: {  	s10 =	sld [smem:$0x3FAB];
	_ =	sdelay $0x3  }
0x33: {  	p0 =	seq.s32 s10, $0x1;
	s10 =	sld [smem:$0x3FAD];
	_ =	sdelay $0x3  }
0x34: {  	[smem:$0x3FAD] =	sst s10  }
0x35: {  	s10 =	sld [smem:$0x3FAC];
	_ =	sdelay $0x3  }
0x36: {  	p1 =	seq.s32 s10, $0x1;
	s10 =	sld [smem:$0x3FAD];
	_ =	sdelay $0x3  }
0x37: {  	[smem:$0x3FAD] =	sst s10  }
0x38: {  	s10 =	sld [smem:$0x3FAE]  }
0x39: {  	_ = 	snop;
	(pc) =	sbr.ind lr, $3  }
0x3a: {  	_ = 	snop  }
0x3b: {  	_ = 	snop  }
0x3c: {  	p2 =	seq.s32 s10, $0x1;
	s10 =	sld [smem:$0x3FAD]  }
0x3d: {  	_ =	shalt  }
0x3e: {  	_ =	shalt  }
0x3f: {  	_ =	shalt  }
0x40: {  	_ =	shalt  }
0x41: {  	_ =	shalt  }
0x42: {  	_ =	shalt  }
0x43: {  	_ =	shalt  }
0x44: {  	_ =	shalt  }
0x45: {  	_ =	shalt  }
0x46: {  	_ =	shalt  }
0x47: {  	_ =	shalt  }
0x48: {  	_ =	shalt  }
0x49: {  	_ =	shalt  }
0x4a: {  	_ =	shalt  }
0x4b: {  	_ =	shalt  }
0x4c: {  	_ =	shalt  }
0x4d: {  	_ =	shalt  }
0x4e: {  	_ =	shalt  }
0x4f: {  	_ =	shalt  }
0x50: {  	_ =	shalt  }
0x51: {  	_ =	shalt  }
0x52: {  	_ =	shalt  }
0x53: {  	_ =	shalt  }
0x54: {  	_ =	shalt  }
0x55: {  	_ =	shalt  }
0x56: {  	_ =	shalt  }
0x57: {  	_ =	shalt  }
0x58: {  	_ =	shalt  }
0x59: {  	_ =	shalt  }
0x5a: {  	_ =	shalt  }
0x5b: {  	_ =	shalt  }
0x5c: {  	_ =	shalt  }
0x5d: {  	_ =	shalt  }
0x5e: {  	_ =	shalt  }
0x5f: {  	_ =	shalt  }
0x60: {  	_ =	shalt  }
0x61: {  	_ =	shalt  }
0x62: {  	_ =	shalt  }
0x63: {  	_ =	shalt  }
0x64: {  	_ =	shalt  }
0x65: {  	_ =	shalt  }
0x66: {  	_ =	shalt  }
0x67: {  	_ =	shalt  }
0x68: {  	_ =	shalt  }
0x69: {  	_ =	shalt  }
0x6a: {  	_ =	shalt  }
0x6b: {  	_ =	shalt  }
0x6c: {  	_ =	shalt  }
0x6d: {  	_ =	shalt  }
0x6e: {  	_ =	shalt  }
0x6f: {  	_ =	shalt  }
0x70: {  	_ =	shalt  }
0x71: {  	_ =	shalt  }
0x72: {  	_ =	shalt  }
0x73: {  	_ =	shalt  }
0x74: {  	_ =	shalt  }
0x75: {  	_ =	shalt  }
0x76: {  	_ =	shalt  }
0x77: {  	_ =	shalt  }
0x78: {  	_ =	shalt  }
0x79: {  	_ =	shalt  }
0x7a: {  	_ =	shalt  }
0x7b: {  	_ =	shalt  }
0x7c: {  	_ =	shalt  }
0x7d: {  	_ =	shalt  }
0x7e: {  	_ =	shalt  }
0x7f: {  	_ =	shalt  }
0x80: {  	_ =	shalt  }
0x81: {  	_ =	shalt  }
0x82: {  	_ =	shalt  }
0x83: {  	_ =	shalt  }
0x84: {  	_ =	shalt  }
0x85: {  	_ =	shalt  }
0x86: {  	_ =	shalt  }
0x87: {  	_ =	shalt  }
.Lfunc_end0:
.L_simem_size_0:
called_computation.2_lowered:
.L_overlay_start_0:
0x88: {  	s2 =	sld [smem:$0x3FD9]  }
0x89: {  	s3 =	sld [smem:$0x3FFE];
	_ =	sdelay $0x1  }
0x8a: {  	s1 =	srdreg.scid  }
0x8b: {  	s0 =	sand.u32 $0x1, s1  }
0x8c: {  	s14 =	sshll.u32 s0, $0xA;
	s2 =	sadd.s32 s3, s2  }
0x8d: {  	s2 =	sadd.s32 s2, s14  }
0x8e: {  	[smem:$0x3FB9] =	sst s2  }
0x8f: {  	_ = 	snop  }
0x90: {  	s2 =	sld [smem:$0x3FD0];
	_ =	sdelay $0x2  }
0x91: {  	s15 =	simm.s32 $0xA;
	s4 =	simm.s32 $0x10  }
0x92: {  	[smem:s4], [sflag:s15] =	dma.local [hbm:s2], $0x1  }
0x93: {  	_ =	swait.eq [sflag:s15], $0x1  }
0x94: {  	[sflag:s15] =	ssyncset.done $0x0  }
0x95: {  	s16 =	sld [smem:$0x12];
	[sflag:s15] =	ssyncadd.s32 $0xFFFFFFFF  }
0x96: {  	s17 =	sld [smem:$0x13];
	(tm) =	ssettm $0x1  }
0x97: {  	s18 =	sld [smem:$0x3FFB];
	_ =	sdelay $0x3  }
0x98: {  	_ =	strace s18  }
0x99: {  	s4 =	sld [smem:$0x3FFC];
	_ =	sdelay $0x3  }
0x9a: {  	_ =	strace s4  }
0x9b: {  	s4 =	sld [smem:$0x3FFD];
	_ =	sdelay $0x3  }
0x9c: {  	_ =	strace s4  }
0x9d: {  	_ =	strace $0x8FFFFFFF  }
0x9e: {  	s19 =	sld [smem:$0x3FDB];
	_ =	sdelay $0x1  }
0x9f: {  	s5 =	simm.s32 $_scs_section_size  }
0xa0: {  	s6 =	simm.s32 $_size__tile_overlayer_lowered;
	s7 =	simm.s32 $_tile_overlayer_lowered  }
0xa1: {  	s22 =	simm.s32 $0x1BFF;
	s21 =	sshll.u32 s7, $0x1;
	s4 =	sadd.s32 s5, s19  }
0xa2: {  	s8 =	simm.s32 $0x0;
	s20 =	sshll.u32 s6, $0x1;
	s6 =	sadd.s32 s21, s4  }
0xa3: {  	[timem:s8], [sflag:s22] =	dma.local [hbm:s6], s20  }
0xa4: {  	_ =	swait.ge [sflag:s22], s20  }
0xa5: {  	s5 =	ssub.s32 $0x0, s20;
	[sflag:s22] =	ssyncset.done $0x0  }
0xa6: {  	[sflag:s22] =	ssyncadd.s32 s5;
	_ =	sdelay $0x1  }
0xa7: {  	s23 =	simm.s32 $0x1B8B  }
0xa8: {  	_ =	swait.ge [sflag:s23], $0x1  }
0xa9: {  	[sflag:s23] =	ssyncset.done $0x0  }
0xaa: {  	s25 =	simm.s32 $0x1B8E;
	s24 =	sld [smem:$0x3FFE];
	[sflag:s23] =	ssyncadd.s32 $0xFFFFFFFF  }
0xab: {  	s26 =	simm.s32 $execute0_lowered;
	[smem:$0x3FD2] =	sst s25  }
0xac: {  	s6 =	sshll.u32 s26, $0x1;
	_ =	strace $0x8000004C;
	[dreg:$0x1] =	wrdreg $0xFFFFFFFF  }
0xad: {  	s28 =	simm.s32 $_size_execute0_lowered;
	s4 =	sadd.s32 s4, s6;
	[dreg:$0x0] =	wrdreg $0x0  }
0xae: {  	s6 =	sshll.u32 s28, $0x1;
	[dreg:$0x2] =	wrdreg s4  }
0xaf: {  	[dreg:$0x3] =	wrdreg s6  }
0xb0: {  	[dreg:$0x4] =	wrdreg $0xC0  }
0xb1: {  	_ =	task [dreg:s8], $0x5FFFF  }
0xb2: {  	[dreg:$0x1] =	wrdreg $0xFFFFFFFF  }
0xb3: {  	[dreg:$0x0] =	wrdreg $0x60  }
0xb4: {  	[dreg:$0x2] =	wrdreg s16  }
0xb5: {  	[dreg:$0x3] =	wrdreg s17  }
0xb6: {  	[dreg:$0x4] =	wrdreg s24  }
0xb7: {  	[dreg:$0x5] =	wrdreg $0x90000  }
0xb8: {  	[dreg:$0x6] =	wrdreg $0x9  }
0xb9: {  	_ =	task.clear_ibuf [dreg:s8], $0x7FFFF;
	_ =	strace $0x9000004C  }
0xba: {  	s29 =	simm.s32 $0x9;
	_ =	strace $0x8000004E  }
0xbb: {  	_ =	swait.ge [sflag:s29], $0x1  }
0xbc: {  	[sflag:s29] =	ssyncadd.s32 $0xFFFFFFFF  }
0xbd: {  	_ =	strace $0x9000004E  }
0xbe: {  	_ =	sfence  }
0xbf: {  	s30 =	sld [smem:$0x0];
	_ =	sdelay $0x2  }
0xc0: {  	s31 =	sshll.u32 s1, $0xD;
	s1 =	sshrl.u32 s1, $0x2  }
0xc1: {  	s3 =	sand.u32 $0x4000, s31;
	s1 =	sadd.s32 s1, s30  }
0xc2: {  	s0 =	sor.u32 s3, s0;
	s1 =	sshll.u32 s1, $0x11  }
0xc3: {  	s0 =	sor.u32 s1, s0  }
0xc4: {  	s0 =	sadd.s32 $0x8F2B, s0  }
0xc5: {  	[sflag:s0] =	ssyncadd.remote.s32 $0x1  }
0xc6: {  	_ =	sfence.sel $0xFFFF  }
0xc7: {  	[dreg:$0x0] =	wrdreg $0xFFFFFFFF;
	(pc) =	sbr.abs _section_cstart, $3  }
0xc8: {  	[dreg:$0x1] =	wrdreg $0xFFFFFFFF  }
0xc9: {  	_ =	task.clear_ibuf [dreg:s8], $0x2FFFF;
	_ =	strace $0x9FFFFFFF  }
0xca: {  	(tm) =	ssettm $0x7FFFFFFF  }
0xcb: {  	_ =	shalt  }
tec
execute0_lowered:
.L_overlay_start_1:
0x0: {  	(tag) =	ssettag $0x1  }
0x1: {  	s0 =	rddreg [dreg:$0x0]  }
0x2: {  	s1 =	rddreg [dreg:$0x1]  }
0x3: {  	s4 =	rddreg [dreg:$0x2]  }
0x4: {  	s2 =	rddreg [dreg:$0x3]  }
0x5: {  	s3 =	simm.s32 $0x0;
	s12 =	stileid.u32;
	s5 =	srdreg.scid  }
0x6: {  	s15 =	simm.s32 $0x3;
	s16 =	simm.s32 $0x800;
	s17 =	simm.s32 $0x80  }
0x7: {  	s18 =	simm.s32 $0x1000;
	s19 =	simm.s32 $0x1;
	s20 =	simm.s32 $0x5000  }
0x8: {  	s21 =	simm.s32 $0x2;
	s14 =	simm.s32 $0x900;
	s22 =	simm.s32 $0x200  }
0x9: {  	s28 =	simm.s32 $0xA80;
	s29 =	simm.s32 $0x380;
	s30 =	simm.s32 $0xB00  }
0xa: {  	s31 =	simm.s32 $0x0;
	[smem:$0x7FF] =	sst s3;
	s9 =	smul.u32 $0x2800, s12  }
0xb: {  	s7 =	sand.u32 $0x1, s5;
	s5 =	sadd.s32 $0x2C000, s4;
	s6 =	sadd.s32 $0x7C000, s4  }
0xc: {  	s11 =	smul.u32 $0x50000, s12;
	s13 =	sadd.s32 $0xA4000, s4;
	s25 =	sshll.u32 s12, $0x6  }
0xd: {  	s26 =	smul.u32 $0xA00, s12;
	_ =	strace $0x8000004D;
	[dreg:$0x6] =	wrdreg s13  }
0xe: {  	s8 =	ssub.s32 $0x2, s7;
	p0 =	sne.s32 s7, $0x0;
	[dreg:$0x5] =	wrdreg s9  }
0xf: {  	s9 =	sadd.s32 s9, s4;
	s10 =	sshrl.u32 s8, $0x1;
	s4 =	sadd.s32 $0xCC000, s4  }
0x10: {  	s24 =	sshrl.u32 s11, $0x2;
	s12 =	sadd.s32 s26, s1;
	s13 =	sadd.s32 s26, s0  }
0x11: {  	s11 =	simm.s32 $0x100;
	s26 =	simm.s32 $0x300;
	s0 =	simm.s32 $0x400  }
0x12: {  	s1 =	simm.s32 $0xB80;
	[dreg:$0x7] =	wrdreg s4;
	s23 =	ssub.s32 s8, s10  }
.Ltmp0:
0x13: {  	s8 =	sadd.s32 s24, s2;
	s9 =	sadd.s32 $0x54000, s9;
	(pc) =	sbr.rel .LBB2_1-.Ltmp0, $4  }
0x14: {  	s10 =	simm.s32 $0x180;
	[dreg:$0x8] =	wrdreg s9;
	s4 =	smax.u32 s23, $0x1  }
0x15: {  	s24 =	simm.s32 $0x280;
	s9 =	sor.u32 $0x1C03, s25;
	[dreg:$0xa] =	wrdreg s4  }
0x16: {  	s7 =	sshrl.u32 s8, $0x3;
	s8 =	simm.s32 $0x880;
	[dreg:$0x9] =	wrdreg s9  }
0x17: {  	s23 =	simm.s32 $0x980;
	s25 =	simm.s32 $0xA00;
	[dreg:$0xb] =	wrdreg s7  }
.LBB2_7:
0x18: {  	s4 =	sadd.s32 s7, s13;
	[sflag:s15] =	ssyncadd.s32 $0xFFFFC000  }
0x19: {  	[tilespmem:s3], [sflag:$0x3] =	stream.linear.gather [hbm4b:s4+s3], $0x800, $0x38;
	[tilespmem:$0x1D000] =	vst v63  }
0x1a: {  	_ =	swait.ge [sflag:s15], $0x800  }
0x1b: {  	[sflag:s15] =	ssyncset.done $0x0  }
0x1c: {  	s9 =	sadd.s32 s7, s12;
	[sflag:s15] =	ssyncadd.s32 $0xFFFFF800  }
0x1d: {  	[tilespmem:s16], [sflag:$0x3] =	stream.linear.gather [hbm4b:s9+s3], $0x800, $0x38;
	[tilespmem:$0x1D000] =	vst v63  }
0x1e: {  	_ =	swait.ge [sflag:s15], $0x800  }
0x1f: {  	[sflag:s15] =	ssyncset.done $0x0  }
0x20: {  	[sflag:s15] =	ssyncadd.s32 $0xFFFFF800  }
0x21: {  	[tilespmem:s18], [sflag:$0x1] =	stream.indirect.gather [hbm4b:s6+s17], $0x80, s3, s17, $0xb8;
	[tilespmem:$0x1D000] =	vst v63  }
0x22: {  	_ =	swait.ge [sflag:s19], $0x4000  }
0x23: {  	[sflag:s19] =	ssyncset.done $0x0  }
0x24: {  	[sflag:s19] =	ssyncadd.s32 $0xFFFFC000  }
0x25: {  	[tilespmem:s20], [sflag:$0x2] =	stream.indirect.gather [hbm4b:s6+s17], $0x80, s17, s17, $0xb8;
	[tilespmem:$0x1D000] =	vst v63  }
0x26: {  	_ = 	snop  }
0x27: {  	[spmem:s2] =	stream.indirect.scatter.add.f32 [tilespmem:s18], [sflag:$0x3], $0x80, s16, s17, $0xb8;
	[tilespmem:$0x1D000] =	vst v63  }
0x28: {  	_ =	swait.ge [sflag:s15], $0x4000  }
0x29: {  	[sflag:s15] =	ssyncset.done $0x0  }
0x2a: {  	[sflag:s15] =	ssyncadd.s32 $0xFFFFC000  }
0x2b: {  	_ =	swait.ge [sflag:s21], $0x4000  }
0x2c: {  	[sflag:s21] =	ssyncset.done $0x0  }
0x2d: {  	[sflag:s21] =	ssyncadd.s32 $0xFFFFC000  }
0x2e: {  	[tilespmem:s18], [sflag:$0x1] =	stream.indirect.gather [hbm4b:s6+s17], $0x80, s11, s17, $0xb8;
	[tilespmem:$0x1D000] =	vst v63  }
0x2f: {  	_ = 	snop  }
0x30: {  	[spmem:s2] =	stream.indirect.scatter.add.f32 [tilespmem:s20], [sflag:$0x3], $0x80, s10, s17, $0xb8;
	[tilespmem:$0x1D000] =	vst v63  }
0x31: {  	_ =	swait.ge [sflag:s15], $0x4000  }
0x32: {  	[sflag:s15] =	ssyncset.done $0x0  }
0x33: {  	[sflag:s15] =	ssyncadd.s32 $0xFFFFC000  }
0x34: {  	_ =	swait.ge [sflag:s19], $0x4000  }
0x35: {  	[sflag:s19] =	ssyncset.done $0x0  }
0x36: {  	[sflag:s19] =	ssyncadd.s32 $0xFFFFC000  }
0x37: {  	[tilespmem:s20], [sflag:$0x2] =	stream.indirect.gather [hbm4b:s6+s17], $0x80, s14, s17, $0xb8;
	[tilespmem:$0x1D000] =	vst v63  }
0x38: {  	_ = 	snop  }
0x39: {  	[spmem:s2] =	stream.indirect.scatter.add.f32 [tilespmem:s18], [sflag:$0x3], $0x80, s22, s17, $0xb8;
	[tilespmem:$0x1D000] =	vst v63  }
0x3a: {  	_ =	swait.ge [sflag:s15], $0x4000  }
0x3b: {  	[sflag:s15] =	ssyncset.done $0x0  }
0x3c: {  	[sflag:s15] =	ssyncadd.s32 $0xFFFFC000  }
0x3d: {  	_ =	swait.ge [sflag:s21], $0x4000  }
0x3e: {  	[sflag:s21] =	ssyncset.done $0x0  }
0x3f: {  	[sflag:s21] =	ssyncadd.s32 $0xFFFFC000  }
0x40: {  	[tilespmem:s18], [sflag:$0x1] =	stream.indirect.gather [hbm4b:s6+s17], $0x80, s23, s17, $0xb8;
	[tilespmem:$0x1D000] =	vst v63  }
0x41: {  	_ = 	snop  }
0x42: {  	[spmem:s2] =	stream.indirect.scatter.add.f32 [tilespmem:s20], [sflag:$0x3], $0x80, s24, s17, $0xb8;
	[tilespmem:$0x1D000] =	vst v63  }
0x43: {  	_ =	swait.ge [sflag:s15], $0x4000  }
0x44: {  	[sflag:s15] =	ssyncset.done $0x0  }
0x45: {  	[sflag:s15] =	ssyncadd.s32 $0xFFFFC000  }
0x46: {  	_ =	swait.ge [sflag:s19], $0x4000  }
0x47: {  	[sflag:s19] =	ssyncset.done $0x0  }
0x48: {  	[sflag:s19] =	ssyncadd.s32 $0xFFFFC000  }
0x49: {  	[tilespmem:s20], [sflag:$0x2] =	stream.indirect.gather [hbm4b:s6+s17], $0x80, s25, s17, $0xb8;
	[tilespmem:$0x1D000] =	vst v63  }
0x4a: {  	_ = 	snop  }
0x4b: {  	[spmem:s2] =	stream.indirect.scatter.add.f32 [tilespmem:s18], [sflag:$0x3], $0x80, s26, s17, $0xb8;
	[tilespmem:$0x1D000] =	vst v63  }
0x4c: {  	_ =	swait.ge [sflag:s15], $0x4000  }
0x4d: {  	[sflag:s15] =	ssyncset.done $0x0  }
0x4e: {  	[sflag:s15] =	ssyncadd.s32 $0xFFFFC000  }
0x4f: {  	_ =	swait.ge [sflag:s21], $0x4000  }
0x50: {  	[sflag:s21] =	ssyncset.done $0x0  }
0x51: {  	[sflag:s21] =	ssyncadd.s32 $0xFFFFC000  }
0x52: {  	[tilespmem:s18], [sflag:$0x1] =	stream.indirect.gather [hbm4b:s6+s17], $0x80, s28, s17, $0xb8;
	[tilespmem:$0x1D000] =	vst v63  }
0x53: {  	_ = 	snop  }
0x54: {  	[spmem:s2] =	stream.indirect.scatter.add.f32 [tilespmem:s20], [sflag:$0x3], $0x80, s29, s17, $0xb8;
	[tilespmem:$0x1D000] =	vst v63  }
0x55: {  	_ =	swait.ge [sflag:s15], $0x4000  }
0x56: {  	[sflag:s15] =	ssyncset.done $0x0  }
0x57: {  	[sflag:s15] =	ssyncadd.s32 $0xFFFFC000  }
0x58: {  	_ =	swait.ge [sflag:s19], $0x4000  }
0x59: {  	[sflag:s19] =	ssyncset.done $0x0  }
0x5a: {  	[sflag:s19] =	ssyncadd.s32 $0xFFFFC000  }
0x5b: {  	[tilespmem:s20], [sflag:$0x2] =	stream.indirect.gather [hbm4b:s6+s17], $0x80, s30, s17, $0xb8;
	[tilespmem:$0x1D000] =	vst v63  }
0x5c: {  	_ = 	snop  }
0x5d: {  	[spmem:s2] =	stream.indirect.scatter.add.f32 [tilespmem:s18], [sflag:$0x3], $0x80, s31, s17, $0xb8;
	[tilespmem:$0x1D000] =	vst v63  }
0x5e: {  	_ =	swait.ge [sflag:s15], $0x4000  }
0x5f: {  	[sflag:s15] =	ssyncset.done $0x0  }
0x60: {  	[sflag:s15] =	ssyncadd.s32 $0xFFFFC000  }
0x61: {  	_ =	swait.ge [sflag:s21], $0x4000  }
0x62: {  	[sflag:s21] =	ssyncset.done $0x0  }
0x63: {  	[sflag:s21] =	ssyncadd.s32 $0xFFFFC000  }
0x64: {  	[tilespmem:s18], [sflag:$0x1] =	stream.indirect.gather [hbm4b:s6+s17], $0x80, s0, s17, $0xb8;
	[tilespmem:$0x1D000] =	vst v63  }
0x65: {  	_ = 	snop  }
0x66: {  	[spmem:s2] =	stream.indirect.scatter.add.f32 [tilespmem:s20], [sflag:$0x3], $0x80, s1, s17, $0xb8;
	[tilespmem:$0x1D000] =	vst v63  }
0x67: {  	_ =	swait.ge [sflag:s15], $0x4000  }
0x68: {  	[sflag:s15] =	ssyncset.done $0x0  }
0x69: {  	[sflag:s15] =	ssyncadd.s32 $0xFFFFC000  }
0x6a: {  	_ =	swait.ge [sflag:s19], $0x4000  }
0x6b: {  	[sflag:s19] =	ssyncset.done $0x0  }
0x6c: {  	s24 =	simm.s32 $0x480;
	[sflag:s19] =	ssyncadd.s32 $0xFFFFC000  }
0x6d: {  	[tilespmem:s20], [sflag:$0x2] =	stream.indirect.gather [hbm4b:s6+s17], $0x80, s24, s17, $0xb8;
	[tilespmem:$0x1D000] =	vst v63  }
0x6e: {  	s25 =	simm.s32 $0xC00  }
0x6f: {  	[spmem:s2] =	stream.indirect.scatter.add.f32 [tilespmem:s18], [sflag:$0x3], $0x80, s25, s17, $0xb8;
	[tilespmem:$0x1D000] =	vst v63  }
0x70: {  	_ =	swait.ge [sflag:s15], $0x4000  }
0x71: {  	[sflag:s15] =	ssyncset.done $0x0  }
0x72: {  	[sflag:s15] =	ssyncadd.s32 $0xFFFFC000  }
0x73: {  	_ =	swait.ge [sflag:s21], $0x4000  }
0x74: {  	[sflag:s21] =	ssyncset.done $0x0  }
0x75: {  	s26 =	simm.s32 $0x500;
	[sflag:s21] =	ssyncadd.s32 $0xFFFFC000  }
0x76: {  	[tilespmem:s18], [sflag:$0x1] =	stream.indirect.gather [hbm4b:s6+s17], $0x80, s26, s17, $0xb8;
	[tilespmem:$0x1D000] =	vst v63  }
0x77: {  	s1 =	simm.s32 $0xC80  }
0x78: {  	[spmem:s2] =	stream.indirect.scatter.add.f32 [tilespmem:s20], [sflag:$0x3], $0x80, s1, s17, $0xb8;
	[tilespmem:$0x1D000] =	vst v63  }
0x79: {  	_ =	swait.ge [sflag:s15], $0x4000  }
0x7a: {  	[sflag:s15] =	ssyncset.done $0x0  }
0x7b: {  	[sflag:s15] =	ssyncadd.s32 $0xFFFFC000  }
0x7c: {  	_ =	swait.ge [sflag:s19], $0x4000  }
0x7d: {  	[sflag:s19] =	ssyncset.done $0x0  }
0x7e: {  	s4 =	simm.s32 $0x580;
	[sflag:s19] =	ssyncadd.s32 $0xFFFFC000  }
0x7f: {  	[tilespmem:s20], [sflag:$0x2] =	stream.indirect.gather [hbm4b:s6+s17], $0x80, s4, s17, $0xb8;
	[tilespmem:$0x1D000] =	vst v63  }
0x80: {  	s7 =	simm.s32 $0xD00  }
0x81: {  	[spmem:s2] =	stream.indirect.scatter.add.f32 [tilespmem:s18], [sflag:$0x3], $0x80, s7, s17, $0xb8;
	[tilespmem:$0x1D000] =	vst v63  }
0x82: {  	_ =	swait.ge [sflag:s15], $0x4000  }
0x83: {  	[sflag:s15] =	ssyncset.done $0x0  }
0x84: {  	[sflag:s15] =	ssyncadd.s32 $0xFFFFC000  }
0x85: {  	_ =	swait.ge [sflag:s21], $0x4000  }
0x86: {  	[sflag:s21] =	ssyncset.done $0x0  }
0x87: {  	s8 =	simm.s32 $0x600;
	[sflag:s21] =	ssyncadd.s32 $0xFFFFC000  }
0x88: {  	[tilespmem:s18], [sflag:$0x1] =	stream.indirect.gather [hbm4b:s6+s17], $0x80, s8, s17, $0xb8;
	[tilespmem:$0x1D000] =	vst v63  }
0x89: {  	s9 =	simm.s32 $0xD80  }
0x8a: {  	[spmem:s2] =	stream.indirect.scatter.add.f32 [tilespmem:s20], [sflag:$0x3], $0x80, s9, s17, $0xb8;
	[tilespmem:$0x1D000] =	vst v63  }
0x8b: {  	_ =	swait.ge [sflag:s15], $0x4000  }
0x8c: {  	[sflag:s15] =	ssyncset.done $0x0  }
0x8d: {  	[sflag:s15] =	ssyncadd.s32 $0xFFFFC000  }
0x8e: {  	_ =	swait.ge [sflag:s19], $0x4000  }
0x8f: {  	[sflag:s19] =	ssyncset.done $0x0  }
0x90: {  	s10 =	simm.s32 $0x680;
	[sflag:s19] =	ssyncadd.s32 $0xFFFFC000  }
0x91: {  	[tilespmem:s20], [sflag:$0x2] =	stream.indirect.gather [hbm4b:s6+s17], $0x80, s10, s17, $0xb8;
	[tilespmem:$0x1D000] =	vst v63  }
0x92: {  	s14 =	simm.s32 $0xE00  }
0x93: {  	[spmem:s2] =	stream.indirect.scatter.add.f32 [tilespmem:s18], [sflag:$0x3], $0x80, s14, s17, $0xb8;
	[tilespmem:$0x1D000] =	vst v63  }
0x94: {  	_ =	swait.ge [sflag:s15], $0x4000  }
0x95: {  	[sflag:s15] =	ssyncset.done $0x0  }
0x96: {  	[sflag:s15] =	ssyncadd.s32 $0xFFFFC000  }
0x97: {  	_ =	swait.ge [sflag:s21], $0x4000  }
0x98: {  	[sflag:s21] =	ssyncset.done $0x0  }
0x99: {  	s22 =	simm.s32 $0x700;
	[sflag:s21] =	ssyncadd.s32 $0xFFFFC000  }
0x9a: {  	[tilespmem:s18], [sflag:$0x1] =	stream.indirect.gather [hbm4b:s6+s17], $0x80, s22, s17, $0xb8;
	[tilespmem:$0x1D000] =	vst v63  }
0x9b: {  	s23 =	simm.s32 $0xE80  }
0x9c: {  	[spmem:s2] =	stream.indirect.scatter.add.f32 [tilespmem:s20], [sflag:$0x3], $0x80, s23, s17, $0xb8;
	[tilespmem:$0x1D000] =	vst v63  }
0x9d: {  	_ =	swait.ge [sflag:s15], $0x4000  }
0x9e: {  	[sflag:s15] =	ssyncset.done $0x0  }
0x9f: {  	[sflag:s15] =	ssyncadd.s32 $0xFFFFC000  }
0xa0: {  	_ =	swait.ge [sflag:s19], $0x4000  }
0xa1: {  	[sflag:s19] =	ssyncset.done $0x0  }
0xa2: {  	s24 =	simm.s32 $0x780;
	[sflag:s19] =	ssyncadd.s32 $0xFFFFC000  }
0xa3: {  	[tilespmem:s20], [sflag:$0x2] =	stream.indirect.gather [hbm4b:s6+s17], $0x80, s24, s17, $0xb8;
	[tilespmem:$0x1D000] =	vst v63  }
0xa4: {  	s25 =	simm.s32 $0xF00  }
0xa5: {  	[spmem:s2] =	stream.indirect.scatter.add.f32 [tilespmem:s18], [sflag:$0x3], $0x80, s25, s17, $0xb8;
	[tilespmem:$0x1D000] =	vst v63  }
0xa6: {  	_ =	swait.ge [sflag:s15], $0x4000  }
0xa7: {  	s28 =	simm.s32 $0xA80;
	s29 =	simm.s32 $0x380;
	[sflag:s15] =	ssyncset.done $0x0  }
0xa8: {  	s30 =	simm.s32 $0xB00;
	s0 =	simm.s32 $0x400;
	[sflag:s15] =	ssyncadd.s32 $0xFFFFC000  }
0xa9: {  	s26 =	simm.s32 $0xF80;
	s1 =	simm.s32 $0xB80;
	_ =	swait.ge [sflag:s21], $0x4000  }
0xaa: {  	s8 =	simm.s32 $0x880;
	s10 =	simm.s32 $0x180;
	[sflag:s21] =	ssyncset.done $0x0  }
0xab: {  	s14 =	simm.s32 $0x900;
	s22 =	simm.s32 $0x200;
	[sflag:s21] =	ssyncadd.s32 $0xFFFFC000  }
0xac: {  	[spmem:s2] =	stream.indirect.scatter.add.f32 [tilespmem:s20], [sflag:$0x3], $0x80, s26, s17, $0xb8;
	[tilespmem:$0x1D000] =	vst v63  }
0xad: {  	s23 =	simm.s32 $0x980;
	s24 =	simm.s32 $0x280;
	_ =	swait.ge [sflag:s15], $0x4000  }
0xae: {  	s25 =	simm.s32 $0xA00;
	[sflag:s15] =	ssyncset.done $0x0;
	s7 =	rddreg [dreg:$0x7]  }
0xaf: {  	s26 =	simm.s32 $0x300;
	s31 =	rddreg [dreg:$0xc];
	[sflag:s15] =	ssyncadd.s32 $0xFFFFC000  }
.LBB2_8:
0xb0: {  	s4 =	rddreg [dreg:$0x5];
	[bflag:$0x0] =	sbarrier.arrive $0xFFFF  }
0xb1: {  	s9 =	rddreg [dreg:$0x9]  }
0xb2: {  	s4 =	sadd.s32 s7, s4;
	s7 =	rddreg [dreg:$0xb]  }
0xb3: {  	[hbm:s4], [sflag:s9] =	dma.local [spmem:s7], $0x2800  }
0xb4: {  	_ =	swait.ge [sflag:s15], $0x2800  }
0xb5: {  	s31 =	sadd.s32 $0x1, s31;
	s4 =	rddreg [dreg:$0xa]  }
0xb6: {  	p1 =	sne.s32 s31, s4  }
.Ltmp1:
0xb7: {  	_ = 	snop;
	(pc) =	sbr.rel @!p1 .LBB2_9-.Ltmp1, $3  }
0xb8: {  	_ =	sdelay $0x1  }
0xb9: {  	[sflag:s15] =	ssyncset.done $0x0  }
0xba: {  	[sflag:s15] =	ssyncadd.s32 $0xFFFFD800  }
.LBB2_1:
0xbb: {  	[dreg:$0xc] =	wrdreg s31  }
0xbc: {  	s4 =	rddreg [dreg:$0x8]  }
0xbd: {  	[spmem:s7], [sflag:s9] =	dma.local [hbm:s4], $0x2800  }
.Ltmp2:
0xbe: {  	_ =	swait.ge [sflag:s15], $0x2800;
	(pc) =	sbr.rel @p0 .LBB2_5-.Ltmp2, $3  }
0xbf: {  	[sflag:s15] =	ssyncset.done $0x0  }
0xc0: {  	[sflag:s15] =	ssyncadd.s32 $0xFFFFD800  }
0xc1: {  	[bflag:$0x0] =	sbarrier.arrive $0xFFFF;
	_ =	sdelay $0x1  }
0xc2: {  	s7 =	sadd.s32 $0x0, s13  }
0xc3: {  	[tilespmem:s3], [sflag:$0x3] =	stream.linear.gather [hbm4b:s7+s3], $0x800, $0x38;
	[tilespmem:$0x1D000] =	vst v63  }
0xc4: {  	_ =	swait.ge [sflag:s15], $0x800  }
0xc5: {  	[sflag:s15] =	ssyncset.done $0x0  }
0xc6: {  	s9 =	sadd.s32 $0x0, s12;
	[sflag:s15] =	ssyncadd.s32 $0xFFFFF800  }
0xc7: {  	[tilespmem:s16], [sflag:$0x3] =	stream.linear.gather [hbm4b:s9+s3], $0x800, $0x38;
	[tilespmem:$0x1D000] =	vst v63  }
0xc8: {  	_ =	swait.ge [sflag:s15], $0x800  }
0xc9: {  	[sflag:s15] =	ssyncset.done $0x0  }
0xca: {  	[sflag:s15] =	ssyncadd.s32 $0xFFFFF800  }
0xcb: {  	[tilespmem:s18], [sflag:$0x1] =	stream.indirect.gather [hbm4b:s5+s17], $0x80, s3, s17, $0xb8;
	[tilespmem:$0x1D000] =	vst v63  }
0xcc: {  	_ =	swait.ge [sflag:s19], $0x4000  }
0xcd: {  	[sflag:s19] =	ssyncset.done $0x0  }
0xce: {  	[sflag:s19] =	ssyncadd.s32 $0xFFFFC000  }
0xcf: {  	[tilespmem:s20], [sflag:$0x2] =	stream.indirect.gather [hbm4b:s5+s17], $0x80, s17, s17, $0xb8;
	[tilespmem:$0x1D000] =	vst v63  }
0xd0: {  	_ = 	snop  }
0xd1: {  	[spmem:s2] =	stream.indirect.scatter.add.f32 [tilespmem:s18], [sflag:$0x3], $0x80, s16, s17, $0xb8;
	[tilespmem:$0x1D000] =	vst v63  }
0xd2: {  	_ =	swait.ge [sflag:s15], $0x4000  }
0xd3: {  	[sflag:s15] =	ssyncset.done $0x0  }
0xd4: {  	[sflag:s15] =	ssyncadd.s32 $0xFFFFC000  }
0xd5: {  	_ =	swait.ge [sflag:s21], $0x4000  }
0xd6: {  	[sflag:s21] =	ssyncset.done $0x0  }
0xd7: {  	[sflag:s21] =	ssyncadd.s32 $0xFFFFC000  }
0xd8: {  	[tilespmem:s18], [sflag:$0x1] =	stream.indirect.gather [hbm4b:s5+s17], $0x80, s11, s17, $0xb8;
	[tilespmem:$0x1D000] =	vst v63  }
0xd9: {  	_ = 	snop  }
0xda: {  	[spmem:s2] =	stream.indirect.scatter.add.f32 [tilespmem:s20], [sflag:$0x3], $0x80, s8, s17, $0xb8;
	[tilespmem:$0x1D000] =	vst v63  }
0xdb: {  	_ =	swait.ge [sflag:s15], $0x4000  }
0xdc: {  	[sflag:s15] =	ssyncset.done $0x0  }
0xdd: {  	[sflag:s15] =	ssyncadd.s32 $0xFFFFC000  }
0xde: {  	_ =	swait.ge [sflag:s19], $0x4000  }
0xdf: {  	[sflag:s19] =	ssyncset.done $0x0  }
0xe0: {  	[sflag:s19] =	ssyncadd.s32 $0xFFFFC000  }
0xe1: {  	[tilespmem:s20], [sflag:$0x2] =	stream.indirect.gather [hbm4b:s5+s17], $0x80, s10, s17, $0xb8;
	[tilespmem:$0x1D000] =	vst v63  }
0xe2: {  	_ = 	snop  }
0xe3: {  	[spmem:s2] =	stream.indirect.scatter.add.f32 [tilespmem:s18], [sflag:$0x3], $0x80, s14, s17, $0xb8;
	[tilespmem:$0x1D000] =	vst v63  }
0xe4: {  	_ =	swait.ge [sflag:s15], $0x4000  }
0xe5: {  	[sflag:s15] =	ssyncset.done $0x0  }
0xe6: {  	[sflag:s15] =	ssyncadd.s32 $0xFFFFC000  }
0xe7: {  	_ =	swait.ge [sflag:s21], $0x4000  }
0xe8: {  	[sflag:s21] =	ssyncset.done $0x0  }
0xe9: {  	[sflag:s21] =	ssyncadd.s32 $0xFFFFC000  }
0xea: {  	[tilespmem:s18], [sflag:$0x1] =	stream.indirect.gather [hbm4b:s5+s17], $0x80, s22, s17, $0xb8;
	[tilespmem:$0x1D000] =	vst v63  }
0xeb: {  	_ = 	snop  }
0xec: {  	[spmem:s2] =	stream.indirect.scatter.add.f32 [tilespmem:s20], [sflag:$0x3], $0x80, s23, s17, $0xb8;
	[tilespmem:$0x1D000] =	vst v63  }
0xed: {  	_ =	swait.ge [sflag:s15], $0x4000  }
0xee: {  	[sflag:s15] =	ssyncset.done $0x0  }
0xef: {  	[sflag:s15] =	ssyncadd.s32 $0xFFFFC000  }
0xf0: {  	_ =	swait.ge [sflag:s19], $0x4000  }
0xf1: {  	[sflag:s19] =	ssyncset.done $0x0  }
0xf2: {  	[sflag:s19] =	ssyncadd.s32 $0xFFFFC000  }
0xf3: {  	[tilespmem:s20], [sflag:$0x2] =	stream.indirect.gather [hbm4b:s5+s17], $0x80, s24, s17, $0xb8;
	[tilespmem:$0x1D000] =	vst v63  }
0xf4: {  	_ = 	snop  }
0xf5: {  	[spmem:s2] =	stream.indirect.scatter.add.f32 [tilespmem:s18], [sflag:$0x3], $0x80, s25, s17, $0xb8;
	[tilespmem:$0x1D000] =	vst v63  }
0xf6: {  	_ =	swait.ge [sflag:s15], $0x4000  }
0xf7: {  	[sflag:s15] =	ssyncset.done $0x0  }
0xf8: {  	[sflag:s15] =	ssyncadd.s32 $0xFFFFC000  }
0xf9: {  	_ =	swait.ge [sflag:s21], $0x4000  }
0xfa: {  	[sflag:s21] =	ssyncset.done $0x0  }
0xfb: {  	[sflag:s21] =	ssyncadd.s32 $0xFFFFC000  }
0xfc: {  	[tilespmem:s18], [sflag:$0x1] =	stream.indirect.gather [hbm4b:s5+s17], $0x80, s26, s17, $0xb8;
	[tilespmem:$0x1D000] =	vst v63  }
0xfd: {  	_ = 	snop  }
0xfe: {  	[spmem:s2] =	stream.indirect.scatter.add.f32 [tilespmem:s20], [sflag:$0x3], $0x80, s28, s17, $0xb8;
	[tilespmem:$0x1D000] =	vst v63  }
0xff: {  	_ =	swait.ge [sflag:s15], $0x4000  }
0x100: {  	[sflag:s15] =	ssyncset.done $0x0  }
0x101: {  	[sflag:s15] =	ssyncadd.s32 $0xFFFFC000  }
0x102: {  	_ =	swait.ge [sflag:s19], $0x4000  }
0x103: {  	[sflag:s19] =	ssyncset.done $0x0  }
0x104: {  	[sflag:s19] =	ssyncadd.s32 $0xFFFFC000  }
0x105: {  	[tilespmem:s20], [sflag:$0x2] =	stream.indirect.gather [hbm4b:s5+s17], $0x80, s29, s17, $0xb8;
	[tilespmem:$0x1D000] =	vst v63  }
0x106: {  	_ = 	snop  }
0x107: {  	[spmem:s2] =	stream.indirect.scatter.add.f32 [tilespmem:s18], [sflag:$0x3], $0x80, s30, s17, $0xb8;
	[tilespmem:$0x1D000] =	vst v63  }
0x108: {  	_ =	swait.ge [sflag:s15], $0x4000  }
0x109: {  	[sflag:s15] =	ssyncset.done $0x0  }
0x10a: {  	[sflag:s15] =	ssyncadd.s32 $0xFFFFC000  }
0x10b: {  	_ =	swait.ge [sflag:s21], $0x4000  }
0x10c: {  	[sflag:s21] =	ssyncset.done $0x0  }
0x10d: {  	[sflag:s21] =	ssyncadd.s32 $0xFFFFC000  }
0x10e: {  	[tilespmem:s18], [sflag:$0x1] =	stream.indirect.gather [hbm4b:s5+s17], $0x80, s0, s17, $0xb8;
	[tilespmem:$0x1D000] =	vst v63  }
0x10f: {  	_ = 	snop  }
0x110: {  	[spmem:s2] =	stream.indirect.scatter.add.f32 [tilespmem:s20], [sflag:$0x3], $0x80, s1, s17, $0xb8;
	[tilespmem:$0x1D000] =	vst v63  }
0x111: {  	_ =	swait.ge [sflag:s15], $0x4000  }
0x112: {  	[sflag:s15] =	ssyncset.done $0x0  }
0x113: {  	[sflag:s15] =	ssyncadd.s32 $0xFFFFC000  }
0x114: {  	_ =	swait.ge [sflag:s19], $0x4000  }
0x115: {  	[sflag:s19] =	ssyncset.done $0x0  }
0x116: {  	s25 =	simm.s32 $0x480;
	[sflag:s19] =	ssyncadd.s32 $0xFFFFC000  }
0x117: {  	[tilespmem:s20], [sflag:$0x2] =	stream.indirect.gather [hbm4b:s5+s17], $0x80, s25, s17, $0xb8;
	[tilespmem:$0x1D000] =	vst v63  }
0x118: {  	s26 =	simm.s32 $0xC00  }
0x119: {  	[spmem:s2] =	stream.indirect.scatter.add.f32 [tilespmem:s18], [sflag:$0x3], $0x80, s26, s17, $0xb8;
	[tilespmem:$0x1D000] =	vst v63  }
0x11a: {  	_ =	swait.ge [sflag:s15], $0x4000  }
0x11b: {  	[sflag:s15] =	ssyncset.done $0x0  }
0x11c: {  	[sflag:s15] =	ssyncadd.s32 $0xFFFFC000  }
0x11d: {  	_ =	swait.ge [sflag:s21], $0x4000  }
0x11e: {  	[sflag:s21] =	ssyncset.done $0x0  }
0x11f: {  	s1 =	simm.s32 $0x500;
	[sflag:s21] =	ssyncadd.s32 $0xFFFFC000  }
0x120: {  	[tilespmem:s18], [sflag:$0x1] =	stream.indirect.gather [hbm4b:s5+s17], $0x80, s1, s17, $0xb8;
	[tilespmem:$0x1D000] =	vst v63  }
0x121: {  	s4 =	simm.s32 $0xC80  }
0x122: {  	[spmem:s2] =	stream.indirect.scatter.add.f32 [tilespmem:s20], [sflag:$0x3], $0x80, s4, s17, $0xb8;
	[tilespmem:$0x1D000] =	vst v63  }
0x123: {  	_ =	swait.ge [sflag:s15], $0x4000  }
0x124: {  	[sflag:s15] =	ssyncset.done $0x0  }
0x125: {  	[sflag:s15] =	ssyncadd.s32 $0xFFFFC000  }
0x126: {  	_ =	swait.ge [sflag:s19], $0x4000  }
0x127: {  	[sflag:s19] =	ssyncset.done $0x0  }
0x128: {  	s7 =	simm.s32 $0x580;
	[sflag:s19] =	ssyncadd.s32 $0xFFFFC000  }
0x129: {  	[tilespmem:s20], [sflag:$0x2] =	stream.indirect.gather [hbm4b:s5+s17], $0x80, s7, s17, $0xb8;
	[tilespmem:$0x1D000] =	vst v63  }
0x12a: {  	s8 =	simm.s32 $0xD00  }
0x12b: {  	[spmem:s2] =	stream.indirect.scatter.add.f32 [tilespmem:s18], [sflag:$0x3], $0x80, s8, s17, $0xb8;
	[tilespmem:$0x1D000] =	vst v63  }
0x12c: {  	_ =	swait.ge [sflag:s15], $0x4000  }
0x12d: {  	[sflag:s15] =	ssyncset.done $0x0  }
0x12e: {  	[sflag:s15] =	ssyncadd.s32 $0xFFFFC000  }
0x12f: {  	_ =	swait.ge [sflag:s21], $0x4000  }
0x130: {  	[sflag:s21] =	ssyncset.done $0x0  }
0x131: {  	s9 =	simm.s32 $0x600;
	[sflag:s21] =	ssyncadd.s32 $0xFFFFC000  }
0x132: {  	[tilespmem:s18], [sflag:$0x1] =	stream.indirect.gather [hbm4b:s5+s17], $0x80, s9, s17, $0xb8;
	[tilespmem:$0x1D000] =	vst v63  }
0x133: {  	s10 =	simm.s32 $0xD80  }
0x134: {  	[spmem:s2] =	stream.indirect.scatter.add.f32 [tilespmem:s20], [sflag:$0x3], $0x80, s10, s17, $0xb8;
	[tilespmem:$0x1D000] =	vst v63  }
0x135: {  	_ =	swait.ge [sflag:s15], $0x4000  }
0x136: {  	[sflag:s15] =	ssyncset.done $0x0  }
0x137: {  	[sflag:s15] =	ssyncadd.s32 $0xFFFFC000  }
0x138: {  	_ =	swait.ge [sflag:s19], $0x4000  }
0x139: {  	[sflag:s19] =	ssyncset.done $0x0  }
0x13a: {  	s11 =	simm.s32 $0x680;
	[sflag:s19] =	ssyncadd.s32 $0xFFFFC000  }
0x13b: {  	[tilespmem:s20], [sflag:$0x2] =	stream.indirect.gather [hbm4b:s5+s17], $0x80, s11, s17, $0xb8;
	[tilespmem:$0x1D000] =	vst v63  }
0x13c: {  	s14 =	simm.s32 $0xE00  }
0x13d: {  	[spmem:s2] =	stream.indirect.scatter.add.f32 [tilespmem:s18], [sflag:$0x3], $0x80, s14, s17, $0xb8;
	[tilespmem:$0x1D000] =	vst v63  }
0x13e: {  	_ =	swait.ge [sflag:s15], $0x4000  }
0x13f: {  	[sflag:s15] =	ssyncset.done $0x0  }
0x140: {  	[sflag:s15] =	ssyncadd.s32 $0xFFFFC000  }
0x141: {  	_ =	swait.ge [sflag:s21], $0x4000  }
0x142: {  	[sflag:s21] =	ssyncset.done $0x0  }
0x143: {  	s22 =	simm.s32 $0x700;
	[sflag:s21] =	ssyncadd.s32 $0xFFFFC000  }
0x144: {  	[tilespmem:s18], [sflag:$0x1] =	stream.indirect.gather [hbm4b:s5+s17], $0x80, s22, s17, $0xb8;
	[tilespmem:$0x1D000] =	vst v63  }
0x145: {  	s23 =	simm.s32 $0xE80  }
0x146: {  	[spmem:s2] =	stream.indirect.scatter.add.f32 [tilespmem:s20], [sflag:$0x3], $0x80, s23, s17, $0xb8;
	[tilespmem:$0x1D000] =	vst v63  }
0x147: {  	_ =	swait.ge [sflag:s15], $0x4000  }
0x148: {  	[sflag:s15] =	ssyncset.done $0x0  }
0x149: {  	[sflag:s15] =	ssyncadd.s32 $0xFFFFC000  }
0x14a: {  	_ =	swait.ge [sflag:s19], $0x4000  }
0x14b: {  	[sflag:s19] =	ssyncset.done $0x0  }
0x14c: {  	s24 =	simm.s32 $0x780;
	[sflag:s19] =	ssyncadd.s32 $0xFFFFC000  }
0x14d: {  	[tilespmem:s20], [sflag:$0x2] =	stream.indirect.gather [hbm4b:s5+s17], $0x80, s24, s17, $0xb8;
	[tilespmem:$0x1D000] =	vst v63  }
0x14e: {  	s25 =	simm.s32 $0xF00  }
0x14f: {  	[spmem:s2] =	stream.indirect.scatter.add.f32 [tilespmem:s18], [sflag:$0x3], $0x80, s25, s17, $0xb8;
	[tilespmem:$0x1D000] =	vst v63  }
0x150: {  	s31 =	simm.s32 $0xB00;
	s28 =	simm.s32 $0x300;
	_ =	swait.ge [sflag:s15], $0x4000  }
0x151: {  	s29 =	simm.s32 $0xA80;
	s30 =	simm.s32 $0x380;
	[sflag:s15] =	ssyncset.done $0x0  }
0x152: {  	s0 =	simm.s32 $0x400;
	s26 =	simm.s32 $0xF80;
	[sflag:s15] =	ssyncadd.s32 $0xFFFFC000  }
0x153: {  	s1 =	simm.s32 $0xB80;
	s7 =	simm.s32 $0x100;
	_ =	swait.ge [sflag:s21], $0x4000  }
0x154: {  	s8 =	simm.s32 $0x200;
	s10 =	simm.s32 $0x880;
	[sflag:s21] =	ssyncset.done $0x0  }
0x155: {  	s14 =	simm.s32 $0x180;
	s22 =	simm.s32 $0x900;
	[sflag:s21] =	ssyncadd.s32 $0xFFFFC000  }
0x156: {  	[spmem:s2] =	stream.indirect.scatter.add.f32 [tilespmem:s20], [sflag:$0x3], $0x80, s26, s17, $0xb8;
	[tilespmem:$0x1D000] =	vst v63  }
0x157: {  	s23 =	simm.s32 $0x200;
	s24 =	simm.s32 $0x980;
	_ =	swait.ge [sflag:s15], $0x4000  }
0x158: {  	s25 =	simm.s32 $0x280;
	s26 =	simm.s32 $0xA00;
	[sflag:s15] =	ssyncset.done $0x0  }
.LBB2_3:
0x159: {  	s11 =	sadd.s32 s7, s13  }
0x15a: {  	[sflag:s15] =	ssyncadd.s32 $0xFFFFC000;
	s4 =	smov.u32 s8;
	s9 =	sadd.s32 $0x100, s8  }
0x15b: {  	[tilespmem:s3], [sflag:$0x3] =	stream.linear.gather [hbm4b:s11+s3], $0x800, $0x38;
	[tilespmem:$0x1D000] =	vst v63  }
0x15c: {  	s11 =	simm.s32 $0x100  }
0x15d: {  	p1 =	seq.s32 s8, $0x900;
	_ =	swait.ge [sflag:s15], $0x800  }
0x15e: {  	[sflag:s15] =	ssyncset.done $0x0  }
0x15f: {  	s8 =	sadd.s32 s7, s12;
	s7 =	smov.u32 s4;
	[sflag:s15] =	ssyncadd.s32 $0xFFFFF800  }
0x160: {  	[tilespmem:s16], [sflag:$0x3] =	stream.linear.gather [hbm4b:s8+s3], $0x800, $0x38;
	[tilespmem:$0x1D000] =	vst v63  }
0x161: {  	_ =	swait.ge [sflag:s15], $0x800  }
0x162: {  	[sflag:s15] =	ssyncset.done $0x0  }
0x163: {  	[sflag:s15] =	ssyncadd.s32 $0xFFFFF800  }
0x164: {  	[tilespmem:s18], [sflag:$0x1] =	stream.indirect.gather [hbm4b:s5+s17], $0x80, s3, s17, $0xb8;
	[tilespmem:$0x1D000] =	vst v63  }
0x165: {  	_ =	swait.ge [sflag:s19], $0x4000  }
0x166: {  	[sflag:s19] =	ssyncset.done $0x0  }
0x167: {  	[sflag:s19] =	ssyncadd.s32 $0xFFFFC000  }
0x168: {  	[tilespmem:s20], [sflag:$0x2] =	stream.indirect.gather [hbm4b:s5+s17], $0x80, s17, s17, $0xb8;
	[tilespmem:$0x1D000] =	vst v63  }
0x169: {  	_ = 	snop  }
0x16a: {  	[spmem:s2] =	stream.indirect.scatter.add.f32 [tilespmem:s18], [sflag:$0x3], $0x80, s16, s17, $0xb8;
	[tilespmem:$0x1D000] =	vst v63  }
0x16b: {  	_ =	swait.ge [sflag:s15], $0x4000  }
0x16c: {  	[sflag:s15] =	ssyncset.done $0x0  }
0x16d: {  	[sflag:s15] =	ssyncadd.s32 $0xFFFFC000  }
0x16e: {  	_ =	swait.ge [sflag:s21], $0x4000  }
0x16f: {  	[sflag:s21] =	ssyncset.done $0x0  }
0x170: {  	[sflag:s21] =	ssyncadd.s32 $0xFFFFC000  }
0x171: {  	[tilespmem:s18], [sflag:$0x1] =	stream.indirect.gather [hbm4b:s5+s17], $0x80, s11, s17, $0xb8;
	[tilespmem:$0x1D000] =	vst v63  }
0x172: {  	_ = 	snop  }
0x173: {  	[spmem:s2] =	stream.indirect.scatter.add.f32 [tilespmem:s20], [sflag:$0x3], $0x80, s10, s17, $0xb8;
	[tilespmem:$0x1D000] =	vst v63  }
0x174: {  	_ =	swait.ge [sflag:s15], $0x4000  }
0x175: {  	[sflag:s15] =	ssyncset.done $0x0  }
0x176: {  	[sflag:s15] =	ssyncadd.s32 $0xFFFFC000  }
0x177: {  	_ =	swait.ge [sflag:s19], $0x4000  }
0x178: {  	[sflag:s19] =	ssyncset.done $0x0  }
0x179: {  	[sflag:s19] =	ssyncadd.s32 $0xFFFFC000  }
0x17a: {  	[tilespmem:s20], [sflag:$0x2] =	stream.indirect.gather [hbm4b:s5+s17], $0x80, s14, s17, $0xb8;
	[tilespmem:$0x1D000] =	vst v63  }
0x17b: {  	_ = 	snop  }
0x17c: {  	[spmem:s2] =	stream.indirect.scatter.add.f32 [tilespmem:s18], [sflag:$0x3], $0x80, s22, s17, $0xb8;
	[tilespmem:$0x1D000] =	vst v63  }
0x17d: {  	_ =	swait.ge [sflag:s15], $0x4000  }
0x17e: {  	[sflag:s15] =	ssyncset.done $0x0  }
0x17f: {  	[sflag:s15] =	ssyncadd.s32 $0xFFFFC000  }
0x180: {  	_ =	swait.ge [sflag:s21], $0x4000  }
0x181: {  	[sflag:s21] =	ssyncset.done $0x0  }
0x182: {  	[sflag:s21] =	ssyncadd.s32 $0xFFFFC000  }
0x183: {  	[tilespmem:s18], [sflag:$0x1] =	stream.indirect.gather [hbm4b:s5+s17], $0x80, s23, s17, $0xb8;
	[tilespmem:$0x1D000] =	vst v63  }
0x184: {  	_ = 	snop  }
0x185: {  	[spmem:s2] =	stream.indirect.scatter.add.f32 [tilespmem:s20], [sflag:$0x3], $0x80, s24, s17, $0xb8;
	[tilespmem:$0x1D000] =	vst v63  }
0x186: {  	_ =	swait.ge [sflag:s15], $0x4000  }
0x187: {  	[sflag:s15] =	ssyncset.done $0x0  }
0x188: {  	[sflag:s15] =	ssyncadd.s32 $0xFFFFC000  }
0x189: {  	_ =	swait.ge [sflag:s19], $0x4000  }
0x18a: {  	[sflag:s19] =	ssyncset.done $0x0  }
0x18b: {  	[sflag:s19] =	ssyncadd.s32 $0xFFFFC000  }
0x18c: {  	[tilespmem:s20], [sflag:$0x2] =	stream.indirect.gather [hbm4b:s5+s17], $0x80, s25, s17, $0xb8;
	[tilespmem:$0x1D000] =	vst v63  }
0x18d: {  	_ = 	snop  }
0x18e: {  	[spmem:s2] =	stream.indirect.scatter.add.f32 [tilespmem:s18], [sflag:$0x3], $0x80, s26, s17, $0xb8;
	[tilespmem:$0x1D000] =	vst v63  }
0x18f: {  	_ =	swait.ge [sflag:s15], $0x4000  }
0x190: {  	[sflag:s15] =	ssyncset.done $0x0  }
0x191: {  	[sflag:s15] =	ssyncadd.s32 $0xFFFFC000  }
0x192: {  	_ =	swait.ge [sflag:s21], $0x4000  }
0x193: {  	[sflag:s21] =	ssyncset.done $0x0  }
0x194: {  	[sflag:s21] =	ssyncadd.s32 $0xFFFFC000  }
0x195: {  	[tilespmem:s18], [sflag:$0x1] =	stream.indirect.gather [hbm4b:s5+s17], $0x80, s28, s17, $0xb8;
	[tilespmem:$0x1D000] =	vst v63  }
0x196: {  	_ = 	snop  }
0x197: {  	[spmem:s2] =	stream.indirect.scatter.add.f32 [tilespmem:s20], [sflag:$0x3], $0x80, s29, s17, $0xb8;
	[tilespmem:$0x1D000] =	vst v63  }
0x198: {  	_ =	swait.ge [sflag:s15], $0x4000  }
0x199: {  	[sflag:s15] =	ssyncset.done $0x0  }
0x19a: {  	[sflag:s15] =	ssyncadd.s32 $0xFFFFC000  }
0x19b: {  	_ =	swait.ge [sflag:s19], $0x4000  }
0x19c: {  	[sflag:s19] =	ssyncset.done $0x0  }
0x19d: {  	[sflag:s19] =	ssyncadd.s32 $0xFFFFC000  }
0x19e: {  	[tilespmem:s20], [sflag:$0x2] =	stream.indirect.gather [hbm4b:s5+s17], $0x80, s30, s17, $0xb8;
	[tilespmem:$0x1D000] =	vst v63  }
0x19f: {  	_ = 	snop  }
0x1a0: {  	[spmem:s2] =	stream.indirect.scatter.add.f32 [tilespmem:s18], [sflag:$0x3], $0x80, s31, s17, $0xb8;
	[tilespmem:$0x1D000] =	vst v63  }
0x1a1: {  	_ =	swait.ge [sflag:s15], $0x4000  }
0x1a2: {  	[sflag:s15] =	ssyncset.done $0x0  }
0x1a3: {  	[sflag:s15] =	ssyncadd.s32 $0xFFFFC000  }
0x1a4: {  	_ =	swait.ge [sflag:s21], $0x4000  }
0x1a5: {  	[sflag:s21] =	ssyncset.done $0x0  }
0x1a6: {  	[sflag:s21] =	ssyncadd.s32 $0xFFFFC000  }
0x1a7: {  	[tilespmem:s18], [sflag:$0x1] =	stream.indirect.gather [hbm4b:s5+s17], $0x80, s0, s17, $0xb8;
	[tilespmem:$0x1D000] =	vst v63  }
0x1a8: {  	_ = 	snop  }
0x1a9: {  	[spmem:s2] =	stream.indirect.scatter.add.f32 [tilespmem:s20], [sflag:$0x3], $0x80, s1, s17, $0xb8;
	[tilespmem:$0x1D000] =	vst v63  }
0x1aa: {  	_ =	swait.ge [sflag:s15], $0x4000  }
0x1ab: {  	[sflag:s15] =	ssyncset.done $0x0  }
0x1ac: {  	[sflag:s15] =	ssyncadd.s32 $0xFFFFC000  }
0x1ad: {  	_ =	swait.ge [sflag:s19], $0x4000  }
0x1ae: {  	[sflag:s19] =	ssyncset.done $0x0  }
0x1af: {  	s4 =	simm.s32 $0x480;
	[sflag:s19] =	ssyncadd.s32 $0xFFFFC000  }
0x1b0: {  	[tilespmem:s20], [sflag:$0x2] =	stream.indirect.gather [hbm4b:s5+s17], $0x80, s4, s17, $0xb8;
	[tilespmem:$0x1D000] =	vst v63  }
0x1b1: {  	s4 =	simm.s32 $0xC00  }
0x1b2: {  	[spmem:s2] =	stream.indirect.scatter.add.f32 [tilespmem:s18], [sflag:$0x3], $0x80, s4, s17, $0xb8;
	[tilespmem:$0x1D000] =	vst v63  }
0x1b3: {  	_ =	swait.ge [sflag:s15], $0x4000  }
0x1b4: {  	[sflag:s15] =	ssyncset.done $0x0  }
0x1b5: {  	[sflag:s15] =	ssyncadd.s32 $0xFFFFC000  }
0x1b6: {  	_ =	swait.ge [sflag:s21], $0x4000  }
0x1b7: {  	[sflag:s21] =	ssyncset.done $0x0  }
0x1b8: {  	s4 =	simm.s32 $0x500;
	[sflag:s21] =	ssyncadd.s32 $0xFFFFC000  }
0x1b9: {  	[tilespmem:s18], [sflag:$0x1] =	stream.indirect.gather [hbm4b:s5+s17], $0x80, s4, s17, $0xb8;
	[tilespmem:$0x1D000] =	vst v63  }
0x1ba: {  	s4 =	simm.s32 $0xC80  }
0x1bb: {  	[spmem:s2] =	stream.indirect.scatter.add.f32 [tilespmem:s20], [sflag:$0x3], $0x80, s4, s17, $0xb8;
	[tilespmem:$0x1D000] =	vst v63  }
0x1bc: {  	_ =	swait.ge [sflag:s15], $0x4000  }
0x1bd: {  	[sflag:s15] =	ssyncset.done $0x0  }
0x1be: {  	[sflag:s15] =	ssyncadd.s32 $0xFFFFC000  }
0x1bf: {  	_ =	swait.ge [sflag:s19], $0x4000  }
0x1c0: {  	[sflag:s19] =	ssyncset.done $0x0  }
0x1c1: {  	s4 =	simm.s32 $0x580;
	[sflag:s19] =	ssyncadd.s32 $0xFFFFC000  }
0x1c2: {  	[tilespmem:s20], [sflag:$0x2] =	stream.indirect.gather [hbm4b:s5+s17], $0x80, s4, s17, $0xb8;
	[tilespmem:$0x1D000] =	vst v63  }
0x1c3: {  	s4 =	simm.s32 $0xD00  }
0x1c4: {  	[spmem:s2] =	stream.indirect.scatter.add.f32 [tilespmem:s18], [sflag:$0x3], $0x80, s4, s17, $0xb8;
	[tilespmem:$0x1D000] =	vst v63  }
0x1c5: {  	_ =	swait.ge [sflag:s15], $0x4000  }
0x1c6: {  	[sflag:s15] =	ssyncset.done $0x0  }
0x1c7: {  	[sflag:s15] =	ssyncadd.s32 $0xFFFFC000  }
0x1c8: {  	_ =	swait.ge [sflag:s21], $0x4000  }
0x1c9: {  	[sflag:s21] =	ssyncset.done $0x0  }
0x1ca: {  	s4 =	simm.s32 $0x600;
	[sflag:s21] =	ssyncadd.s32 $0xFFFFC000  }
0x1cb: {  	[tilespmem:s18], [sflag:$0x1] =	stream.indirect.gather [hbm4b:s5+s17], $0x80, s4, s17, $0xb8;
	[tilespmem:$0x1D000] =	vst v63  }
0x1cc: {  	s4 =	simm.s32 $0xD80  }
0x1cd: {  	[spmem:s2] =	stream.indirect.scatter.add.f32 [tilespmem:s20], [sflag:$0x3], $0x80, s4, s17, $0xb8;
	[tilespmem:$0x1D000] =	vst v63  }
0x1ce: {  	_ =	swait.ge [sflag:s15], $0x4000  }
0x1cf: {  	[sflag:s15] =	ssyncset.done $0x0  }
0x1d0: {  	[sflag:s15] =	ssyncadd.s32 $0xFFFFC000  }
0x1d1: {  	_ =	swait.ge [sflag:s19], $0x4000  }
0x1d2: {  	[sflag:s19] =	ssyncset.done $0x0  }
0x1d3: {  	s4 =	simm.s32 $0x680;
	[sflag:s19] =	ssyncadd.s32 $0xFFFFC000  }
0x1d4: {  	[tilespmem:s20], [sflag:$0x2] =	stream.indirect.gather [hbm4b:s5+s17], $0x80, s4, s17, $0xb8;
	[tilespmem:$0x1D000] =	vst v63  }
0x1d5: {  	s4 =	simm.s32 $0xE00  }
0x1d6: {  	[spmem:s2] =	stream.indirect.scatter.add.f32 [tilespmem:s18], [sflag:$0x3], $0x80, s4, s17, $0xb8;
	[tilespmem:$0x1D000] =	vst v63  }
0x1d7: {  	_ =	swait.ge [sflag:s15], $0x4000  }
0x1d8: {  	[sflag:s15] =	ssyncset.done $0x0  }
0x1d9: {  	[sflag:s15] =	ssyncadd.s32 $0xFFFFC000  }
0x1da: {  	_ =	swait.ge [sflag:s21], $0x4000  }
0x1db: {  	[sflag:s21] =	ssyncset.done $0x0  }
0x1dc: {  	s4 =	simm.s32 $0x700;
	[sflag:s21] =	ssyncadd.s32 $0xFFFFC000  }
0x1dd: {  	[tilespmem:s18], [sflag:$0x1] =	stream.indirect.gather [hbm4b:s5+s17], $0x80, s4, s17, $0xb8;
	[tilespmem:$0x1D000] =	vst v63  }
0x1de: {  	s4 =	simm.s32 $0xE80  }
0x1df: {  	[spmem:s2] =	stream.indirect.scatter.add.f32 [tilespmem:s20], [sflag:$0x3], $0x80, s4, s17, $0xb8;
	[tilespmem:$0x1D000] =	vst v63  }
0x1e0: {  	_ =	swait.ge [sflag:s15], $0x4000  }
0x1e1: {  	[sflag:s15] =	ssyncset.done $0x0  }
0x1e2: {  	[sflag:s15] =	ssyncadd.s32 $0xFFFFC000  }
0x1e3: {  	_ =	swait.ge [sflag:s19], $0x4000  }
0x1e4: {  	[sflag:s19] =	ssyncset.done $0x0  }
0x1e5: {  	s4 =	simm.s32 $0x780;
	[sflag:s19] =	ssyncadd.s32 $0xFFFFC000  }
0x1e6: {  	[tilespmem:s20], [sflag:$0x2] =	stream.indirect.gather [hbm4b:s5+s17], $0x80, s4, s17, $0xb8;
	[tilespmem:$0x1D000] =	vst v63  }
0x1e7: {  	s4 =	simm.s32 $0xF00  }
0x1e8: {  	[spmem:s2] =	stream.indirect.scatter.add.f32 [tilespmem:s18], [sflag:$0x3], $0x80, s4, s17, $0xb8;
	[tilespmem:$0x1D000] =	vst v63  }
0x1e9: {  	_ =	swait.ge [sflag:s15], $0x4000  }
0x1ea: {  	[sflag:s15] =	ssyncset.done $0x0  }
0x1eb: {  	[sflag:s15] =	ssyncadd.s32 $0xFFFFC000  }
0x1ec: {  	_ =	swait.ge [sflag:s21], $0x4000  }
.Ltmp3:
0x1ed: {  	[sflag:s21] =	ssyncset.done $0x0;
	(pc) =	sbr.rel @!p1 .LBB2_3-.Ltmp3, $4  }
0x1ee: {  	s4 =	simm.s32 $0xF80;
	[sflag:s21] =	ssyncadd.s32 $0xFFFFC000  }
0x1ef: {  	[spmem:s2] =	stream.indirect.scatter.add.f32 [tilespmem:s20], [sflag:$0x3], $0x80, s4, s17, $0xb8;
	[tilespmem:$0x1D000] =	vst v63  }
0x1f0: {  	_ =	swait.ge [sflag:s15], $0x4000  }
0x1f1: {  	s8 =	smov.u32 s9;
	[sflag:s15] =	ssyncset.done $0x0  }
0x1f2: {  	s4 =	sadd.s32 s7, s13;
	[sflag:s15] =	ssyncadd.s32 $0xFFFFC000  }
0x1f3: {  	[tilespmem:s3], [sflag:$0x3] =	stream.linear.gather [hbm4b:s4+s3], $0x800, $0x38;
	[tilespmem:$0x1D000] =	vst v63  }
0x1f4: {  	_ =	swait.ge [sflag:s15], $0x800  }
0x1f5: {  	[sflag:s15] =	ssyncset.done $0x0  }
0x1f6: {  	s9 =	sadd.s32 s7, s12;
	[sflag:s15] =	ssyncadd.s32 $0xFFFFF800  }
0x1f7: {  	[tilespmem:s16], [sflag:$0x3] =	stream.linear.gather [hbm4b:s9+s3], $0x800, $0x38;
	[tilespmem:$0x1D000] =	vst v63  }
0x1f8: {  	_ =	swait.ge [sflag:s15], $0x800  }
0x1f9: {  	[sflag:s15] =	ssyncset.done $0x0  }
0x1fa: {  	[sflag:s15] =	ssyncadd.s32 $0xFFFFF800  }
0x1fb: {  	[tilespmem:s18], [sflag:$0x1] =	stream.indirect.gather [hbm4b:s5+s17], $0x80, s3, s17, $0xb8;
	[tilespmem:$0x1D000] =	vst v63  }
0x1fc: {  	_ =	swait.ge [sflag:s19], $0x4000  }
0x1fd: {  	[sflag:s19] =	ssyncset.done $0x0  }
0x1fe: {  	[sflag:s19] =	ssyncadd.s32 $0xFFFFC000  }
0x1ff: {  	[tilespmem:s20], [sflag:$0x2] =	stream.indirect.gather [hbm4b:s5+s17], $0x80, s17, s17, $0xb8;
	[tilespmem:$0x1D000] =	vst v63  }
0x200: {  	_ = 	snop  }
0x201: {  	[spmem:s2] =	stream.indirect.scatter.add.f32 [tilespmem:s18], [sflag:$0x3], $0x80, s16, s17, $0xb8;
	[tilespmem:$0x1D000] =	vst v63  }
0x202: {  	_ =	swait.ge [sflag:s15], $0x4000  }
0x203: {  	[sflag:s15] =	ssyncset.done $0x0  }
0x204: {  	[sflag:s15] =	ssyncadd.s32 $0xFFFFC000  }
0x205: {  	_ =	swait.ge [sflag:s21], $0x4000  }
0x206: {  	[sflag:s21] =	ssyncset.done $0x0  }
0x207: {  	[sflag:s21] =	ssyncadd.s32 $0xFFFFC000  }
0x208: {  	[tilespmem:s18], [sflag:$0x1] =	stream.indirect.gather [hbm4b:s5+s17], $0x80, s11, s17, $0xb8;
	[tilespmem:$0x1D000] =	vst v63  }
0x209: {  	_ = 	snop  }
0x20a: {  	[spmem:s2] =	stream.indirect.scatter.add.f32 [tilespmem:s20], [sflag:$0x3], $0x80, s10, s17, $0xb8;
	[tilespmem:$0x1D000] =	vst v63  }
0x20b: {  	_ =	swait.ge [sflag:s15], $0x4000  }
0x20c: {  	[sflag:s15] =	ssyncset.done $0x0  }
0x20d: {  	[sflag:s15] =	ssyncadd.s32 $0xFFFFC000  }
0x20e: {  	_ =	swait.ge [sflag:s19], $0x4000  }
0x20f: {  	[sflag:s19] =	ssyncset.done $0x0  }
0x210: {  	[sflag:s19] =	ssyncadd.s32 $0xFFFFC000  }
0x211: {  	[tilespmem:s20], [sflag:$0x2] =	stream.indirect.gather [hbm4b:s5+s17], $0x80, s14, s17, $0xb8;
	[tilespmem:$0x1D000] =	vst v63  }
0x212: {  	_ = 	snop  }
0x213: {  	[spmem:s2] =	stream.indirect.scatter.add.f32 [tilespmem:s18], [sflag:$0x3], $0x80, s22, s17, $0xb8;
	[tilespmem:$0x1D000] =	vst v63  }
0x214: {  	_ =	swait.ge [sflag:s15], $0x4000  }
0x215: {  	[sflag:s15] =	ssyncset.done $0x0  }
0x216: {  	[sflag:s15] =	ssyncadd.s32 $0xFFFFC000  }
0x217: {  	_ =	swait.ge [sflag:s21], $0x4000  }
0x218: {  	[sflag:s21] =	ssyncset.done $0x0  }
0x219: {  	[sflag:s21] =	ssyncadd.s32 $0xFFFFC000  }
0x21a: {  	[tilespmem:s18], [sflag:$0x1] =	stream.indirect.gather [hbm4b:s5+s17], $0x80, s23, s17, $0xb8;
	[tilespmem:$0x1D000] =	vst v63  }
0x21b: {  	_ = 	snop  }
0x21c: {  	[spmem:s2] =	stream.indirect.scatter.add.f32 [tilespmem:s20], [sflag:$0x3], $0x80, s24, s17, $0xb8;
	[tilespmem:$0x1D000] =	vst v63  }
0x21d: {  	_ =	swait.ge [sflag:s15], $0x4000  }
0x21e: {  	[sflag:s15] =	ssyncset.done $0x0  }
0x21f: {  	[sflag:s15] =	ssyncadd.s32 $0xFFFFC000  }
0x220: {  	_ =	swait.ge [sflag:s19], $0x4000  }
0x221: {  	[sflag:s19] =	ssyncset.done $0x0  }
0x222: {  	[sflag:s19] =	ssyncadd.s32 $0xFFFFC000  }
0x223: {  	[tilespmem:s20], [sflag:$0x2] =	stream.indirect.gather [hbm4b:s5+s17], $0x80, s25, s17, $0xb8;
	[tilespmem:$0x1D000] =	vst v63  }
0x224: {  	_ = 	snop  }
0x225: {  	[spmem:s2] =	stream.indirect.scatter.add.f32 [tilespmem:s18], [sflag:$0x3], $0x80, s26, s17, $0xb8;
	[tilespmem:$0x1D000] =	vst v63  }
0x226: {  	_ =	swait.ge [sflag:s15], $0x4000  }
0x227: {  	[sflag:s15] =	ssyncset.done $0x0  }
0x228: {  	[sflag:s15] =	ssyncadd.s32 $0xFFFFC000  }
0x229: {  	_ =	swait.ge [sflag:s21], $0x4000  }
0x22a: {  	[sflag:s21] =	ssyncset.done $0x0  }
0x22b: {  	[sflag:s21] =	ssyncadd.s32 $0xFFFFC000  }
0x22c: {  	[tilespmem:s18], [sflag:$0x1] =	stream.indirect.gather [hbm4b:s5+s17], $0x80, s28, s17, $0xb8;
	[tilespmem:$0x1D000] =	vst v63  }
0x22d: {  	_ = 	snop  }
0x22e: {  	[spmem:s2] =	stream.indirect.scatter.add.f32 [tilespmem:s20], [sflag:$0x3], $0x80, s29, s17, $0xb8;
	[tilespmem:$0x1D000] =	vst v63  }
0x22f: {  	_ =	swait.ge [sflag:s15], $0x4000  }
0x230: {  	[sflag:s15] =	ssyncset.done $0x0  }
0x231: {  	[sflag:s15] =	ssyncadd.s32 $0xFFFFC000  }
0x232: {  	_ =	swait.ge [sflag:s19], $0x4000  }
0x233: {  	[sflag:s19] =	ssyncset.done $0x0  }
0x234: {  	[sflag:s19] =	ssyncadd.s32 $0xFFFFC000  }
0x235: {  	[tilespmem:s20], [sflag:$0x2] =	stream.indirect.gather [hbm4b:s5+s17], $0x80, s30, s17, $0xb8;
	[tilespmem:$0x1D000] =	vst v63  }
0x236: {  	_ = 	snop  }
0x237: {  	[spmem:s2] =	stream.indirect.scatter.add.f32 [tilespmem:s18], [sflag:$0x3], $0x80, s31, s17, $0xb8;
	[tilespmem:$0x1D000] =	vst v63  }
0x238: {  	_ =	swait.ge [sflag:s15], $0x4000  }
0x239: {  	[sflag:s15] =	ssyncset.done $0x0  }
0x23a: {  	[sflag:s15] =	ssyncadd.s32 $0xFFFFC000  }
0x23b: {  	_ =	swait.ge [sflag:s21], $0x4000  }
0x23c: {  	[sflag:s21] =	ssyncset.done $0x0  }
0x23d: {  	[sflag:s21] =	ssyncadd.s32 $0xFFFFC000  }
0x23e: {  	[tilespmem:s18], [sflag:$0x1] =	stream.indirect.gather [hbm4b:s5+s17], $0x80, s0, s17, $0xb8;
	[tilespmem:$0x1D000] =	vst v63  }
0x23f: {  	_ = 	snop  }
0x240: {  	[spmem:s2] =	stream.indirect.scatter.add.f32 [tilespmem:s20], [sflag:$0x3], $0x80, s1, s17, $0xb8;
	[tilespmem:$0x1D000] =	vst v63  }
0x241: {  	_ =	swait.ge [sflag:s15], $0x4000  }
0x242: {  	[sflag:s15] =	ssyncset.done $0x0  }
0x243: {  	[sflag:s15] =	ssyncadd.s32 $0xFFFFC000  }
0x244: {  	_ =	swait.ge [sflag:s19], $0x4000  }
0x245: {  	[sflag:s19] =	ssyncset.done $0x0  }
0x246: {  	s24 =	simm.s32 $0x480;
	[sflag:s19] =	ssyncadd.s32 $0xFFFFC000  }
0x247: {  	[tilespmem:s20], [sflag:$0x2] =	stream.indirect.gather [hbm4b:s5+s17], $0x80, s24, s17, $0xb8;
	[tilespmem:$0x1D000] =	vst v63  }
0x248: {  	s25 =	simm.s32 $0xC00  }
0x249: {  	[spmem:s2] =	stream.indirect.scatter.add.f32 [tilespmem:s18], [sflag:$0x3], $0x80, s25, s17, $0xb8;
	[tilespmem:$0x1D000] =	vst v63  }
0x24a: {  	_ =	swait.ge [sflag:s15], $0x4000  }
0x24b: {  	[sflag:s15] =	ssyncset.done $0x0  }
0x24c: {  	[sflag:s15] =	ssyncadd.s32 $0xFFFFC000  }
0x24d: {  	_ =	swait.ge [sflag:s21], $0x4000  }
0x24e: {  	[sflag:s21] =	ssyncset.done $0x0  }
0x24f: {  	s26 =	simm.s32 $0x500;
	[sflag:s21] =	ssyncadd.s32 $0xFFFFC000  }
0x250: {  	[tilespmem:s18], [sflag:$0x1] =	stream.indirect.gather [hbm4b:s5+s17], $0x80, s26, s17, $0xb8;
	[tilespmem:$0x1D000] =	vst v63  }
0x251: {  	s1 =	simm.s32 $0xC80  }
0x252: {  	[spmem:s2] =	stream.indirect.scatter.add.f32 [tilespmem:s20], [sflag:$0x3], $0x80, s1, s17, $0xb8;
	[tilespmem:$0x1D000] =	vst v63  }
0x253: {  	_ =	swait.ge [sflag:s15], $0x4000  }
0x254: {  	[sflag:s15] =	ssyncset.done $0x0  }
0x255: {  	[sflag:s15] =	ssyncadd.s32 $0xFFFFC000  }
0x256: {  	_ =	swait.ge [sflag:s19], $0x4000  }
0x257: {  	[sflag:s19] =	ssyncset.done $0x0  }
0x258: {  	s4 =	simm.s32 $0x580;
	[sflag:s19] =	ssyncadd.s32 $0xFFFFC000  }
0x259: {  	[tilespmem:s20], [sflag:$0x2] =	stream.indirect.gather [hbm4b:s5+s17], $0x80, s4, s17, $0xb8;
	[tilespmem:$0x1D000] =	vst v63  }
0x25a: {  	s7 =	simm.s32 $0xD00  }
0x25b: {  	[spmem:s2] =	stream.indirect.scatter.add.f32 [tilespmem:s18], [sflag:$0x3], $0x80, s7, s17, $0xb8;
	[tilespmem:$0x1D000] =	vst v63  }
0x25c: {  	_ =	swait.ge [sflag:s15], $0x4000  }
0x25d: {  	[sflag:s15] =	ssyncset.done $0x0  }
0x25e: {  	[sflag:s15] =	ssyncadd.s32 $0xFFFFC000  }
0x25f: {  	_ =	swait.ge [sflag:s21], $0x4000  }
0x260: {  	[sflag:s21] =	ssyncset.done $0x0  }
0x261: {  	s8 =	simm.s32 $0x600;
	[sflag:s21] =	ssyncadd.s32 $0xFFFFC000  }
0x262: {  	[tilespmem:s18], [sflag:$0x1] =	stream.indirect.gather [hbm4b:s5+s17], $0x80, s8, s17, $0xb8;
	[tilespmem:$0x1D000] =	vst v63  }
0x263: {  	s9 =	simm.s32 $0xD80  }
0x264: {  	[spmem:s2] =	stream.indirect.scatter.add.f32 [tilespmem:s20], [sflag:$0x3], $0x80, s9, s17, $0xb8;
	[tilespmem:$0x1D000] =	vst v63  }
0x265: {  	_ =	swait.ge [sflag:s15], $0x4000  }
0x266: {  	[sflag:s15] =	ssyncset.done $0x0  }
0x267: {  	[sflag:s15] =	ssyncadd.s32 $0xFFFFC000  }
0x268: {  	_ =	swait.ge [sflag:s19], $0x4000  }
0x269: {  	[sflag:s19] =	ssyncset.done $0x0  }
0x26a: {  	s10 =	simm.s32 $0x680;
	[sflag:s19] =	ssyncadd.s32 $0xFFFFC000  }
0x26b: {  	[tilespmem:s20], [sflag:$0x2] =	stream.indirect.gather [hbm4b:s5+s17], $0x80, s10, s17, $0xb8;
	[tilespmem:$0x1D000] =	vst v63  }
0x26c: {  	s14 =	simm.s32 $0xE00  }
0x26d: {  	[spmem:s2] =	stream.indirect.scatter.add.f32 [tilespmem:s18], [sflag:$0x3], $0x80, s14, s17, $0xb8;
	[tilespmem:$0x1D000] =	vst v63  }
0x26e: {  	_ =	swait.ge [sflag:s15], $0x4000  }
0x26f: {  	[sflag:s15] =	ssyncset.done $0x0  }
0x270: {  	[sflag:s15] =	ssyncadd.s32 $0xFFFFC000  }
0x271: {  	_ =	swait.ge [sflag:s21], $0x4000  }
0x272: {  	[sflag:s21] =	ssyncset.done $0x0  }
0x273: {  	s22 =	simm.s32 $0x700;
	[sflag:s21] =	ssyncadd.s32 $0xFFFFC000  }
0x274: {  	[tilespmem:s18], [sflag:$0x1] =	stream.indirect.gather [hbm4b:s5+s17], $0x80, s22, s17, $0xb8;
	[tilespmem:$0x1D000] =	vst v63  }
0x275: {  	s23 =	simm.s32 $0xE80  }
0x276: {  	[spmem:s2] =	stream.indirect.scatter.add.f32 [tilespmem:s20], [sflag:$0x3], $0x80, s23, s17, $0xb8;
	[tilespmem:$0x1D000] =	vst v63  }
0x277: {  	_ =	swait.ge [sflag:s15], $0x4000  }
0x278: {  	[sflag:s15] =	ssyncset.done $0x0  }
0x279: {  	[sflag:s15] =	ssyncadd.s32 $0xFFFFC000  }
0x27a: {  	_ =	swait.ge [sflag:s19], $0x4000  }
0x27b: {  	[sflag:s19] =	ssyncset.done $0x0  }
0x27c: {  	s24 =	simm.s32 $0x780;
	[sflag:s19] =	ssyncadd.s32 $0xFFFFC000  }
0x27d: {  	[tilespmem:s20], [sflag:$0x2] =	stream.indirect.gather [hbm4b:s5+s17], $0x80, s24, s17, $0xb8;
	[tilespmem:$0x1D000] =	vst v63  }
0x27e: {  	s25 =	simm.s32 $0xF00  }
0x27f: {  	[spmem:s2] =	stream.indirect.scatter.add.f32 [tilespmem:s18], [sflag:$0x3], $0x80, s25, s17, $0xb8;
	[tilespmem:$0x1D000] =	vst v63  }
0x280: {  	s28 =	simm.s32 $0xA80;
	_ =	swait.ge [sflag:s15], $0x4000  }
0x281: {  	s29 =	simm.s32 $0x380;
	s30 =	simm.s32 $0xB00;
	[sflag:s15] =	ssyncset.done $0x0  }
0x282: {  	s0 =	simm.s32 $0x400;
	s26 =	simm.s32 $0xF80;
	[sflag:s15] =	ssyncadd.s32 $0xFFFFC000  }
0x283: {  	s1 =	simm.s32 $0xB80;
	s8 =	simm.s32 $0x880;
	_ =	swait.ge [sflag:s21], $0x4000  }
0x284: {  	s10 =	simm.s32 $0x180;
	s14 =	simm.s32 $0x900;
	[sflag:s21] =	ssyncset.done $0x0  }
.Ltmp4:
0x285: {  	s22 =	simm.s32 $0x200;
	[sflag:s21] =	ssyncadd.s32 $0xFFFFC000;
	(pc) =	sbr.rel .LBB2_8-.Ltmp4, $4  }
0x286: {  	[spmem:s2] =	stream.indirect.scatter.add.f32 [tilespmem:s20], [sflag:$0x3], $0x80, s26, s17, $0xb8;
	[tilespmem:$0x1D000] =	vst v63  }
0x287: {  	s23 =	simm.s32 $0x980;
	s24 =	simm.s32 $0x280;
	_ =	swait.ge [sflag:s15], $0x4000  }
0x288: {  	s25 =	simm.s32 $0xA00;
	[sflag:s15] =	ssyncset.done $0x0;
	s7 =	rddreg [dreg:$0x6]  }
0x289: {  	s26 =	simm.s32 $0x300;
	s31 =	rddreg [dreg:$0xc];
	[sflag:s15] =	ssyncadd.s32 $0xFFFFC000  }
.LBB2_5:
0x28a: {  	s4 =	sadd.s32 $0x0, s13  }
0x28b: {  	[tilespmem:s3], [sflag:$0x3] =	stream.linear.gather [hbm4b:s4+s3], $0x800, $0x38;
	[tilespmem:$0x1D000] =	vst v63  }
0x28c: {  	_ =	swait.ge [sflag:s15], $0x800  }
0x28d: {  	[sflag:s15] =	ssyncset.done $0x0  }
0x28e: {  	s9 =	sadd.s32 $0x0, s12;
	[sflag:s15] =	ssyncadd.s32 $0xFFFFF800  }
0x28f: {  	[tilespmem:s16], [sflag:$0x3] =	stream.linear.gather [hbm4b:s9+s3], $0x800, $0x38;
	[tilespmem:$0x1D000] =	vst v63  }
0x290: {  	_ =	swait.ge [sflag:s15], $0x800  }
0x291: {  	[sflag:s15] =	ssyncset.done $0x0  }
0x292: {  	[sflag:s15] =	ssyncadd.s32 $0xFFFFF800  }
0x293: {  	[tilespmem:s18], [sflag:$0x1] =	stream.indirect.gather [hbm4b:s6+s17], $0x80, s3, s17, $0xb8;
	[tilespmem:$0x1D000] =	vst v63  }
0x294: {  	_ =	swait.ge [sflag:s19], $0x4000  }
0x295: {  	[sflag:s19] =	ssyncset.done $0x0  }
0x296: {  	[sflag:s19] =	ssyncadd.s32 $0xFFFFC000  }
0x297: {  	[tilespmem:s20], [sflag:$0x2] =	stream.indirect.gather [hbm4b:s6+s17], $0x80, s17, s17, $0xb8;
	[tilespmem:$0x1D000] =	vst v63  }
0x298: {  	_ = 	snop  }
0x299: {  	[spmem:s2] =	stream.indirect.scatter.add.f32 [tilespmem:s18], [sflag:$0x3], $0x80, s16, s17, $0xb8;
	[tilespmem:$0x1D000] =	vst v63  }
0x29a: {  	_ =	swait.ge [sflag:s15], $0x4000  }
0x29b: {  	[sflag:s15] =	ssyncset.done $0x0  }
0x29c: {  	[sflag:s15] =	ssyncadd.s32 $0xFFFFC000  }
0x29d: {  	_ =	swait.ge [sflag:s21], $0x4000  }
0x29e: {  	[sflag:s21] =	ssyncset.done $0x0  }
0x29f: {  	[sflag:s21] =	ssyncadd.s32 $0xFFFFC000  }
0x2a0: {  	[tilespmem:s18], [sflag:$0x1] =	stream.indirect.gather [hbm4b:s6+s17], $0x80, s11, s17, $0xb8;
	[tilespmem:$0x1D000] =	vst v63  }
0x2a1: {  	_ = 	snop  }
0x2a2: {  	[spmem:s2] =	stream.indirect.scatter.add.f32 [tilespmem:s20], [sflag:$0x3], $0x80, s8, s17, $0xb8;
	[tilespmem:$0x1D000] =	vst v63  }
0x2a3: {  	_ =	swait.ge [sflag:s15], $0x4000  }
0x2a4: {  	[sflag:s15] =	ssyncset.done $0x0  }
0x2a5: {  	[sflag:s15] =	ssyncadd.s32 $0xFFFFC000  }
0x2a6: {  	_ =	swait.ge [sflag:s19], $0x4000  }
0x2a7: {  	[sflag:s19] =	ssyncset.done $0x0  }
0x2a8: {  	[sflag:s19] =	ssyncadd.s32 $0xFFFFC000  }
0x2a9: {  	[tilespmem:s20], [sflag:$0x2] =	stream.indirect.gather [hbm4b:s6+s17], $0x80, s10, s17, $0xb8;
	[tilespmem:$0x1D000] =	vst v63  }
0x2aa: {  	_ = 	snop  }
0x2ab: {  	[spmem:s2] =	stream.indirect.scatter.add.f32 [tilespmem:s18], [sflag:$0x3], $0x80, s14, s17, $0xb8;
	[tilespmem:$0x1D000] =	vst v63  }
0x2ac: {  	_ =	swait.ge [sflag:s15], $0x4000  }
0x2ad: {  	[sflag:s15] =	ssyncset.done $0x0  }
0x2ae: {  	[sflag:s15] =	ssyncadd.s32 $0xFFFFC000  }
0x2af: {  	_ =	swait.ge [sflag:s21], $0x4000  }
0x2b0: {  	[sflag:s21] =	ssyncset.done $0x0  }
0x2b1: {  	[sflag:s21] =	ssyncadd.s32 $0xFFFFC000  }
0x2b2: {  	[tilespmem:s18], [sflag:$0x1] =	stream.indirect.gather [hbm4b:s6+s17], $0x80, s22, s17, $0xb8;
	[tilespmem:$0x1D000] =	vst v63  }
0x2b3: {  	_ = 	snop  }
0x2b4: {  	[spmem:s2] =	stream.indirect.scatter.add.f32 [tilespmem:s20], [sflag:$0x3], $0x80, s23, s17, $0xb8;
	[tilespmem:$0x1D000] =	vst v63  }
0x2b5: {  	_ =	swait.ge [sflag:s15], $0x4000  }
0x2b6: {  	[sflag:s15] =	ssyncset.done $0x0  }
0x2b7: {  	[sflag:s15] =	ssyncadd.s32 $0xFFFFC000  }
0x2b8: {  	_ =	swait.ge [sflag:s19], $0x4000  }
0x2b9: {  	[sflag:s19] =	ssyncset.done $0x0  }
0x2ba: {  	[sflag:s19] =	ssyncadd.s32 $0xFFFFC000  }
0x2bb: {  	[tilespmem:s20], [sflag:$0x2] =	stream.indirect.gather [hbm4b:s6+s17], $0x80, s24, s17, $0xb8;
	[tilespmem:$0x1D000] =	vst v63  }
0x2bc: {  	_ = 	snop  }
0x2bd: {  	[spmem:s2] =	stream.indirect.scatter.add.f32 [tilespmem:s18], [sflag:$0x3], $0x80, s25, s17, $0xb8;
	[tilespmem:$0x1D000] =	vst v63  }
0x2be: {  	_ =	swait.ge [sflag:s15], $0x4000  }
0x2bf: {  	[sflag:s15] =	ssyncset.done $0x0  }
0x2c0: {  	[sflag:s15] =	ssyncadd.s32 $0xFFFFC000  }
0x2c1: {  	_ =	swait.ge [sflag:s21], $0x4000  }
0x2c2: {  	[sflag:s21] =	ssyncset.done $0x0  }
0x2c3: {  	[sflag:s21] =	ssyncadd.s32 $0xFFFFC000  }
0x2c4: {  	[tilespmem:s18], [sflag:$0x1] =	stream.indirect.gather [hbm4b:s6+s17], $0x80, s26, s17, $0xb8;
	[tilespmem:$0x1D000] =	vst v63  }
0x2c5: {  	_ = 	snop  }
0x2c6: {  	[spmem:s2] =	stream.indirect.scatter.add.f32 [tilespmem:s20], [sflag:$0x3], $0x80, s28, s17, $0xb8;
	[tilespmem:$0x1D000] =	vst v63  }
0x2c7: {  	_ =	swait.ge [sflag:s15], $0x4000  }
0x2c8: {  	[sflag:s15] =	ssyncset.done $0x0  }
0x2c9: {  	[sflag:s15] =	ssyncadd.s32 $0xFFFFC000  }
0x2ca: {  	_ =	swait.ge [sflag:s19], $0x4000  }
0x2cb: {  	[sflag:s19] =	ssyncset.done $0x0  }
0x2cc: {  	[sflag:s19] =	ssyncadd.s32 $0xFFFFC000  }
0x2cd: {  	[tilespmem:s20], [sflag:$0x2] =	stream.indirect.gather [hbm4b:s6+s17], $0x80, s29, s17, $0xb8;
	[tilespmem:$0x1D000] =	vst v63  }
0x2ce: {  	_ = 	snop  }
0x2cf: {  	[spmem:s2] =	stream.indirect.scatter.add.f32 [tilespmem:s18], [sflag:$0x3], $0x80, s30, s17, $0xb8;
	[tilespmem:$0x1D000] =	vst v63  }
0x2d0: {  	_ =	swait.ge [sflag:s15], $0x4000  }
0x2d1: {  	[sflag:s15] =	ssyncset.done $0x0  }
0x2d2: {  	[sflag:s15] =	ssyncadd.s32 $0xFFFFC000  }
0x2d3: {  	_ =	swait.ge [sflag:s21], $0x4000  }
0x2d4: {  	[sflag:s21] =	ssyncset.done $0x0  }
0x2d5: {  	[sflag:s21] =	ssyncadd.s32 $0xFFFFC000  }
0x2d6: {  	[tilespmem:s18], [sflag:$0x1] =	stream.indirect.gather [hbm4b:s6+s17], $0x80, s0, s17, $0xb8;
	[tilespmem:$0x1D000] =	vst v63  }
0x2d7: {  	_ = 	snop  }
0x2d8: {  	[spmem:s2] =	stream.indirect.scatter.add.f32 [tilespmem:s20], [sflag:$0x3], $0x80, s1, s17, $0xb8;
	[tilespmem:$0x1D000] =	vst v63  }
0x2d9: {  	_ =	swait.ge [sflag:s15], $0x4000  }
0x2da: {  	[sflag:s15] =	ssyncset.done $0x0  }
0x2db: {  	[sflag:s15] =	ssyncadd.s32 $0xFFFFC000  }
0x2dc: {  	_ =	swait.ge [sflag:s19], $0x4000  }
0x2dd: {  	[sflag:s19] =	ssyncset.done $0x0  }
0x2de: {  	s25 =	simm.s32 $0x480;
	[sflag:s19] =	ssyncadd.s32 $0xFFFFC000  }
0x2df: {  	[tilespmem:s20], [sflag:$0x2] =	stream.indirect.gather [hbm4b:s6+s17], $0x80, s25, s17, $0xb8;
	[tilespmem:$0x1D000] =	vst v63  }
0x2e0: {  	s26 =	simm.s32 $0xC00  }
0x2e1: {  	[spmem:s2] =	stream.indirect.scatter.add.f32 [tilespmem:s18], [sflag:$0x3], $0x80, s26, s17, $0xb8;
	[tilespmem:$0x1D000] =	vst v63  }
0x2e2: {  	_ =	swait.ge [sflag:s15], $0x4000  }
0x2e3: {  	[sflag:s15] =	ssyncset.done $0x0  }
0x2e4: {  	[sflag:s15] =	ssyncadd.s32 $0xFFFFC000  }
0x2e5: {  	_ =	swait.ge [sflag:s21], $0x4000  }
0x2e6: {  	[sflag:s21] =	ssyncset.done $0x0  }
0x2e7: {  	s1 =	simm.s32 $0x500;
	[sflag:s21] =	ssyncadd.s32 $0xFFFFC000  }
0x2e8: {  	[tilespmem:s18], [sflag:$0x1] =	stream.indirect.gather [hbm4b:s6+s17], $0x80, s1, s17, $0xb8;
	[tilespmem:$0x1D000] =	vst v63  }
0x2e9: {  	s4 =	simm.s32 $0xC80  }
0x2ea: {  	[spmem:s2] =	stream.indirect.scatter.add.f32 [tilespmem:s20], [sflag:$0x3], $0x80, s4, s17, $0xb8;
	[tilespmem:$0x1D000] =	vst v63  }
0x2eb: {  	_ =	swait.ge [sflag:s15], $0x4000  }
0x2ec: {  	[sflag:s15] =	ssyncset.done $0x0  }
0x2ed: {  	[sflag:s15] =	ssyncadd.s32 $0xFFFFC000  }
0x2ee: {  	_ =	swait.ge [sflag:s19], $0x4000  }
0x2ef: {  	[sflag:s19] =	ssyncset.done $0x0  }
0x2f0: {  	s7 =	simm.s32 $0x580;
	[sflag:s19] =	ssyncadd.s32 $0xFFFFC000  }
0x2f1: {  	[tilespmem:s20], [sflag:$0x2] =	stream.indirect.gather [hbm4b:s6+s17], $0x80, s7, s17, $0xb8;
	[tilespmem:$0x1D000] =	vst v63  }
0x2f2: {  	s8 =	simm.s32 $0xD00  }
0x2f3: {  	[spmem:s2] =	stream.indirect.scatter.add.f32 [tilespmem:s18], [sflag:$0x3], $0x80, s8, s17, $0xb8;
	[tilespmem:$0x1D000] =	vst v63  }
0x2f4: {  	_ =	swait.ge [sflag:s15], $0x4000  }
0x2f5: {  	[sflag:s15] =	ssyncset.done $0x0  }
0x2f6: {  	[sflag:s15] =	ssyncadd.s32 $0xFFFFC000  }
0x2f7: {  	_ =	swait.ge [sflag:s21], $0x4000  }
0x2f8: {  	[sflag:s21] =	ssyncset.done $0x0  }
0x2f9: {  	s9 =	simm.s32 $0x600;
	[sflag:s21] =	ssyncadd.s32 $0xFFFFC000  }
0x2fa: {  	[tilespmem:s18], [sflag:$0x1] =	stream.indirect.gather [hbm4b:s6+s17], $0x80, s9, s17, $0xb8;
	[tilespmem:$0x1D000] =	vst v63  }
0x2fb: {  	s10 =	simm.s32 $0xD80  }
0x2fc: {  	[spmem:s2] =	stream.indirect.scatter.add.f32 [tilespmem:s20], [sflag:$0x3], $0x80, s10, s17, $0xb8;
	[tilespmem:$0x1D000] =	vst v63  }
0x2fd: {  	_ =	swait.ge [sflag:s15], $0x4000  }
0x2fe: {  	[sflag:s15] =	ssyncset.done $0x0  }
0x2ff: {  	[sflag:s15] =	ssyncadd.s32 $0xFFFFC000  }
0x300: {  	_ =	swait.ge [sflag:s19], $0x4000  }
0x301: {  	[sflag:s19] =	ssyncset.done $0x0  }
0x302: {  	s11 =	simm.s32 $0x680;
	[sflag:s19] =	ssyncadd.s32 $0xFFFFC000  }
0x303: {  	[tilespmem:s20], [sflag:$0x2] =	stream.indirect.gather [hbm4b:s6+s17], $0x80, s11, s17, $0xb8;
	[tilespmem:$0x1D000] =	vst v63  }
0x304: {  	s14 =	simm.s32 $0xE00  }
0x305: {  	[spmem:s2] =	stream.indirect.scatter.add.f32 [tilespmem:s18], [sflag:$0x3], $0x80, s14, s17, $0xb8;
	[tilespmem:$0x1D000] =	vst v63  }
0x306: {  	_ =	swait.ge [sflag:s15], $0x4000  }
0x307: {  	[sflag:s15] =	ssyncset.done $0x0  }
0x308: {  	[sflag:s15] =	ssyncadd.s32 $0xFFFFC000  }
0x309: {  	_ =	swait.ge [sflag:s21], $0x4000  }
0x30a: {  	[sflag:s21] =	ssyncset.done $0x0  }
0x30b: {  	s22 =	simm.s32 $0x700;
	[sflag:s21] =	ssyncadd.s32 $0xFFFFC000  }
0x30c: {  	[tilespmem:s18], [sflag:$0x1] =	stream.indirect.gather [hbm4b:s6+s17], $0x80, s22, s17, $0xb8;
	[tilespmem:$0x1D000] =	vst v63  }
0x30d: {  	s23 =	simm.s32 $0xE80  }
0x30e: {  	[spmem:s2] =	stream.indirect.scatter.add.f32 [tilespmem:s20], [sflag:$0x3], $0x80, s23, s17, $0xb8;
	[tilespmem:$0x1D000] =	vst v63  }
0x30f: {  	_ =	swait.ge [sflag:s15], $0x4000  }
0x310: {  	[sflag:s15] =	ssyncset.done $0x0  }
0x311: {  	[sflag:s15] =	ssyncadd.s32 $0xFFFFC000  }
0x312: {  	_ =	swait.ge [sflag:s19], $0x4000  }
0x313: {  	[sflag:s19] =	ssyncset.done $0x0  }
0x314: {  	s24 =	simm.s32 $0x780;
	[sflag:s19] =	ssyncadd.s32 $0xFFFFC000  }
0x315: {  	[tilespmem:s20], [sflag:$0x2] =	stream.indirect.gather [hbm4b:s6+s17], $0x80, s24, s17, $0xb8;
	[tilespmem:$0x1D000] =	vst v63  }
0x316: {  	s25 =	simm.s32 $0xF00  }
0x317: {  	[spmem:s2] =	stream.indirect.scatter.add.f32 [tilespmem:s18], [sflag:$0x3], $0x80, s25, s17, $0xb8;
	[tilespmem:$0x1D000] =	vst v63  }
0x318: {  	s31 =	simm.s32 $0xB00;
	s28 =	simm.s32 $0x300;
	_ =	swait.ge [sflag:s15], $0x4000  }
0x319: {  	s29 =	simm.s32 $0xA80;
	s30 =	simm.s32 $0x380;
	[sflag:s15] =	ssyncset.done $0x0  }
0x31a: {  	s0 =	simm.s32 $0x400;
	s26 =	simm.s32 $0xF80;
	[sflag:s15] =	ssyncadd.s32 $0xFFFFC000  }
0x31b: {  	s1 =	simm.s32 $0xB80;
	s7 =	simm.s32 $0x100;
	_ =	swait.ge [sflag:s21], $0x4000  }
0x31c: {  	s9 =	simm.s32 $0x200;
	s10 =	simm.s32 $0x880;
	[sflag:s21] =	ssyncset.done $0x0  }
0x31d: {  	s14 =	simm.s32 $0x180;
	s22 =	simm.s32 $0x900;
	[sflag:s21] =	ssyncadd.s32 $0xFFFFC000  }
0x31e: {  	[spmem:s2] =	stream.indirect.scatter.add.f32 [tilespmem:s20], [sflag:$0x3], $0x80, s26, s17, $0xb8;
	[tilespmem:$0x1D000] =	vst v63  }
0x31f: {  	s23 =	simm.s32 $0x200;
	s24 =	simm.s32 $0x980;
	_ =	swait.ge [sflag:s15], $0x4000  }
0x320: {  	s25 =	simm.s32 $0x280;
	s26 =	simm.s32 $0xA00;
	[sflag:s15] =	ssyncset.done $0x0  }
.LBB2_6:
0x321: {  	s4 =	sadd.s32 s7, s13  }
0x322: {  	[sflag:s15] =	ssyncadd.s32 $0xFFFFC000;
	s11 =	smov.u32 s9;
	s8 =	sadd.s32 $0x100, s9  }
0x323: {  	[tilespmem:s3], [sflag:$0x3] =	stream.linear.gather [hbm4b:s4+s3], $0x800, $0x38;
	[tilespmem:$0x1D000] =	vst v63  }
0x324: {  	p1 =	sne.s32 s9, $0x900;
	_ =	swait.ge [sflag:s15], $0x800  }
0x325: {  	s4 =	sadd.s32 s7, s12;
	[sflag:s15] =	ssyncset.done $0x0  }
0x326: {  	s7 =	smov.u32 s11;
	s11 =	simm.s32 $0x100;
	[sflag:s15] =	ssyncadd.s32 $0xFFFFF800  }
0x327: {  	[tilespmem:s16], [sflag:$0x3] =	stream.linear.gather [hbm4b:s4+s3], $0x800, $0x38;
	[tilespmem:$0x1D000] =	vst v63  }
0x328: {  	_ =	swait.ge [sflag:s15], $0x800  }
0x329: {  	[sflag:s15] =	ssyncset.done $0x0  }
0x32a: {  	[sflag:s15] =	ssyncadd.s32 $0xFFFFF800  }
0x32b: {  	[tilespmem:s18], [sflag:$0x1] =	stream.indirect.gather [hbm4b:s6+s17], $0x80, s3, s17, $0xb8;
	[tilespmem:$0x1D000] =	vst v63  }
0x32c: {  	_ =	swait.ge [sflag:s19], $0x4000  }
0x32d: {  	[sflag:s19] =	ssyncset.done $0x0  }
0x32e: {  	[sflag:s19] =	ssyncadd.s32 $0xFFFFC000  }
0x32f: {  	[tilespmem:s20], [sflag:$0x2] =	stream.indirect.gather [hbm4b:s6+s17], $0x80, s17, s17, $0xb8;
	[tilespmem:$0x1D000] =	vst v63  }
0x330: {  	_ = 	snop  }
0x331: {  	[spmem:s2] =	stream.indirect.scatter.add.f32 [tilespmem:s18], [sflag:$0x3], $0x80, s16, s17, $0xb8;
	[tilespmem:$0x1D000] =	vst v63  }
0x332: {  	_ =	swait.ge [sflag:s15], $0x4000  }
0x333: {  	[sflag:s15] =	ssyncset.done $0x0  }
0x334: {  	[sflag:s15] =	ssyncadd.s32 $0xFFFFC000  }
0x335: {  	_ =	swait.ge [sflag:s21], $0x4000  }
0x336: {  	[sflag:s21] =	ssyncset.done $0x0  }
0x337: {  	[sflag:s21] =	ssyncadd.s32 $0xFFFFC000  }
0x338: {  	[tilespmem:s18], [sflag:$0x1] =	stream.indirect.gather [hbm4b:s6+s17], $0x80, s11, s17, $0xb8;
	[tilespmem:$0x1D000] =	vst v63  }
0x339: {  	_ = 	snop  }
0x33a: {  	[spmem:s2] =	stream.indirect.scatter.add.f32 [tilespmem:s20], [sflag:$0x3], $0x80, s10, s17, $0xb8;
	[tilespmem:$0x1D000] =	vst v63  }
0x33b: {  	_ =	swait.ge [sflag:s15], $0x4000  }
0x33c: {  	[sflag:s15] =	ssyncset.done $0x0  }
0x33d: {  	[sflag:s15] =	ssyncadd.s32 $0xFFFFC000  }
0x33e: {  	_ =	swait.ge [sflag:s19], $0x4000  }
0x33f: {  	[sflag:s19] =	ssyncset.done $0x0  }
0x340: {  	[sflag:s19] =	ssyncadd.s32 $0xFFFFC000  }
0x341: {  	[tilespmem:s20], [sflag:$0x2] =	stream.indirect.gather [hbm4b:s6+s17], $0x80, s14, s17, $0xb8;
	[tilespmem:$0x1D000] =	vst v63  }
0x342: {  	_ = 	snop  }
0x343: {  	[spmem:s2] =	stream.indirect.scatter.add.f32 [tilespmem:s18], [sflag:$0x3], $0x80, s22, s17, $0xb8;
	[tilespmem:$0x1D000] =	vst v63  }
0x344: {  	_ =	swait.ge [sflag:s15], $0x4000  }
0x345: {  	[sflag:s15] =	ssyncset.done $0x0  }
0x346: {  	[sflag:s15] =	ssyncadd.s32 $0xFFFFC000  }
0x347: {  	_ =	swait.ge [sflag:s21], $0x4000  }
0x348: {  	[sflag:s21] =	ssyncset.done $0x0  }
0x349: {  	[sflag:s21] =	ssyncadd.s32 $0xFFFFC000  }
0x34a: {  	[tilespmem:s18], [sflag:$0x1] =	stream.indirect.gather [hbm4b:s6+s17], $0x80, s23, s17, $0xb8;
	[tilespmem:$0x1D000] =	vst v63  }
0x34b: {  	_ = 	snop  }
0x34c: {  	[spmem:s2] =	stream.indirect.scatter.add.f32 [tilespmem:s20], [sflag:$0x3], $0x80, s24, s17, $0xb8;
	[tilespmem:$0x1D000] =	vst v63  }
0x34d: {  	_ =	swait.ge [sflag:s15], $0x4000  }
0x34e: {  	[sflag:s15] =	ssyncset.done $0x0  }
0x34f: {  	[sflag:s15] =	ssyncadd.s32 $0xFFFFC000  }
0x350: {  	_ =	swait.ge [sflag:s19], $0x4000  }
0x351: {  	[sflag:s19] =	ssyncset.done $0x0  }
0x352: {  	[sflag:s19] =	ssyncadd.s32 $0xFFFFC000  }
0x353: {  	[tilespmem:s20], [sflag:$0x2] =	stream.indirect.gather [hbm4b:s6+s17], $0x80, s25, s17, $0xb8;
	[tilespmem:$0x1D000] =	vst v63  }
0x354: {  	_ = 	snop  }
0x355: {  	[spmem:s2] =	stream.indirect.scatter.add.f32 [tilespmem:s18], [sflag:$0x3], $0x80, s26, s17, $0xb8;
	[tilespmem:$0x1D000] =	vst v63  }
0x356: {  	_ =	swait.ge [sflag:s15], $0x4000  }
0x357: {  	[sflag:s15] =	ssyncset.done $0x0  }
0x358: {  	[sflag:s15] =	ssyncadd.s32 $0xFFFFC000  }
0x359: {  	_ =	swait.ge [sflag:s21], $0x4000  }
0x35a: {  	[sflag:s21] =	ssyncset.done $0x0  }
0x35b: {  	[sflag:s21] =	ssyncadd.s32 $0xFFFFC000  }
0x35c: {  	[tilespmem:s18], [sflag:$0x1] =	stream.indirect.gather [hbm4b:s6+s17], $0x80, s28, s17, $0xb8;
	[tilespmem:$0x1D000] =	vst v63  }
0x35d: {  	_ = 	snop  }
0x35e: {  	[spmem:s2] =	stream.indirect.scatter.add.f32 [tilespmem:s20], [sflag:$0x3], $0x80, s29, s17, $0xb8;
	[tilespmem:$0x1D000] =	vst v63  }
0x35f: {  	_ =	swait.ge [sflag:s15], $0x4000  }
0x360: {  	[sflag:s15] =	ssyncset.done $0x0  }
0x361: {  	[sflag:s15] =	ssyncadd.s32 $0xFFFFC000  }
0x362: {  	_ =	swait.ge [sflag:s19], $0x4000  }
0x363: {  	[sflag:s19] =	ssyncset.done $0x0  }
0x364: {  	[sflag:s19] =	ssyncadd.s32 $0xFFFFC000  }
0x365: {  	[tilespmem:s20], [sflag:$0x2] =	stream.indirect.gather [hbm4b:s6+s17], $0x80, s30, s17, $0xb8;
	[tilespmem:$0x1D000] =	vst v63  }
0x366: {  	_ = 	snop  }
0x367: {  	[spmem:s2] =	stream.indirect.scatter.add.f32 [tilespmem:s18], [sflag:$0x3], $0x80, s31, s17, $0xb8;
	[tilespmem:$0x1D000] =	vst v63  }
0x368: {  	_ =	swait.ge [sflag:s15], $0x4000  }
0x369: {  	[sflag:s15] =	ssyncset.done $0x0  }
0x36a: {  	[sflag:s15] =	ssyncadd.s32 $0xFFFFC000  }
0x36b: {  	_ =	swait.ge [sflag:s21], $0x4000  }
0x36c: {  	[sflag:s21] =	ssyncset.done $0x0  }
0x36d: {  	[sflag:s21] =	ssyncadd.s32 $0xFFFFC000  }
0x36e: {  	[tilespmem:s18], [sflag:$0x1] =	stream.indirect.gather [hbm4b:s6+s17], $0x80, s0, s17, $0xb8;
	[tilespmem:$0x1D000] =	vst v63  }
0x36f: {  	_ = 	snop  }
0x370: {  	[spmem:s2] =	stream.indirect.scatter.add.f32 [tilespmem:s20], [sflag:$0x3], $0x80, s1, s17, $0xb8;
	[tilespmem:$0x1D000] =	vst v63  }
0x371: {  	_ =	swait.ge [sflag:s15], $0x4000  }
0x372: {  	[sflag:s15] =	ssyncset.done $0x0  }
0x373: {  	[sflag:s15] =	ssyncadd.s32 $0xFFFFC000  }
0x374: {  	_ =	swait.ge [sflag:s19], $0x4000  }
0x375: {  	[sflag:s19] =	ssyncset.done $0x0  }
0x376: {  	s4 =	simm.s32 $0x480;
	[sflag:s19] =	ssyncadd.s32 $0xFFFFC000  }
0x377: {  	[tilespmem:s20], [sflag:$0x2] =	stream.indirect.gather [hbm4b:s6+s17], $0x80, s4, s17, $0xb8;
	[tilespmem:$0x1D000] =	vst v63  }
0x378: {  	s4 =	simm.s32 $0xC00  }
0x379: {  	[spmem:s2] =	stream.indirect.scatter.add.f32 [tilespmem:s18], [sflag:$0x3], $0x80, s4, s17, $0xb8;
	[tilespmem:$0x1D000] =	vst v63  }
0x37a: {  	_ =	swait.ge [sflag:s15], $0x4000  }
0x37b: {  	[sflag:s15] =	ssyncset.done $0x0  }
0x37c: {  	[sflag:s15] =	ssyncadd.s32 $0xFFFFC000  }
0x37d: {  	_ =	swait.ge [sflag:s21], $0x4000  }
0x37e: {  	[sflag:s21] =	ssyncset.done $0x0  }
0x37f: {  	s4 =	simm.s32 $0x500;
	[sflag:s21] =	ssyncadd.s32 $0xFFFFC000  }
0x380: {  	[tilespmem:s18], [sflag:$0x1] =	stream.indirect.gather [hbm4b:s6+s17], $0x80, s4, s17, $0xb8;
	[tilespmem:$0x1D000] =	vst v63  }
0x381: {  	s4 =	simm.s32 $0xC80  }
0x382: {  	[spmem:s2] =	stream.indirect.scatter.add.f32 [tilespmem:s20], [sflag:$0x3], $0x80, s4, s17, $0xb8;
	[tilespmem:$0x1D000] =	vst v63  }
0x383: {  	_ =	swait.ge [sflag:s15], $0x4000  }
0x384: {  	[sflag:s15] =	ssyncset.done $0x0  }
0x385: {  	[sflag:s15] =	ssyncadd.s32 $0xFFFFC000  }
0x386: {  	_ =	swait.ge [sflag:s19], $0x4000  }
0x387: {  	[sflag:s19] =	ssyncset.done $0x0  }
0x388: {  	s4 =	simm.s32 $0x580;
	[sflag:s19] =	ssyncadd.s32 $0xFFFFC000  }
0x389: {  	[tilespmem:s20], [sflag:$0x2] =	stream.indirect.gather [hbm4b:s6+s17], $0x80, s4, s17, $0xb8;
	[tilespmem:$0x1D000] =	vst v63  }
0x38a: {  	s4 =	simm.s32 $0xD00  }
0x38b: {  	[spmem:s2] =	stream.indirect.scatter.add.f32 [tilespmem:s18], [sflag:$0x3], $0x80, s4, s17, $0xb8;
	[tilespmem:$0x1D000] =	vst v63  }
0x38c: {  	_ =	swait.ge [sflag:s15], $0x4000  }
0x38d: {  	[sflag:s15] =	ssyncset.done $0x0  }
0x38e: {  	[sflag:s15] =	ssyncadd.s32 $0xFFFFC000  }
0x38f: {  	_ =	swait.ge [sflag:s21], $0x4000  }
0x390: {  	[sflag:s21] =	ssyncset.done $0x0  }
0x391: {  	s4 =	simm.s32 $0x600;
	[sflag:s21] =	ssyncadd.s32 $0xFFFFC000  }
0x392: {  	[tilespmem:s18], [sflag:$0x1] =	stream.indirect.gather [hbm4b:s6+s17], $0x80, s4, s17, $0xb8;
	[tilespmem:$0x1D000] =	vst v63  }
0x393: {  	s4 =	simm.s32 $0xD80  }
0x394: {  	[spmem:s2] =	stream.indirect.scatter.add.f32 [tilespmem:s20], [sflag:$0x3], $0x80, s4, s17, $0xb8;
	[tilespmem:$0x1D000] =	vst v63  }
0x395: {  	_ =	swait.ge [sflag:s15], $0x4000  }
0x396: {  	[sflag:s15] =	ssyncset.done $0x0  }
0x397: {  	[sflag:s15] =	ssyncadd.s32 $0xFFFFC000  }
0x398: {  	_ =	swait.ge [sflag:s19], $0x4000  }
0x399: {  	[sflag:s19] =	ssyncset.done $0x0  }
0x39a: {  	s4 =	simm.s32 $0x680;
	[sflag:s19] =	ssyncadd.s32 $0xFFFFC000  }
0x39b: {  	[tilespmem:s20], [sflag:$0x2] =	stream.indirect.gather [hbm4b:s6+s17], $0x80, s4, s17, $0xb8;
	[tilespmem:$0x1D000] =	vst v63  }
0x39c: {  	s4 =	simm.s32 $0xE00  }
0x39d: {  	[spmem:s2] =	stream.indirect.scatter.add.f32 [tilespmem:s18], [sflag:$0x3], $0x80, s4, s17, $0xb8;
	[tilespmem:$0x1D000] =	vst v63  }
0x39e: {  	_ =	swait.ge [sflag:s15], $0x4000  }
0x39f: {  	[sflag:s15] =	ssyncset.done $0x0  }
0x3a0: {  	[sflag:s15] =	ssyncadd.s32 $0xFFFFC000  }
0x3a1: {  	_ =	swait.ge [sflag:s21], $0x4000  }
0x3a2: {  	[sflag:s21] =	ssyncset.done $0x0  }
0x3a3: {  	s4 =	simm.s32 $0x700;
	[sflag:s21] =	ssyncadd.s32 $0xFFFFC000  }
0x3a4: {  	[tilespmem:s18], [sflag:$0x1] =	stream.indirect.gather [hbm4b:s6+s17], $0x80, s4, s17, $0xb8;
	[tilespmem:$0x1D000] =	vst v63  }
0x3a5: {  	s4 =	simm.s32 $0xE80  }
0x3a6: {  	[spmem:s2] =	stream.indirect.scatter.add.f32 [tilespmem:s20], [sflag:$0x3], $0x80, s4, s17, $0xb8;
	[tilespmem:$0x1D000] =	vst v63  }
0x3a7: {  	_ =	swait.ge [sflag:s15], $0x4000  }
0x3a8: {  	[sflag:s15] =	ssyncset.done $0x0  }
0x3a9: {  	[sflag:s15] =	ssyncadd.s32 $0xFFFFC000  }
0x3aa: {  	_ =	swait.ge [sflag:s19], $0x4000  }
0x3ab: {  	[sflag:s19] =	ssyncset.done $0x0  }
0x3ac: {  	s4 =	simm.s32 $0x780;
	[sflag:s19] =	ssyncadd.s32 $0xFFFFC000  }
0x3ad: {  	[tilespmem:s20], [sflag:$0x2] =	stream.indirect.gather [hbm4b:s6+s17], $0x80, s4, s17, $0xb8;
	[tilespmem:$0x1D000] =	vst v63  }
0x3ae: {  	s4 =	simm.s32 $0xF00  }
0x3af: {  	[spmem:s2] =	stream.indirect.scatter.add.f32 [tilespmem:s18], [sflag:$0x3], $0x80, s4, s17, $0xb8;
	[tilespmem:$0x1D000] =	vst v63  }
0x3b0: {  	_ =	swait.ge [sflag:s15], $0x4000  }
0x3b1: {  	[sflag:s15] =	ssyncset.done $0x0  }
0x3b2: {  	[sflag:s15] =	ssyncadd.s32 $0xFFFFC000  }
0x3b3: {  	_ =	swait.ge [sflag:s21], $0x4000  }
.Ltmp5:
0x3b4: {  	[sflag:s21] =	ssyncset.done $0x0;
	(pc) =	sbr.rel @p1 .LBB2_6-.Ltmp5, $4  }
0x3b5: {  	s4 =	simm.s32 $0xF80;
	[sflag:s21] =	ssyncadd.s32 $0xFFFFC000  }
0x3b6: {  	[spmem:s2] =	stream.indirect.scatter.add.f32 [tilespmem:s20], [sflag:$0x3], $0x80, s4, s17, $0xb8;
	[tilespmem:$0x1D000] =	vst v63  }
0x3b7: {  	_ =	swait.ge [sflag:s15], $0x4000  }
0x3b8: {  	s9 =	smov.u32 s8;
	[sflag:s15] =	ssyncset.done $0x0  }
.Ltmp6:
0x3b9: {  	_ = 	snop;
	(pc) =	sbr.rel .LBB2_7-.Ltmp6, $1  }
0x3ba: {  	_ =	sdelay $0x3  }
.LBB2_9:
0x3bb: {  	_ =	sfence.sel $0x180000  }
0x3bc: {  	[bflag:$0x0] =	sbarrier.arrive $0xFFFF  }
0x3bd: {  	_ =	strace $0x9000004D  }
0x3be: {  	s0 =	stileid.u32;
	[bflag:$0x2] =	sbarrier.arrive $0xFFFF  }
0x3bf: {  	p0 =	sne.s32 s0, $0x0;
	s0 =	rddreg [dreg:$0x4]  }
0x3c0: {  	s0 =	sadd.s32 @!p0 $0x100000, s0  }
0x3c1: {  	[sflag:s0] =	ssyncadd.tile.s32 @!p0 $0x1;
	_ =	shalt  }
.Lfunc_end2:
_tile_overlayer_lowered:
.L_overlay_start_2:
0x3c2: {  	(tag) =	ssettag $0x2  }
0x3c3: {  	s0 =	rddreg [dreg:$0x0];
	s2 =	stileid.u32  }
0x3c4: {  	s1 =	rddreg [dreg:$0x1];
	p0 =	sne.s32 s2, $0x0  }
0x3c5: {  	s3 =	rddreg [dreg:$0x2];
	[bflag:$0x3] =	sbarrier.arrive $0xFFFF;
	s2 =	simm.s32 @!p0 $0x1C03  }
0x3c6: {  	[timem:s3], [sflag:s2] =	dma.local @!p0 [hbm:s0], s1  }
0x3c7: {  	s0 =	simm.s32 @!p0 $0x3  }
0x3c8: {  	_ =	swait.ge @!p0 [sflag:s0], s1  }
0x3c9: {  	s1 =	ssub.s32 @!p0 $0x0, s1;
	[sflag:s0] =	ssyncset.done @!p0 $0x0  }
0x3ca: {  	[sflag:s0] =	ssyncadd.s32 @!p0 s1  }
0x3cb: {  	[bflag:$0x3] =	sbarrier.arrive $0xFFFF  }
0x3cc: {  	_ =	shalt  }

// kernel: kernel.8.cloned.1.call-start
scs
__scs_entry_jumppad:
0x0: {  	(pc) =	sbr.rel $0x88, $3  }
0x1: {  	(tag) =	ssettag $0x0;
	lr =	simm.s32 $0x1  }
0x2: {  	[smem:$0x3F92] =	sst lr;
	_ =	strace $0xD0000000  }
0x3: {  	_ = 	snop  }
0x4: {  	_ = 	snop  }
0x5: {  	_ = 	snop  }
0x6: {  	_ = 	snop  }
0x7: {  	_ = 	snop  }
__scs_overlays_trampoline_lowered:
0x8: {  	[smem:$0x3FA1] =	sst s0  }
0x9: {  	[smem:$0x3FA2] =	sst s1  }
0xa: {  	[smem:$0x3FA3] =	sst s2  }
0xb: {  	[smem:$0x3FA4] =	sst s3  }
0xc: {  	[smem:$0x3FA5] =	sst s4  }
0xd: {  	[smem:$0x3FA6] =	sst s5  }
0xe: {  	[smem:$0x3FA7] =	sst s6  }
0xf: {  	[smem:$0x3FA8] =	sst s7  }
0x10: {  	[smem:$0x3FA9] =	sst s8  }
0x11: {  	[smem:$0x3FAA] =	sst s9;
	s0 =	simm.s32 @!p0 $0x0  }
0x12: {  	s1 =	sld [smem:$0x3F90];
	s0 =	simm.s32 @p0 $0x1  }
0x13: {  	[smem:$0x3FAB] =	sst s0;
	s0 =	simm.s32 @!p1 $0x0  }
0x14: {  	s2 =	sld [smem:$0x3F8F];
	s0 =	simm.s32 @p1 $0x1  }
0x15: {  	[smem:$0x3FAC] =	sst s0;
	s0 =	simm.s32 @!p2 $0x0  }
0x16: {  	s3 =	sld [smem:$0x3FDB];
	s0 =	simm.s32 @p2 $0x1  }
0x17: {  	s4 =	simm.s32 $0x1BF5;
	[smem:$0x3FAE] =	sst s0  }
0x18: {  	s0 =	sld [smem:$0x3F91];
	_ =	swait.ge [sflag:s4], $0x0  }
0x19: {  	s7 =	sld [smem:$0x3F92]  }
0x1a: {  	s8 =	sadd.s32 $0xFFFFE003, lr  }
0x1b: {  	s9 =	sadd.s32 $0xFFFFFEF7, lr;
	s5 =	simm.s32 $0xFFFFFFFF;
	p2 =	slt.u32 s8, $0xFFFFF086  }
0x1c: {  	p1 =	slt.u32 s9, $0xF7A;
	s5 =	simm.s32 @!p2 $0x0  }
0x1d: {  	s5 =	simm.s32 @p1 $0x1;
	p0 =	seq.s32 s7, s2  }
0x1e: {  	s7 =	smul.u32 @!p0 $0xF7A, s2;
	p2 =	seq.s32 @!p0 s5, $0x0  }
0x1f: {  	s9 =	smul.u32 $0xF7A, s1;
	s8 =	simm.s32 @!p0 $0x1BF5;
	p2 =	por !p2, p0  }
0x20: {  	[sflag:s8] =	ssyncset.s32 @!p0 $0xFFFFF086;
	s6 =	sadd.s32 @!p0 s3, s7;
	s7 =	simm.s32 @!p0 $0x108  }
0x21: {  	s3 =	sadd.s32 s3, s9;
	s6 =	sadd.s32 @!p0 $0x88, s6;
	s7 =	simm.s32 @p2 $0x1082  }
0x22: {  	[simem:s7], [sflag:s8] =	dma.local @!p0 [hbm:s6], $0xF7A  }
0x23: {  	s9 =	sor.u32 $0xD0000000, s2;
	s6 =	simm.s32 $0x108;
	_ =	swait.ge @!p0 [sflag:s8], $0x0  }
0x24: {  	s3 =	sadd.s32 $0x88, s3;
	s6 =	simm.s32 @!p1 $0x1082;
	[sflag:s4] =	ssyncset.s32 $0xFFFFF086  }
0x25: {  	[simem:s6], [sflag:s4] =	dma.local [hbm:s3], $0xF7A  }
0x26: {  	[smem:$0x3F92] =	sst s1;
	(tag) =	ssettag s2;
	_ =	strace s9  }
0x27: {  	s1 =	sld [smem:$0x3FA2]  }
0x28: {  	s2 =	sld [smem:$0x3FA3]  }
0x29: {  	s4 =	sld [smem:$0x3FA5]  }
0x2a: {  	p0 =	seq.s32 s5, $0x0;
	s5 =	sld [smem:$0x3FA6]  }
0x2b: {  	s6 =	sld [smem:$0x3FA7]  }
0x2c: {  	s7 =	sld [smem:$0x3FA8]  }
0x2d: {  	s3 =	simm.s32 $0x108;
	s8 =	sld [smem:$0x3FA9]  }
0x2e: {  	s3 =	simm.s32 @!p0 $0x1082;
	s9 =	sld [smem:$0x3FAA]  }
0x2f: {  	lr =	sadd.s32 s0, s3;
	s0 =	sld [smem:$0x3FA1]  }
0x30: {  	s3 =	sld [smem:$0x3FA4]  }
0x31: {  	[smem:$0x3FAD] =	sst s10  }
0x32: {  	s10 =	sld [smem:$0x3FAB];
	_ =	sdelay $0x3  }
0x33: {  	p0 =	seq.s32 s10, $0x1;
	s10 =	sld [smem:$0x3FAD];
	_ =	sdelay $0x3  }
0x34: {  	[smem:$0x3FAD] =	sst s10  }
0x35: {  	s10 =	sld [smem:$0x3FAC];
	_ =	sdelay $0x3  }
0x36: {  	p1 =	seq.s32 s10, $0x1;
	s10 =	sld [smem:$0x3FAD];
	_ =	sdelay $0x3  }
0x37: {  	[smem:$0x3FAD] =	sst s10  }
0x38: {  	s10 =	sld [smem:$0x3FAE]  }
0x39: {  	_ = 	snop;
	(pc) =	sbr.ind lr, $3  }
0x3a: {  	_ = 	snop  }
0x3b: {  	_ = 	snop  }
0x3c: {  	p2 =	seq.s32 s10, $0x1;
	s10 =	sld [smem:$0x3FAD]  }
0x3d: {  	_ =	shalt  }
0x3e: {  	_ =	shalt  }
0x3f: {  	_ =	shalt  }
0x40: {  	_ =	shalt  }
0x41: {  	_ =	shalt  }
0x42: {  	_ =	shalt  }
0x43: {  	_ =	shalt  }
0x44: {  	_ =	shalt  }
0x45: {  	_ =	shalt  }
0x46: {  	_ =	shalt  }
0x47: {  	_ =	shalt  }
0x48: {  	_ =	shalt  }
0x49: {  	_ =	shalt  }
0x4a: {  	_ =	shalt  }
0x4b: {  	_ =	shalt  }
0x4c: {  	_ =	shalt  }
0x4d: {  	_ =	shalt  }
0x4e: {  	_ =	shalt  }
0x4f: {  	_ =	shalt  }
0x50: {  	_ =	shalt  }
0x51: {  	_ =	shalt  }
0x52: {  	_ =	shalt  }
0x53: {  	_ =	shalt  }
0x54: {  	_ =	shalt  }
0x55: {  	_ =	shalt  }
0x56: {  	_ =	shalt  }
0x57: {  	_ =	shalt  }
0x58: {  	_ =	shalt  }
0x59: {  	_ =	shalt  }
0x5a: {  	_ =	shalt  }
0x5b: {  	_ =	shalt  }
0x5c: {  	_ =	shalt  }
0x5d: {  	_ =	shalt  }
0x5e: {  	_ =	shalt  }
0x5f: {  	_ =	shalt  }
0x60: {  	_ =	shalt  }
0x61: {  	_ =	shalt  }
0x62: {  	_ =	shalt  }
0x63: {  	_ =	shalt  }
0x64: {  	_ =	shalt  }
0x65: {  	_ =	shalt  }
0x66: {  	_ =	shalt  }
0x67: {  	_ =	shalt  }
0x68: {  	_ =	shalt  }
0x69: {  	_ =	shalt  }
0x6a: {  	_ =	shalt  }
0x6b: {  	_ =	shalt  }
0x6c: {  	_ =	shalt  }
0x6d: {  	_ =	shalt  }
0x6e: {  	_ =	shalt  }
0x6f: {  	_ =	shalt  }
0x70: {  	_ =	shalt  }
0x71: {  	_ =	shalt  }
0x72: {  	_ =	shalt  }
0x73: {  	_ =	shalt  }
0x74: {  	_ =	shalt  }
0x75: {  	_ =	shalt  }
0x76: {  	_ =	shalt  }
0x77: {  	_ =	shalt  }
0x78: {  	_ =	shalt  }
0x79: {  	_ =	shalt  }
0x7a: {  	_ =	shalt  }
0x7b: {  	_ =	shalt  }
0x7c: {  	_ =	shalt  }
0x7d: {  	_ =	shalt  }
0x7e: {  	_ =	shalt  }
0x7f: {  	_ =	shalt  }
0x80: {  	_ =	shalt  }
0x81: {  	_ =	shalt  }
0x82: {  	_ =	shalt  }
0x83: {  	_ =	shalt  }
0x84: {  	_ =	shalt  }
0x85: {  	_ =	shalt  }
0x86: {  	_ =	shalt  }
0x87: {  	_ =	shalt  }
.Lfunc_end0:
.L_simem_size_0:
called_computation_lowered:
.L_overlay_start_0:
0x88: {  	s2 =	sld [smem:$0x3FD9]  }
0x89: {  	s3 =	sld [smem:$0x3FFE];
	_ =	sdelay $0x1  }
0x8a: {  	s1 =	srdreg.scid  }
0x8b: {  	s0 =	sand.u32 $0x1, s1  }
0x8c: {  	s14 =	sshll.u32 s0, $0xA;
	s2 =	sadd.s32 s3, s2  }
0x8d: {  	s2 =	sadd.s32 s2, s14  }
0x8e: {  	[smem:$0x3FB9] =	sst s2  }
0x8f: {  	_ = 	snop  }
0x90: {  	s2 =	sld [smem:$0x3FD0];
	_ =	sdelay $0x2  }
0x91: {  	s15 =	simm.s32 $0xA;
	s4 =	simm.s32 $0x10  }
0x92: {  	[smem:s4], [sflag:s15] =	dma.local [hbm:s2], $0x1  }
0x93: {  	_ =	swait.eq [sflag:s15], $0x1  }
0x94: {  	s16 =	sld [smem:$0x10];
	[sflag:s15] =	ssyncset.done $0x0  }
0x95: {  	s17 =	sld [smem:$0x11];
	[sflag:s15] =	ssyncadd.s32 $0xFFFFFFFF  }
0x96: {  	s18 =	sld [smem:$0x12];
	(tm) =	ssettm $0x1  }
0x97: {  	s5 =	sld [smem:$0x3FFB];
	_ =	sdelay $0x3  }
0x98: {  	_ =	strace s5  }
0x99: {  	s5 =	sld [smem:$0x3FFC];
	_ =	sdelay $0x3  }
0x9a: {  	_ =	strace s5  }
0x9b: {  	s5 =	sld [smem:$0x3FFD];
	_ =	sdelay $0x3  }
0x9c: {  	_ =	strace s5  }
0x9d: {  	_ =	strace $0x8FFFFFFF  }
0x9e: {  	s19 =	sld [smem:$0x3FDB];
	_ =	sdelay $0x1  }
0x9f: {  	s6 =	simm.s32 $_scs_section_size  }
0xa0: {  	s7 =	simm.s32 $_size__tile_overlayer_lowered;
	s8 =	simm.s32 $_tile_overlayer_lowered  }
0xa1: {  	s22 =	simm.s32 $0x1BFF;
	s21 =	sshll.u32 s8, $0x1;
	s5 =	sadd.s32 s6, s19  }
0xa2: {  	s9 =	simm.s32 $0x0;
	s20 =	sshll.u32 s7, $0x1;
	s7 =	sadd.s32 s21, s5  }
0xa3: {  	[timem:s9], [sflag:s22] =	dma.local [hbm:s7], s20  }
0xa4: {  	_ =	swait.ge [sflag:s22], s20  }
0xa5: {  	s6 =	ssub.s32 $0x0, s20;
	[sflag:s22] =	ssyncset.done $0x0  }
0xa6: {  	[sflag:s22] =	ssyncadd.s32 s6;
	_ =	sdelay $0x1  }
0xa7: {  	s23 =	simm.s32 $0x1B8B  }
0xa8: {  	_ =	swait.ge [sflag:s23], $0x1  }
0xa9: {  	[sflag:s23] =	ssyncset.done $0x0  }
0xaa: {  	s25 =	simm.s32 $0x1B8E;
	s24 =	sld [smem:$0x3FFE];
	[sflag:s23] =	ssyncadd.s32 $0xFFFFFFFF  }
0xab: {  	s26 =	simm.s32 $execute0_lowered;
	[smem:$0x3FD2] =	sst s25  }
0xac: {  	s7 =	sshll.u32 s26, $0x1;
	_ =	strace $0x80000046;
	[dreg:$0x1] =	wrdreg $0xFFFFFFFF  }
0xad: {  	s28 =	simm.s32 $_size_execute0_lowered;
	s5 =	sadd.s32 s5, s7;
	[dreg:$0x0] =	wrdreg $0x0  }
0xae: {  	s7 =	sshll.u32 s28, $0x1;
	[dreg:$0x2] =	wrdreg s5  }
0xaf: {  	[dreg:$0x3] =	wrdreg s7  }
0xb0: {  	[dreg:$0x4] =	wrdreg $0xC0  }
0xb1: {  	_ =	task [dreg:s9], $0x5FFFF  }
0xb2: {  	[dreg:$0x1] =	wrdreg $0xFFFFFFFF  }
0xb3: {  	[dreg:$0x0] =	wrdreg $0x60  }
0xb4: {  	[dreg:$0x2] =	wrdreg s18  }
0xb5: {  	[dreg:$0x3] =	wrdreg s24  }
0xb6: {  	[dreg:$0x4] =	wrdreg s17  }
0xb7: {  	[dreg:$0x5] =	wrdreg s16  }
0xb8: {  	[dreg:$0x6] =	wrdreg $0x50800  }
0xb9: {  	[dreg:$0x7] =	wrdreg $0x9  }
0xba: {  	_ =	task.clear_ibuf [dreg:s9], $0x8FFFF;
	_ =	strace $0x90000046  }
0xbb: {  	s29 =	simm.s32 $0x9;
	_ =	strace $0x80000048  }
0xbc: {  	_ =	swait.ge [sflag:s29], $0x1  }
0xbd: {  	[sflag:s29] =	ssyncadd.s32 $0xFFFFFFFF  }
0xbe: {  	_ =	strace $0x90000048  }
0xbf: {  	_ =	sfence  }
0xc0: {  	s30 =	sld [smem:$0x0];
	_ =	sdelay $0x2  }
0xc1: {  	s31 =	sshll.u32 s1, $0xD;
	s1 =	sshrl.u32 s1, $0x2  }
0xc2: {  	s3 =	sand.u32 $0x4000, s31;
	s1 =	sadd.s32 s1, s30  }
0xc3: {  	s0 =	sor.u32 s3, s0;
	s1 =	sshll.u32 s1, $0x11  }
0xc4: {  	s0 =	sor.u32 s1, s0  }
0xc5: {  	s0 =	sadd.s32 $0x8F2B, s0  }
0xc6: {  	[sflag:s0] =	ssyncadd.remote.s32 $0x1  }
0xc7: {  	_ =	sfence.sel $0xFFFF  }
0xc8: {  	[dreg:$0x0] =	wrdreg $0xFFFFFFFF;
	(pc) =	sbr.abs _section_cstart, $3  }
0xc9: {  	[dreg:$0x1] =	wrdreg $0xFFFFFFFF  }
0xca: {  	_ =	task.clear_ibuf [dreg:s9], $0x2FFFF;
	_ =	strace $0x9FFFFFFF  }
0xcb: {  	(tm) =	ssettm $0x7FFFFFFF  }
tec
execute0_lowered:
.L_overlay_start_1:
0x0: {  	(tag) =	ssettag $0x1  }
0x1: {  	s1 =	srdreg.scid  }
0x2: {  	s5 =	rddreg [dreg:$0x0];
	s1 =	sand.u32 $0x1, s1  }
0x3: {  	s4 =	rddreg [dreg:$0x1];
	p0 =	seq.s32 s1, $0x1  }
.Ltmp0:
0x4: {  	s3 =	rddreg [dreg:$0x2];
	(pc) =	sbr.rel @p0 .LBB2_4-.Ltmp0, $4  }
0x5: {  	s8 =	rddreg [dreg:$0x3]  }
0x6: {  	s2 =	rddreg [dreg:$0x4];
	s6 =	simm.s32 $0x0  }
0x7: {  	[smem:$0x7FF] =	sst s6  }
0x8: {  	s0 =	rddreg [dreg:$0x5];
	_ =	strace $0x80000047;
	s1 =	stileid.u32  }
0x9: {  	s7 =	smul.u32 $0xA00, s1;
	_ =	sdelay $0x1  }
0xa: {  	s20 =	simm.s32 $0x2;
	s5 =	sadd.s32 s5, s7  }
0xb: {  	[tilespmem:s6], [sflag:$0x2] =	stream.linear.gather [hbm4b:s5+s6], $0x5000, $0x38;
	[tilespmem:$0x5300] =	vst v63  }
0xc: {  	_ =	swait.ge [sflag:s20], $0x5000  }
0xd: {  	s4 =	sadd.s32 $0x4000, s4;
	[sflag:s20] =	ssyncset.done $0x0  }
0xe: {  	s9 =	smul.u32 $0x280, s1;
	s5 =	simm.s32 $0x5000;
	[sflag:s20] =	ssyncadd.s32 $0xFFFFB000  }
0xf: {  	[tilespmem:s5], [sflag:$0x2] =	stream.linear.gather [hbm4b:s4+s6], $0x80, $0x38;
	[tilespmem:$0x5300] =	vst v63  }
0x10: {  	s21 =	sadd.s32 s9, s2;
	s9 =	sshrl.u32 s9, $0x3;
	_ =	swait.ge [sflag:s20], $0x80  }
0x11: {  	s23 =	sshll.u32 s1, $0x6;
	s22 =	sadd.s32 s3, s9;
	[sflag:s20] =	ssyncset.done $0x0  }
0x12: {  	s3 =	sor.u32 $0x1C02, s23;
	s4 =	sshrl.u32 s21, $0x3;
	[sflag:s20] =	ssyncadd.s32 $0xFFFFFF80  }
0x13: {  	[spmem:s4], [sflag:s3] =	dma.local [hbm:s22], $0x50  }
0x14: {  	_ =	swait.ge [sflag:s20], $0x50  }
0x15: {  	[sflag:s20] =	ssyncset.done $0x0  }
0x16: {  	[sflag:s20] =	ssyncadd.s32 $0xFFFFFFB0  }
0x17: {  	s24 =	simm.s32 $0x0;
	s7 =	simm.s32 $0x80;
	[bflag:$0x0] =	sbarrier.arrive $0xFFFF  }
0x18: {  	[spmem:s2] =	stream.indirect.scatter.add.f32 [tilespmem:s5], [sflag:$0x1], $0x1, s24, s7, $0xb8;
	[tilespmem:$0x5300] =	vst v63  }
0x19: {  	s25 =	simm.s32 $0x80  }
0x1a: {  	[spmem:s2] =	stream.indirect.scatter.add.f32 [tilespmem:s5], [sflag:$0x1], $0x1, s25, s7, $0xb8;
	[tilespmem:$0x5300] =	vst v63  }
0x1b: {  	s26 =	simm.s32 $0x100  }
0x1c: {  	[spmem:s2] =	stream.indirect.scatter.add.f32 [tilespmem:s5], [sflag:$0x1], $0x1, s26, s7, $0xb8;
	[tilespmem:$0x5300] =	vst v63  }
0x1d: {  	s28 =	simm.s32 $0x180  }
0x1e: {  	[spmem:s2] =	stream.indirect.scatter.add.f32 [tilespmem:s5], [sflag:$0x1], $0x1, s28, s7, $0xb8;
	[tilespmem:$0x5300] =	vst v63  }
0x1f: {  	s29 =	simm.s32 $0x200  }
0x20: {  	[spmem:s2] =	stream.indirect.scatter.add.f32 [tilespmem:s5], [sflag:$0x1], $0x1, s29, s7, $0xb8;
	[tilespmem:$0x5300] =	vst v63  }
0x21: {  	s30 =	simm.s32 $0x280  }
0x22: {  	[spmem:s2] =	stream.indirect.scatter.add.f32 [tilespmem:s5], [sflag:$0x1], $0x1, s30, s7, $0xb8;
	[tilespmem:$0x5300] =	vst v63  }
0x23: {  	s31 =	simm.s32 $0x300  }
0x24: {  	[spmem:s2] =	stream.indirect.scatter.add.f32 [tilespmem:s5], [sflag:$0x1], $0x1, s31, s7, $0xb8;
	[tilespmem:$0x5300] =	vst v63  }
0x25: {  	s10 =	simm.s32 $0x380;
	s6 =	simm.s32 $0x1  }
0x26: {  	[spmem:s2] =	stream.indirect.scatter.add.f32 [tilespmem:s5], [sflag:$0x1], $0x1, s10, s7, $0xb8;
	[tilespmem:$0x5300] =	vst v63  }
0x27: {  	_ =	swait.ge [sflag:s6], $0x80  }
0x28: {  	[sflag:s6] =	ssyncset.done $0x0  }
0x29: {  	[sflag:s6] =	ssyncadd.s32 $0xFFFFFF80  }
0x2a: {  	_ =	swait.ge [sflag:s6], $0x80  }
0x2b: {  	[sflag:s6] =	ssyncset.done $0x0  }
0x2c: {  	[sflag:s6] =	ssyncadd.s32 $0xFFFFFF80  }
0x2d: {  	_ =	swait.ge [sflag:s6], $0x80  }
0x2e: {  	[sflag:s6] =	ssyncset.done $0x0  }
0x2f: {  	[sflag:s6] =	ssyncadd.s32 $0xFFFFFF80  }
0x30: {  	_ =	swait.ge [sflag:s6], $0x80  }
0x31: {  	[sflag:s6] =	ssyncset.done $0x0  }
0x32: {  	[sflag:s6] =	ssyncadd.s32 $0xFFFFFF80  }
0x33: {  	_ =	swait.ge [sflag:s6], $0x80  }
0x34: {  	[sflag:s6] =	ssyncset.done $0x0  }
0x35: {  	[sflag:s6] =	ssyncadd.s32 $0xFFFFFF80  }
0x36: {  	_ =	swait.ge [sflag:s6], $0x80  }
0x37: {  	[sflag:s6] =	ssyncset.done $0x0  }
0x38: {  	[sflag:s6] =	ssyncadd.s32 $0xFFFFFF80  }
0x39: {  	_ =	swait.ge [sflag:s6], $0x80  }
0x3a: {  	[sflag:s6] =	ssyncset.done $0x0  }
0x3b: {  	[sflag:s6] =	ssyncadd.s32 $0xFFFFFF80  }
0x3c: {  	s11 =	simm.s32 $0x2000;
	_ =	swait.ge [sflag:s6], $0x80  }
0x3d: {  	s8 =	sadd.s32 s8, s9;
	s9 =	simm.s32 $0x1000;
	[sflag:s6] =	ssyncset.done $0x0  }
.LBB2_2:
0x3e: {  	s12 =	sshra.s32 s9, $0x2  }
0x3f: {  	[sflag:s6] =	ssyncadd.s32 $0xFFFFFF80;
	s9 =	smov.u32 s11;
	s10 =	sadd.s32 $0x1000, s11  }
0x40: {  	[spmem:s2] =	stream.indirect.scatter.add.f32 [tilespmem:s5], [sflag:$0x1], $0x1, s12, s7, $0xb8;
	[tilespmem:$0x5300] =	vst v63  }
0x41: {  	p0 =	sne.s32 s11, $0x13000;
	s11 =	sadd.s32 $0x80, s12  }
0x42: {  	[spmem:s2] =	stream.indirect.scatter.add.f32 [tilespmem:s5], [sflag:$0x1], $0x1, s11, s7, $0xb8;
	[tilespmem:$0x5300] =	vst v63  }
0x43: {  	s11 =	sadd.s32 $0x100, s12  }
0x44: {  	[spmem:s2] =	stream.indirect.scatter.add.f32 [tilespmem:s5], [sflag:$0x1], $0x1, s11, s7, $0xb8;
	[tilespmem:$0x5300] =	vst v63  }
0x45: {  	s11 =	sadd.s32 $0x180, s12  }
0x46: {  	[spmem:s2] =	stream.indirect.scatter.add.f32 [tilespmem:s5], [sflag:$0x1], $0x1, s11, s7, $0xb8;
	[tilespmem:$0x5300] =	vst v63  }
0x47: {  	s11 =	sadd.s32 $0x200, s12  }
0x48: {  	[spmem:s2] =	stream.indirect.scatter.add.f32 [tilespmem:s5], [sflag:$0x1], $0x1, s11, s7, $0xb8;
	[tilespmem:$0x5300] =	vst v63  }
0x49: {  	s11 =	sadd.s32 $0x280, s12  }
0x4a: {  	[spmem:s2] =	stream.indirect.scatter.add.f32 [tilespmem:s5], [sflag:$0x1], $0x1, s11, s7, $0xb8;
	[tilespmem:$0x5300] =	vst v63  }
0x4b: {  	s11 =	sadd.s32 $0x300, s12  }
0x4c: {  	[spmem:s2] =	stream.indirect.scatter.add.f32 [tilespmem:s5], [sflag:$0x1], $0x1, s11, s7, $0xb8;
	[tilespmem:$0x5300] =	vst v63  }
0x4d: {  	s11 =	sadd.s32 $0x380, s12  }
0x4e: {  	[spmem:s2] =	stream.indirect.scatter.add.f32 [tilespmem:s5], [sflag:$0x1], $0x1, s11, s7, $0xb8;
	[tilespmem:$0x5300] =	vst v63  }
0x4f: {  	_ =	swait.ge [sflag:s6], $0x80  }
0x50: {  	[sflag:s6] =	ssyncset.done $0x0  }
0x51: {  	[sflag:s6] =	ssyncadd.s32 $0xFFFFFF80  }
0x52: {  	_ =	swait.ge [sflag:s6], $0x80  }
0x53: {  	[sflag:s6] =	ssyncset.done $0x0  }
0x54: {  	[sflag:s6] =	ssyncadd.s32 $0xFFFFFF80  }
0x55: {  	_ =	swait.ge [sflag:s6], $0x80  }
0x56: {  	[sflag:s6] =	ssyncset.done $0x0  }
0x57: {  	[sflag:s6] =	ssyncadd.s32 $0xFFFFFF80  }
0x58: {  	_ =	swait.ge [sflag:s6], $0x80  }
0x59: {  	[sflag:s6] =	ssyncset.done $0x0  }
0x5a: {  	[sflag:s6] =	ssyncadd.s32 $0xFFFFFF80  }
0x5b: {  	_ =	swait.ge [sflag:s6], $0x80  }
0x5c: {  	[sflag:s6] =	ssyncset.done $0x0  }
0x5d: {  	[sflag:s6] =	ssyncadd.s32 $0xFFFFFF80  }
0x5e: {  	_ =	swait.ge [sflag:s6], $0x80  }
0x5f: {  	[sflag:s6] =	ssyncset.done $0x0  }
0x60: {  	[sflag:s6] =	ssyncadd.s32 $0xFFFFFF80  }
.Ltmp1:
0x61: {  	_ =	swait.ge [sflag:s6], $0x80;
	(pc) =	sbr.rel @p0 .LBB2_2-.Ltmp1, $4  }
0x62: {  	[sflag:s6] =	ssyncset.done $0x0  }
0x63: {  	[sflag:s6] =	ssyncadd.s32 $0xFFFFFF80  }
0x64: {  	_ =	swait.ge [sflag:s6], $0x80  }
0x65: {  	s11 =	smov.u32 s10;
	[sflag:s6] =	ssyncset.done $0x0  }
0x66: {  	s9 =	sshra.s32 s9, $0x2;
	[sflag:s6] =	ssyncadd.s32 $0xFFFFFF80  }
0x67: {  	[spmem:s2] =	stream.indirect.scatter.add.f32 [tilespmem:s5], [sflag:$0x1], $0x1, s9, s7, $0xb8;
	[tilespmem:$0x5300] =	vst v63  }
0x68: {  	s10 =	sadd.s32 $0x80, s9  }
0x69: {  	[spmem:s2] =	stream.indirect.scatter.add.f32 [tilespmem:s5], [sflag:$0x1], $0x1, s10, s7, $0xb8;
	[tilespmem:$0x5300] =	vst v63  }
0x6a: {  	s25 =	sadd.s32 $0x100, s9  }
0x6b: {  	[spmem:s2] =	stream.indirect.scatter.add.f32 [tilespmem:s5], [sflag:$0x1], $0x1, s25, s7, $0xb8;
	[tilespmem:$0x5300] =	vst v63  }
0x6c: {  	s26 =	sadd.s32 $0x180, s9  }
0x6d: {  	[spmem:s2] =	stream.indirect.scatter.add.f32 [tilespmem:s5], [sflag:$0x1], $0x1, s26, s7, $0xb8;
	[tilespmem:$0x5300] =	vst v63  }
0x6e: {  	s28 =	sadd.s32 $0x200, s9  }
0x6f: {  	[spmem:s2] =	stream.indirect.scatter.add.f32 [tilespmem:s5], [sflag:$0x1], $0x1, s28, s7, $0xb8;
	[tilespmem:$0x5300] =	vst v63  }
0x70: {  	s29 =	sadd.s32 $0x280, s9  }
0x71: {  	[spmem:s2] =	stream.indirect.scatter.add.f32 [tilespmem:s5], [sflag:$0x1], $0x1, s29, s7, $0xb8;
	[tilespmem:$0x5300] =	vst v63  }
0x72: {  	s30 =	sadd.s32 $0x300, s9  }
0x73: {  	[spmem:s2] =	stream.indirect.scatter.add.f32 [tilespmem:s5], [sflag:$0x1], $0x1, s30, s7, $0xb8;
	[tilespmem:$0x5300] =	vst v63  }
0x74: {  	s9 =	sadd.s32 $0x380, s9  }
0x75: {  	[spmem:s2] =	stream.indirect.scatter.add.f32 [tilespmem:s5], [sflag:$0x1], $0x1, s9, s7, $0xb8;
	[tilespmem:$0x5300] =	vst v63  }
0x76: {  	_ =	swait.ge [sflag:s6], $0x80  }
0x77: {  	[sflag:s6] =	ssyncset.done $0x0  }
0x78: {  	[sflag:s6] =	ssyncadd.s32 $0xFFFFFF80  }
0x79: {  	_ =	swait.ge [sflag:s6], $0x80  }
0x7a: {  	[sflag:s6] =	ssyncset.done $0x0  }
0x7b: {  	[sflag:s6] =	ssyncadd.s32 $0xFFFFFF80  }
0x7c: {  	_ =	swait.ge [sflag:s6], $0x80  }
0x7d: {  	[sflag:s6] =	ssyncset.done $0x0  }
0x7e: {  	[sflag:s6] =	ssyncadd.s32 $0xFFFFFF80  }
0x7f: {  	_ =	swait.ge [sflag:s6], $0x80  }
0x80: {  	[sflag:s6] =	ssyncset.done $0x0  }
0x81: {  	[sflag:s6] =	ssyncadd.s32 $0xFFFFFF80  }
0x82: {  	_ =	swait.ge [sflag:s6], $0x80  }
0x83: {  	[sflag:s6] =	ssyncset.done $0x0  }
0x84: {  	[sflag:s6] =	ssyncadd.s32 $0xFFFFFF80  }
0x85: {  	_ =	swait.ge [sflag:s6], $0x80  }
0x86: {  	[sflag:s6] =	ssyncset.done $0x0  }
0x87: {  	[sflag:s6] =	ssyncadd.s32 $0xFFFFFF80  }
0x88: {  	_ =	swait.ge [sflag:s6], $0x80  }
0x89: {  	[sflag:s6] =	ssyncset.done $0x0  }
0x8a: {  	[sflag:s6] =	ssyncadd.s32 $0xFFFFFF80  }
0x8b: {  	_ =	swait.ge [sflag:s6], $0x80  }
0x8c: {  	[sflag:s6] =	ssyncset.done $0x0  }
0x8d: {  	[sflag:s6] =	ssyncadd.s32 $0xFFFFFF80  }
0x8e: {  	s31 =	simm.s32 $0x2;
	[bflag:$0x0] =	sbarrier.arrive $0xFFFF  }
0x8f: {  	[hbm:s8], [sflag:s3] =	dma.local [spmem:s4], $0x50  }
0x90: {  	_ =	swait.ge [sflag:s31], $0x50  }
0x91: {  	[sflag:s31] =	ssyncset.done $0x0  }
0x92: {  	[sflag:s31] =	ssyncadd.s32 $0xFFFFFFB0  }
.LBB2_4:
0x93: {  	_ =	sfence.sel $0x180000  }
0x94: {  	[bflag:$0x0] =	sbarrier.arrive $0xFFFF  }
0x95: {  	p0 =	sne.s32 s1, $0x0;
	_ =	strace $0x90000047  }
0x96: {  	s0 =	sadd.s32 @!p0 $0x100000, s0;
	[bflag:$0x2] =	sbarrier.arrive $0xFFFF  }
0x97: {  	[sflag:s0] =	ssyncadd.tile.s32 @!p0 $0x1;
	_ =	shalt  }
.Lfunc_end2:
_tile_overlayer_lowered:
.L_overlay_start_2:
0x98: {  	(tag) =	ssettag $0x2  }
0x99: {  	s0 =	rddreg [dreg:$0x0];
	s2 =	stileid.u32  }
0x9a: {  	s1 =	rddreg [dreg:$0x1];
	p0 =	sne.s32 s2, $0x0  }
0x9b: {  	s3 =	rddreg [dreg:$0x2];
	[bflag:$0x3] =	sbarrier.arrive $0xFFFF;
	s2 =	simm.s32 @!p0 $0x1C02  }
0x9c: {  	[timem:s3], [sflag:s2] =	dma.local @!p0 [hbm:s0], s1  }
0x9d: {  	s0 =	simm.s32 @!p0 $0x2  }
0x9e: {  	_ =	swait.ge @!p0 [sflag:s0], s1  }
0x9f: {  	s1 =	ssub.s32 @!p0 $0x0, s1;
	[sflag:s0] =	ssyncset.done @!p0 $0x0  }
0xa0: {  	[sflag:s0] =	ssyncadd.s32 @!p0 s1  }
0xa1: {  	[bflag:$0x3] =	sbarrier.arrive $0xFFFF  }
0xa2: {  	_ =	shalt  }

</sc_bundles>
